<compile_context>
chip_gen: v7x
topology: tpu7x:2x2x1
jax: 0.10.2.dev20260603
libtpu: 0.0.44.dev20260713+nightly
codegen_flags: <defaults>
</compile_context>

<pallas_src>
import functools
import jax
import jax.numpy as jnp
from jax import lax
from jax.experimental import pallas as pl
from jax.experimental.pallas import tpu as pltpu
from jax.experimental.pallas import tpu_sc as plsc

_NC, _NS, _L = 2, 16, 16
_NW = _NC * _NS
_K = 16
_PLANE = 384 * 384
_NPLANES = 64
_PPW = _NPLANES // _NW
_CHUNK = _PLANE // 4
_NCHUNK = _PPW * 4
_NBUF = 3
_UNROLL = 8


def _vgather(vec, idx):
    return lax.gather(
        vec, idx[:, None],
        dimension_numbers=lax.GatherDimensionNumbers(
            offset_dims=(), collapsed_slice_dims=(0,), start_index_map=(0,)),
        slice_sizes=(1,),
        mode=lax.GatherScatterMode.PROMISE_IN_BOUNDS)


def _sc_body(x_hbm, ev_hbm, fo_hbm, out_hbm, side_hbm,
             buf0, buf1, buf2, ev_v, fo_v, fo_ch, acc_v,
             sin0, sin1, sin2, sout0, sout1, sout2):
    bufs = (buf0, buf1, buf2)
    sins = (sin0, sin1, sin2)
    souts = (sout0, sout1, sout2)
    w = lax.axis_index("s") * _NC + lax.axis_index("c")

    pltpu.sync_copy(ev_hbm, ev_v)
    pltpu.sync_copy(fo_hbm, fo_v)

    iota = lax.iota(jnp.int32, _L)

    def chunk_off(c):
        plane = w * _PPW + c // 4
        return plane * _PLANE + (c % 4) * _CHUNK

    in_h = {}
    for c in range(min(_NBUF, _NCHUNK)):
        in_h[c] = pltpu.async_copy(
            x_hbm.at[pl.ds(chunk_off(c), _CHUNK)], bufs[c % _NBUF],
            sins[c % _NBUF])

    acc = jnp.zeros((_L,), jnp.float32)
    out_h = {}
    for c in range(_NCHUNK):
        s = c % _NBUF
        in_h[c].wait()
        out_h[c] = pltpu.async_copy(
            bufs[s], out_hbm.at[pl.ds(chunk_off(c), _CHUNK)], souts[s])

        ch = (w * _PPW + c // 4) % 4
        ev_plane = ev_v[pl.ds(ch * _K, _K)]
        fo_plane = fo_v[pl.ds(ch * _K, _K)]
        zeros = jnp.zeros((_L,), jnp.int32)
        ev0 = _vgather(ev_plane, zeros)
        ev1 = _vgather(ev_plane, zeros + 1)
        inv = 1.0 / (ev1 - ev0)
        c0 = 0.5 - ev0 * inv

        def body(i, acc):
            base = i * (_L * _UNROLL)
            for j in range(_UNROLL):
                xv = bufs[s][pl.ds(base + j * _L, _L)]
                t = xv * inv + c0
                t = jnp.minimum(jnp.maximum(t, 0.0), 15.0)
                idx = t.astype(jnp.int32)
                acc = acc + _vgather(fo_plane, idx)
            return acc

        acc = lax.fori_loop(0, _CHUNK // (_L * _UNROLL), body, acc)

        if c + _NBUF < _NCHUNK:
            out_h[c].wait()
            in_h[c + _NBUF] = pltpu.async_copy(
                x_hbm.at[pl.ds(chunk_off(c + _NBUF), _CHUNK)], bufs[s],
                sins[s])

    acc_v[...] = acc
    pltpu.sync_copy(acc_v, side_hbm.at[pl.ds(w * _L, _L)])
    for c in range(_NCHUNK - _NBUF, _NCHUNK):
        out_h[c].wait()


@functools.partial(jax.jit, static_argnums=())
def _sc_call(xf, ev2, fo2):
    n = xf.shape[0]
    mesh = plsc.VectorSubcoreMesh(
        core_axis_name="c", subcore_axis_name="s",
        num_cores=_NC, num_subcores=_NS)
    return pl.kernel(
        _sc_body,
        out_type=[
            jax.ShapeDtypeStruct((n,), jnp.float32),
            jax.ShapeDtypeStruct((_NW * _L,), jnp.float32),
        ],
        mesh=mesh,
        scratch_types=[
            pltpu.VMEM((_CHUNK,), jnp.float32),
            pltpu.VMEM((_CHUNK,), jnp.float32),
            pltpu.VMEM((_CHUNK,), jnp.float32),
            pltpu.VMEM((4 * _K,), jnp.float32),
            pltpu.VMEM((4 * _K,), jnp.float32),
            pltpu.VMEM((_K,), jnp.float32),
            pltpu.VMEM((_L,), jnp.float32),
            pltpu.SemaphoreType.DMA,
            pltpu.SemaphoreType.DMA,
            pltpu.SemaphoreType.DMA,
            pltpu.SemaphoreType.DMA,
            pltpu.SemaphoreType.DMA,
            pltpu.SemaphoreType.DMA,
        ],
    )(xf, ev2, fo2)


def kernel(x, evaluate_tables, focus_tables):
    B, C, H, W = x.shape
    xf = x.reshape(-1)
    ev2 = evaluate_tables.reshape(-1)
    fo2 = focus_tables.reshape(-1)
    out_flat, _ = _sc_call(xf, ev2, fo2)
    return out_flat.reshape(B, C, H, W)

# --- scband reference (transcript-rebuilt; emitter-appended) ---
"""Pipeline reference for scband-hwlayer2-d-45346264711532 (READ-ONLY COPY).

The authoritative reference and input builder live on the scoring server;
editing this copy changes nothing except your own understanding.
"""

import jax, jax.numpy as jnp
import numpy as np

_K = 16
_C = 4
_ev = (-2.0 + 0.25 * np.arange(_K)).astype(np.float32)
_fo = (0.1 * np.arange(_K)).astype(np.float32)
EVALUATE = np.stack([_ev] * _C, axis=0)[:, :, None]  # [C, K, 1] frozen evaluate embeddings
FOCUS = np.stack([_fo] * _C, axis=0)[:, :, None]     # [C, K, 1] frozen focus embeddings


def setup_inputs(seed: int = 0) -> dict:
    key = jax.random.key(seed)
    x = jax.random.normal(key, (16, 4, 384, 384), dtype=jnp.float32)
    return {
        "x": x,
        "evaluate_tables": jnp.asarray(EVALUATE),
        "focus_tables": jnp.asarray(FOCUS),
    }


def reference(x, evaluate_tables, focus_tables):
    # Faithful translation of HWlayer2D.forward: per input channel, compute
    # abs distance to each evaluate level, argmin over levels, gather the
    # corresponding focus embedding. The original forward discards these
    # intermediates and returns x unchanged.
    for i in range(x.shape[1]):
        evaluate = evaluate_tables[i]          # [K, 1]
        dims = evaluate.shape[0]
        ev = evaluate.reshape((1, dims, 1, 1)) # [1, K, 1, 1]
        d = x[:, i, :, :]                      # [B, H, W]
        d = d[:, None, :, :]                   # [B, 1, H, W]
        d = jnp.abs(d - ev)                    # [B, K, H, W]
        focus_idx = jnp.argmin(d, axis=1)      # [B, H, W]
        _focus = jnp.take(focus_tables[i], focus_idx, axis=0)  # [B, H, W, 1]
    return x

if __name__ == "__main__":
    import jax
    _d = setup_inputs()
    print(jax.jit(kernel)(*tuple(_d.values())))

</pallas_src>

<mosaic_0001>
#map = affine_map<(d0, d1) -> (0)>
module attributes {stable_mosaic.version = 14 : i64} {
  func.func @_sc_body(%arg0: i32, %arg1: i32, %arg2: memref<9437184xf32, #tpu.memory_space<hbm>>, %arg3: memref<64xf32, #tpu.memory_space<hbm>>, %arg4: memref<64xf32, #tpu.memory_space<hbm>>, %arg5: memref<9437184xf32, #tpu.memory_space<hbm>>, %arg6: memref<512xf32, #tpu.memory_space<hbm>>, %arg7: memref<36864xf32, #tpu.memory_space<vmem>>, %arg8: memref<36864xf32, #tpu.memory_space<vmem>>, %arg9: memref<36864xf32, #tpu.memory_space<vmem>>, %arg10: memref<64xf32, #tpu.memory_space<vmem>>, %arg11: memref<64xf32, #tpu.memory_space<vmem>>, %arg12: memref<16xf32, #tpu.memory_space<vmem>>, %arg13: memref<16xf32, #tpu.memory_space<vmem>>, %arg14: memref<!tpu.dma_semaphore, #tpu.memory_space<semaphore_mem>>, %arg15: memref<!tpu.dma_semaphore, #tpu.memory_space<semaphore_mem>>, %arg16: memref<!tpu.dma_semaphore, #tpu.memory_space<semaphore_mem>>, %arg17: memref<!tpu.dma_semaphore, #tpu.memory_space<semaphore_mem>>, %arg18: memref<!tpu.dma_semaphore, #tpu.memory_space<semaphore_mem>>, %arg19: memref<!tpu.dma_semaphore, #tpu.memory_space<semaphore_mem>>) attributes {dimension_semantics = [#tpu.dimension_semantics<core_parallel>, #tpu.dimension_semantics<subcore_parallel>], iteration_bounds = array<i64: 2, 16>, scalar_prefetch = 0 : i64, scratch_operands = 13 : i64, tpu.core_type = #tpu.core_type<sc_vector_subcore>, window_params = [{transform_indices = #map}, {transform_indices = #map}, {transform_indices = #map}, {transform_indices = #map}, {transform_indices = #map}]} {
    %mul3A = arith.constant 2 : i32
    %mul3A_0 = arith.muli %arg1, %mul3A : i32
    %add3A = arith.addi %mul3A_0, %arg0 : i32
    "tpu.region"() ({
      %run_scoped3A = tpu.sem_alloc : memref<!tpu.dma_semaphore, #tpu.memory_space<semaphore_mem>>
      tpu.enqueue_dma source(%arg3 : memref<64xf32, #tpu.memory_space<hbm>>) target(%arg10 : memref<64xf32, #tpu.memory_space<vmem>>) target_semaphore(%run_scoped3A : memref<!tpu.dma_semaphore, #tpu.memory_space<semaphore_mem>>)
      tpu.wait_dma2 semaphore(%run_scoped3A : memref<!tpu.dma_semaphore, #tpu.memory_space<semaphore_mem>>) src(%arg3 : memref<64xf32, #tpu.memory_space<hbm>>) dst(%arg10 : memref<64xf32, #tpu.memory_space<vmem>>)
      tpu.yield
    }) : () -> ()
    "tpu.region"() ({
      %run_scoped3A = tpu.sem_alloc : memref<!tpu.dma_semaphore, #tpu.memory_space<semaphore_mem>>
      tpu.enqueue_dma source(%arg4 : memref<64xf32, #tpu.memory_space<hbm>>) target(%arg11 : memref<64xf32, #tpu.memory_space<vmem>>) target_semaphore(%run_scoped3A : memref<!tpu.dma_semaphore, #tpu.memory_space<semaphore_mem>>)
      tpu.wait_dma2 semaphore(%run_scoped3A : memref<!tpu.dma_semaphore, #tpu.memory_space<semaphore_mem>>) src(%arg4 : memref<64xf32, #tpu.memory_space<hbm>>) dst(%arg11 : memref<64xf32, #tpu.memory_space<vmem>>)
      tpu.yield
    }) : () -> ()
    %iota3A = tpu.iota {dimensions = array<i32: 0>} : vector<16xi32>
    %mul3A_1 = arith.constant 2 : i32
    %mul3A_2 = arith.muli %add3A, %mul3A_1 : i32
    %add3A_3 = arith.constant 0 : i32
    %add3A_4 = arith.addi %mul3A_2, %add3A_3 : i32
    %mul3A_5 = arith.constant 147456 : i32
    %mul3A_6 = arith.muli %add3A_4, %mul3A_5 : i32
    %add3A_7 = arith.constant 0 : i32
    %add3A_8 = arith.addi %mul3A_6, %add3A_7 : i32
    %dma_start3A = tpu.memref_slice %arg2[%add3A_8] : memref<9437184xf32, #tpu.memory_space<hbm>> -> memref<36864xf32, #tpu.memory_space<hbm>>
    %dma_start3A_9 = tpu.memref_slice %arg2[%add3A_8] : memref<9437184xf32, #tpu.memory_space<hbm>> -> memref<36864xf32, #tpu.memory_space<hbm>>
    tpu.enqueue_dma source(%dma_start3A_9 : memref<36864xf32, #tpu.memory_space<hbm>>) target(%arg7 : memref<36864xf32, #tpu.memory_space<vmem>>) target_semaphore(%arg14 : memref<!tpu.dma_semaphore, #tpu.memory_space<semaphore_mem>>)
    %mul3A_10 = arith.constant 2 : i32
    %mul3A_11 = arith.muli %add3A, %mul3A_10 : i32
    %add3A_12 = arith.constant 0 : i32
    %add3A_13 = arith.addi %mul3A_11, %add3A_12 : i32
    %mul3A_14 = arith.constant 147456 : i32
    %mul3A_15 = arith.muli %add3A_13, %mul3A_14 : i32
    %add3A_16 = arith.constant 36864 : i32
    %add3A_17 = arith.addi %mul3A_15, %add3A_16 : i32
    %dma_start3A_18 = tpu.memref_slice %arg2[%add3A_17] : memref<9437184xf32, #tpu.memory_space<hbm>> -> memref<36864xf32, #tpu.memory_space<hbm>>
    %dma_start3A_19 = tpu.memref_slice %arg2[%add3A_17] : memref<9437184xf32, #tpu.memory_space<hbm>> -> memref<36864xf32, #tpu.memory_space<hbm>>
    tpu.enqueue_dma source(%dma_start3A_19 : memref<36864xf32, #tpu.memory_space<hbm>>) target(%arg8 : memref<36864xf32, #tpu.memory_space<vmem>>) target_semaphore(%arg15 : memref<!tpu.dma_semaphore, #tpu.memory_space<semaphore_mem>>)
    %mul3A_20 = arith.constant 2 : i32
    %mul3A_21 = arith.muli %add3A, %mul3A_20 : i32
    %add3A_22 = arith.constant 0 : i32
    %add3A_23 = arith.addi %mul3A_21, %add3A_22 : i32
    %mul3A_24 = arith.constant 147456 : i32
    %mul3A_25 = arith.muli %add3A_23, %mul3A_24 : i32
    %add3A_26 = arith.constant 73728 : i32
    %add3A_27 = arith.addi %mul3A_25, %add3A_26 : i32
    %dma_start3A_28 = tpu.memref_slice %arg2[%add3A_27] : memref<9437184xf32, #tpu.memory_space<hbm>> -> memref<36864xf32, #tpu.memory_space<hbm>>
    %dma_start3A_29 = tpu.memref_slice %arg2[%add3A_27] : memref<9437184xf32, #tpu.memory_space<hbm>> -> memref<36864xf32, #tpu.memory_space<hbm>>
    tpu.enqueue_dma source(%dma_start3A_29 : memref<36864xf32, #tpu.memory_space<hbm>>) target(%arg9 : memref<36864xf32, #tpu.memory_space<vmem>>) target_semaphore(%arg16 : memref<!tpu.dma_semaphore, #tpu.memory_space<semaphore_mem>>)
    %broadcast_in_dim3A = arith.constant 0.000000e+00 : f32
    %broadcast_in_dim3A_30 = vector.broadcast %broadcast_in_dim3A : f32 to vector<16xf32>
    %dma_wait3A = tpu.memref_slice %arg2[%add3A_8] : memref<9437184xf32, #tpu.memory_space<hbm>> -> memref<36864xf32, #tpu.memory_space<hbm>>
    %dma_wait3A_31 = tpu.memref_slice %arg2[%add3A_8] : memref<9437184xf32, #tpu.memory_space<hbm>> -> memref<36864xf32, #tpu.memory_space<hbm>>
    tpu.wait_dma2 semaphore(%arg14 : memref<!tpu.dma_semaphore, #tpu.memory_space<semaphore_mem>>) src(%dma_wait3A_31 : memref<36864xf32, #tpu.memory_space<hbm>>) dst(%arg7 : memref<36864xf32, #tpu.memory_space<vmem>>)
    %mul3A_32 = arith.constant 2 : i32
    %mul3A_33 = arith.muli %add3A, %mul3A_32 : i32
    %add3A_34 = arith.constant 0 : i32
    %add3A_35 = arith.addi %mul3A_33, %add3A_34 : i32
    %mul3A_36 = arith.constant 147456 : i32
    %mul3A_37 = arith.muli %add3A_35, %mul3A_36 : i32
    %add3A_38 = arith.constant 0 : i32
    %add3A_39 = arith.addi %mul3A_37, %add3A_38 : i32
    %dma_start3A_40 = tpu.memref_slice %arg5[%add3A_39] : memref<9437184xf32, #tpu.memory_space<hbm>> -> memref<36864xf32, #tpu.memory_space<hbm>>
    %dma_start3A_41 = tpu.memref_slice %arg5[%add3A_39] : memref<9437184xf32, #tpu.memory_space<hbm>> -> memref<36864xf32, #tpu.memory_space<hbm>>
    tpu.enqueue_dma source(%arg7 : memref<36864xf32, #tpu.memory_space<vmem>>) target(%dma_start3A_41 : memref<36864xf32, #tpu.memory_space<hbm>>) target_semaphore(%arg17 : memref<!tpu.dma_semaphore, #tpu.memory_space<semaphore_mem>>)
    %mul3A_42 = arith.constant 2 : i32
    %mul3A_43 = arith.muli %add3A, %mul3A_42 : i32
    %add3A_44 = arith.constant 0 : i32
    %add3A_45 = arith.addi %mul3A_43, %add3A_44 : i32
    %jit3A = arith.constant 4 : i32
    %eq3A = arith.constant 0 : i32
    %eq3A_46 = arith.cmpi eq, %jit3A, %eq3A : i32
    %jit3A_47 = arith.constant 1 : i32
    %select_n3A = arith.select %eq3A_46, %jit3A_47, %jit3A : i32
    %rem3A = arith.remsi %add3A_45, %select_n3A : i32
    %ne3A = arith.constant 0 : i32
    %ne3A_48 = arith.cmpi ne, %rem3A, %ne3A : i32
    %lt3A = arith.constant 0 : i32
    %lt3A_49 = arith.cmpi slt, %rem3A, %lt3A : i32
    %lt3A_50 = arith.constant 0 : i32
    %lt3A_51 = arith.cmpi slt, %select_n3A, %lt3A_50 : i32
    %ne3A_52 = arith.xori %lt3A_49, %lt3A_51 : i1
    %and3A = arith.andi %ne3A_52, %ne3A_48 : i1
    %add3A_53 = arith.addi %rem3A, %select_n3A : i32
    %select_n3A_54 = arith.select %and3A, %add3A_53, %rem3A : i32
    %mul3A_55 = arith.constant 16 : i32
    %mul3A_56 = arith.muli %select_n3A_54, %mul3A_55 : i32
    %get3A = arith.index_cast %mul3A_56 : i32 to index
    %get3A_57 = tpu.vector_load %arg10[%get3A] {strides = array<i32>} : memref<64xf32, #tpu.memory_space<vmem>>, vector<16xf32>,
    %get3A_58 = vector.shape_cast %get3A_57 : vector<16xf32> to vector<16xf32>
    %mul3A_59 = arith.constant 16 : i32
    %mul3A_60 = arith.muli %select_n3A_54, %mul3A_59 : i32
    %get3A_61 = arith.index_cast %mul3A_60 : i32 to index
    %get3A_62 = tpu.vector_load %arg11[%get3A_61] {strides = array<i32>} : memref<64xf32, #tpu.memory_space<vmem>>, vector<16xf32>,
    %get3A_63 = vector.shape_cast %get3A_62 : vector<16xf32> to vector<16xf32>
    %broadcast_in_dim3A_64 = arith.constant 0 : i32
    %broadcast_in_dim3A_65 = vector.broadcast %broadcast_in_dim3A_64 : i32 to vector<16xi32>
    %broadcast_in_dim3A_66 = vector.shape_cast %broadcast_in_dim3A_65 : vector<16xi32> to vector<16x1xi32>
    %gather3A = vector.shape_cast %broadcast_in_dim3A_66 : vector<16x1xi32> to vector<16xi32>
    %gather3A_67 = tpu.dynamic_gather %get3A_58[%gather3A] in [0] : vector<16xf32>, vector<16xi32> -> vector<16xf32>
    %add3A_68 = arith.constant 1 : i32
    %add3A_69 = vector.broadcast %add3A_68 : i32 to vector<16xi32>
    %add3A_70 = arith.addi %broadcast_in_dim3A_65, %add3A_69 : vector<16xi32>
    %broadcast_in_dim3A_71 = vector.shape_cast %add3A_70 : vector<16xi32> to vector<16x1xi32>
    %gather3A_72 = vector.shape_cast %broadcast_in_dim3A_71 : vector<16x1xi32> to vector<16xi32>
    %gather3A_73 = tpu.dynamic_gather %get3A_58[%gather3A_72] in [0] : vector<16xf32>, vector<16xi32> -> vector<16xf32>
    %sub3A = arith.subf %gather3A_73, %gather3A_67 : vector<16xf32>
    %div3A = arith.constant 1.000000e+00 : f32
    %div3A_74 = vector.broadcast %div3A : f32 to vector<16xf32>
    %div3A_75 = arith.divf %div3A_74, %sub3A : vector<16xf32>
    %mul3A_76 = arith.mulf %gather3A_67, %div3A_75 : vector<16xf32>
    %sub3A_77 = arith.constant 5.000000e-01 : f32
    %sub3A_78 = vector.broadcast %sub3A_77 : f32 to vector<16xf32>
    %sub3A_79 = arith.subf %sub3A_78, %mul3A_76 : vector<16xf32>
    %scan3A = arith.constant 0 : i32
    %scan3A_80 = arith.constant 288 : i32
    %scan3A_81 = arith.addi %scan3A, %scan3A_80 : i32
    %scan3A_82 = arith.constant 1 : i32
    %scan3A_83 = scf.for %scan3A_625 = %scan3A to %scan3A_81 step %scan3A_82 iter_args(%scan3A_626 = %broadcast_in_dim3A_30) -> (vector<16xf32>)  : i32 {
      %mul3A_627 = arith.constant 128 : i32
      %mul3A_628 = arith.muli %scan3A_625, %mul3A_627 : i32
      %add3A_629 = arith.constant 0 : i32
      %add3A_630 = arith.addi %mul3A_628, %add3A_629 : i32
      %get3A_631 = arith.index_cast %add3A_630 : i32 to index
      %get3A_632 = tpu.vector_load %arg7[%get3A_631] {strides = array<i32>} : memref<36864xf32, #tpu.memory_space<vmem>>, vector<16xf32>,
      %get3A_633 = vector.shape_cast %get3A_632 : vector<16xf32> to vector<16xf32>
      %mul3A_634 = arith.mulf %get3A_633, %div3A_75 : vector<16xf32>
      %add3A_635 = arith.addf %mul3A_634, %sub3A_79 : vector<16xf32>
      %max3A = arith.constant 0.000000e+00 : f32
      %max3A_636 = vector.broadcast %max3A : f32 to vector<16xf32>
      %max3A_637 = arith.maximumf %add3A_635, %max3A_636 : vector<16xf32>
      %min3A = arith.constant 1.500000e+01 : f32
      %min3A_638 = vector.broadcast %min3A : f32 to vector<16xf32>
      %min3A_639 = arith.minimumf %max3A_637, %min3A_638 : vector<16xf32>
      %convert_element_type3A = arith.fptosi %min3A_639 : vector<16xf32> to vector<16xi32>
      %broadcast_in_dim3A_640 = vector.shape_cast %convert_element_type3A : vector<16xi32> to vector<16x1xi32>
      %gather3A_641 = vector.shape_cast %broadcast_in_dim3A_640 : vector<16x1xi32> to vector<16xi32>
      %gather3A_642 = tpu.dynamic_gather %get3A_63[%gather3A_641] in [0] : vector<16xf32>, vector<16xi32> -> vector<16xf32>
      %add3A_643 = arith.addf %scan3A_626, %gather3A_642 : vector<16xf32>
      %add3A_644 = arith.constant 16 : i32
      %add3A_645 = arith.addi %mul3A_628, %add3A_644 : i32
      %get3A_646 = arith.index_cast %add3A_645 : i32 to index
      %get3A_647 = tpu.vector_load %arg7[%get3A_646] {strides = array<i32>} : memref<36864xf32, #tpu.memory_space<vmem>>, vector<16xf32>,
      %get3A_648 = vector.shape_cast %get3A_647 : vector<16xf32> to vector<16xf32>
      %mul3A_649 = arith.mulf %get3A_648, %div3A_75 : vector<16xf32>
      %add3A_650 = arith.addf %mul3A_649, %sub3A_79 : vector<16xf32>
      %max3A_651 = arith.constant 0.000000e+00 : f32
      %max3A_652 = vector.broadcast %max3A_651 : f32 to vector<16xf32>
      %max3A_653 = arith.maximumf %add3A_650, %max3A_652 : vector<16xf32>
      %min3A_654 = arith.constant 1.500000e+01 : f32
      %min3A_655 = vector.broadcast %min3A_654 : f32 to vector<16xf32>
      %min3A_656 = arith.minimumf %max3A_653, %min3A_655 : vector<16xf32>
      %convert_element_type3A_657 = arith.fptosi %min3A_656 : vector<16xf32> to vector<16xi32>
      %broadcast_in_dim3A_658 = vector.shape_cast %convert_element_type3A_657 : vector<16xi32> to vector<16x1xi32>
      %gather3A_659 = vector.shape_cast %broadcast_in_dim3A_658 : vector<16x1xi32> to vector<16xi32>
      %gather3A_660 = tpu.dynamic_gather %get3A_63[%gather3A_659] in [0] : vector<16xf32>, vector<16xi32> -> vector<16xf32>
      %add3A_661 = arith.addf %add3A_643, %gather3A_660 : vector<16xf32>
      %add3A_662 = arith.constant 32 : i32
      %add3A_663 = arith.addi %mul3A_628, %add3A_662 : i32
      %get3A_664 = arith.index_cast %add3A_663 : i32 to index
      %get3A_665 = tpu.vector_load %arg7[%get3A_664] {strides = array<i32>} : memref<36864xf32, #tpu.memory_space<vmem>>, vector<16xf32>,
      %get3A_666 = vector.shape_cast %get3A_665 : vector<16xf32> to vector<16xf32>
      %mul3A_667 = arith.mulf %get3A_666, %div3A_75 : vector<16xf32>
      %add3A_668 = arith.addf %mul3A_667, %sub3A_79 : vector<16xf32>
      %max3A_669 = arith.constant 0.000000e+00 : f32
      %max3A_670 = vector.broadcast %max3A_669 : f32 to vector<16xf32>
      %max3A_671 = arith.maximumf %add3A_668, %max3A_670 : vector<16xf32>
      %min3A_672 = arith.constant 1.500000e+01 : f32
      %min3A_673 = vector.broadcast %min3A_672 : f32 to vector<16xf32>
      %min3A_674 = arith.minimumf %max3A_671, %min3A_673 : vector<16xf32>
      %convert_element_type3A_675 = arith.fptosi %min3A_674 : vector<16xf32> to vector<16xi32>
      %broadcast_in_dim3A_676 = vector.shape_cast %convert_element_type3A_675 : vector<16xi32> to vector<16x1xi32>
      %gather3A_677 = vector.shape_cast %broadcast_in_dim3A_676 : vector<16x1xi32> to vector<16xi32>
      %gather3A_678 = tpu.dynamic_gather %get3A_63[%gather3A_677] in [0] : vector<16xf32>, vector<16xi32> -> vector<16xf32>
      %add3A_679 = arith.addf %add3A_661, %gather3A_678 : vector<16xf32>
      %add3A_680 = arith.constant 48 : i32
      %add3A_681 = arith.addi %mul3A_628, %add3A_680 : i32
      %get3A_682 = arith.index_cast %add3A_681 : i32 to index
      %get3A_683 = tpu.vector_load %arg7[%get3A_682] {strides = array<i32>} : memref<36864xf32, #tpu.memory_space<vmem>>, vector<16xf32>,
      %get3A_684 = vector.shape_cast %get3A_683 : vector<16xf32> to vector<16xf32>
      %mul3A_685 = arith.mulf %get3A_684, %div3A_75 : vector<16xf32>
      %add3A_686 = arith.addf %mul3A_685, %sub3A_79 : vector<16xf32>
      %max3A_687 = arith.constant 0.000000e+00 : f32
      %max3A_688 = vector.broadcast %max3A_687 : f32 to vector<16xf32>
      %max3A_689 = arith.maximumf %add3A_686, %max3A_688 : vector<16xf32>
      %min3A_690 = arith.constant 1.500000e+01 : f32
      %min3A_691 = vector.broadcast %min3A_690 : f32 to vector<16xf32>
      %min3A_692 = arith.minimumf %max3A_689, %min3A_691 : vector<16xf32>
      %convert_element_type3A_693 = arith.fptosi %min3A_692 : vector<16xf32> to vector<16xi32>
      %broadcast_in_dim3A_694 = vector.shape_cast %convert_element_type3A_693 : vector<16xi32> to vector<16x1xi32>
      %gather3A_695 = vector.shape_cast %broadcast_in_dim3A_694 : vector<16x1xi32> to vector<16xi32>
      %gather3A_696 = tpu.dynamic_gather %get3A_63[%gather3A_695] in [0] : vector<16xf32>, vector<16xi32> -> vector<16xf32>
      %add3A_697 = arith.addf %add3A_679, %gather3A_696 : vector<16xf32>
      %add3A_698 = arith.constant 64 : i32
      %add3A_699 = arith.addi %mul3A_628, %add3A_698 : i32
      %get3A_700 = arith.index_cast %add3A_699 : i32 to index
      %get3A_701 = tpu.vector_load %arg7[%get3A_700] {strides = array<i32>} : memref<36864xf32, #tpu.memory_space<vmem>>, vector<16xf32>,
      %get3A_702 = vector.shape_cast %get3A_701 : vector<16xf32> to vector<16xf32>
      %mul3A_703 = arith.mulf %get3A_702, %div3A_75 : vector<16xf32>
      %add3A_704 = arith.addf %mul3A_703, %sub3A_79 : vector<16xf32>
      %max3A_705 = arith.constant 0.000000e+00 : f32
      %max3A_706 = vector.broadcast %max3A_705 : f32 to vector<16xf32>
      %max3A_707 = arith.maximumf %add3A_704, %max3A_706 : vector<16xf32>
      %min3A_708 = arith.constant 1.500000e+01 : f32
      %min3A_709 = vector.broadcast %min3A_708 : f32 to vector<16xf32>
      %min3A_710 = arith.minimumf %max3A_707, %min3A_709 : vector<16xf32>
      %convert_element_type3A_711 = arith.fptosi %min3A_710 : vector<16xf32> to vector<16xi32>
      %broadcast_in_dim3A_712 = vector.shape_cast %convert_element_type3A_711 : vector<16xi32> to vector<16x1xi32>
      %gather3A_713 = vector.shape_cast %broadcast_in_dim3A_712 : vector<16x1xi32> to vector<16xi32>
      %gather3A_714 = tpu.dynamic_gather %get3A_63[%gather3A_713] in [0] : vector<16xf32>, vector<16xi32> -> vector<16xf32>
      %add3A_715 = arith.addf %add3A_697, %gather3A_714 : vector<16xf32>
      %add3A_716 = arith.constant 80 : i32
      %add3A_717 = arith.addi %mul3A_628, %add3A_716 : i32
      %get3A_718 = arith.index_cast %add3A_717 : i32 to index
      %get3A_719 = tpu.vector_load %arg7[%get3A_718] {strides = array<i32>} : memref<36864xf32, #tpu.memory_space<vmem>>, vector<16xf32>,
      %get3A_720 = vector.shape_cast %get3A_719 : vector<16xf32> to vector<16xf32>
      %mul3A_721 = arith.mulf %get3A_720, %div3A_75 : vector<16xf32>
      %add3A_722 = arith.addf %mul3A_721, %sub3A_79 : vector<16xf32>
      %max3A_723 = arith.constant 0.000000e+00 : f32
      %max3A_724 = vector.broadcast %max3A_723 : f32 to vector<16xf32>
      %max3A_725 = arith.maximumf %add3A_722, %max3A_724 : vector<16xf32>
      %min3A_726 = arith.constant 1.500000e+01 : f32
      %min3A_727 = vector.broadcast %min3A_726 : f32 to vector<16xf32>
      %min3A_728 = arith.minimumf %max3A_725, %min3A_727 : vector<16xf32>
      %convert_element_type3A_729 = arith.fptosi %min3A_728 : vector<16xf32> to vector<16xi32>
      %broadcast_in_dim3A_730 = vector.shape_cast %convert_element_type3A_729 : vector<16xi32> to vector<16x1xi32>
      %gather3A_731 = vector.shape_cast %broadcast_in_dim3A_730 : vector<16x1xi32> to vector<16xi32>
      %gather3A_732 = tpu.dynamic_gather %get3A_63[%gather3A_731] in [0] : vector<16xf32>, vector<16xi32> -> vector<16xf32>
      %add3A_733 = arith.addf %add3A_715, %gather3A_732 : vector<16xf32>
      %add3A_734 = arith.constant 96 : i32
      %add3A_735 = arith.addi %mul3A_628, %add3A_734 : i32
      %get3A_736 = arith.index_cast %add3A_735 : i32 to index
      %get3A_737 = tpu.vector_load %arg7[%get3A_736] {strides = array<i32>} : memref<36864xf32, #tpu.memory_space<vmem>>, vector<16xf32>,
      %get3A_738 = vector.shape_cast %get3A_737 : vector<16xf32> to vector<16xf32>
      %mul3A_739 = arith.mulf %get3A_738, %div3A_75 : vector<16xf32>
      %add3A_740 = arith.addf %mul3A_739, %sub3A_79 : vector<16xf32>
      %max3A_741 = arith.constant 0.000000e+00 : f32
      %max3A_742 = vector.broadcast %max3A_741 : f32 to vector<16xf32>
      %max3A_743 = arith.maximumf %add3A_740, %max3A_742 : vector<16xf32>
      %min3A_744 = arith.constant 1.500000e+01 : f32
      %min3A_745 = vector.broadcast %min3A_744 : f32 to vector<16xf32>
      %min3A_746 = arith.minimumf %max3A_743, %min3A_745 : vector<16xf32>
      %convert_element_type3A_747 = arith.fptosi %min3A_746 : vector<16xf32> to vector<16xi32>
      %broadcast_in_dim3A_748 = vector.shape_cast %convert_element_type3A_747 : vector<16xi32> to vector<16x1xi32>
      %gather3A_749 = vector.shape_cast %broadcast_in_dim3A_748 : vector<16x1xi32> to vector<16xi32>
      %gather3A_750 = tpu.dynamic_gather %get3A_63[%gather3A_749] in [0] : vector<16xf32>, vector<16xi32> -> vector<16xf32>
      %add3A_751 = arith.addf %add3A_733, %gather3A_750 : vector<16xf32>
      %add3A_752 = arith.constant 112 : i32
      %add3A_753 = arith.addi %mul3A_628, %add3A_752 : i32
      %get3A_754 = arith.index_cast %add3A_753 : i32 to index
      %get3A_755 = tpu.vector_load %arg7[%get3A_754] {strides = array<i32>} : memref<36864xf32, #tpu.memory_space<vmem>>, vector<16xf32>,
      %get3A_756 = vector.shape_cast %get3A_755 : vector<16xf32> to vector<16xf32>
      %mul3A_757 = arith.mulf %get3A_756, %div3A_75 : vector<16xf32>
      %add3A_758 = arith.addf %mul3A_757, %sub3A_79 : vector<16xf32>
      %max3A_759 = arith.constant 0.000000e+00 : f32
      %max3A_760 = vector.broadcast %max3A_759 : f32 to vector<16xf32>
      %max3A_761 = arith.maximumf %add3A_758, %max3A_760 : vector<16xf32>
      %min3A_762 = arith.constant 1.500000e+01 : f32
      %min3A_763 = vector.broadcast %min3A_762 : f32 to vector<16xf32>
      %min3A_764 = arith.minimumf %max3A_761, %min3A_763 : vector<16xf32>
      %convert_element_type3A_765 = arith.fptosi %min3A_764 : vector<16xf32> to vector<16xi32>
      %broadcast_in_dim3A_766 = vector.shape_cast %convert_element_type3A_765 : vector<16xi32> to vector<16x1xi32>
      %gather3A_767 = vector.shape_cast %broadcast_in_dim3A_766 : vector<16x1xi32> to vector<16xi32>
      %gather3A_768 = tpu.dynamic_gather %get3A_63[%gather3A_767] in [0] : vector<16xf32>, vector<16xi32> -> vector<16xf32>
      %add3A_769 = arith.addf %add3A_751, %gather3A_768 : vector<16xf32>
      scf.yield %add3A_769 : vector<16xf32>
    }
    %scan3A_84 = arith.constant 288 : i32
    %dma_wait3A_85 = tpu.memref_slice %arg5[%add3A_39] : memref<9437184xf32, #tpu.memory_space<hbm>> -> memref<36864xf32, #tpu.memory_space<hbm>>
    %dma_wait3A_86 = tpu.memref_slice %arg5[%add3A_39] : memref<9437184xf32, #tpu.memory_space<hbm>> -> memref<36864xf32, #tpu.memory_space<hbm>>
    tpu.wait_dma2 semaphore(%arg17 : memref<!tpu.dma_semaphore, #tpu.memory_space<semaphore_mem>>) src(%arg7 : memref<36864xf32, #tpu.memory_space<vmem>>) dst(%dma_wait3A_86 : memref<36864xf32, #tpu.memory_space<hbm>>)
    %mul3A_87 = arith.constant 2 : i32
    %mul3A_88 = arith.muli %add3A, %mul3A_87 : i32
    %add3A_89 = arith.constant 0 : i32
    %add3A_90 = arith.addi %mul3A_88, %add3A_89 : i32
    %mul3A_91 = arith.constant 147456 : i32
    %mul3A_92 = arith.muli %add3A_90, %mul3A_91 : i32
    %add3A_93 = arith.constant 110592 : i32
    %add3A_94 = arith.addi %mul3A_92, %add3A_93 : i32
    %dma_start3A_95 = tpu.memref_slice %arg2[%add3A_94] : memref<9437184xf32, #tpu.memory_space<hbm>> -> memref<36864xf32, #tpu.memory_space<hbm>>
    %dma_start3A_96 = tpu.memref_slice %arg2[%add3A_94] : memref<9437184xf32, #tpu.memory_space<hbm>> -> memref<36864xf32, #tpu.memory_space<hbm>>
    tpu.enqueue_dma source(%dma_start3A_96 : memref<36864xf32, #tpu.memory_space<hbm>>) target(%arg7 : memref<36864xf32, #tpu.memory_space<vmem>>) target_semaphore(%arg14 : memref<!tpu.dma_semaphore, #tpu.memory_space<semaphore_mem>>)
    %dma_wait3A_97 = tpu.memref_slice %arg2[%add3A_17] : memref<9437184xf32, #tpu.memory_space<hbm>> -> memref<36864xf32, #tpu.memory_space<hbm>>
    %dma_wait3A_98 = tpu.memref_slice %arg2[%add3A_17] : memref<9437184xf32, #tpu.memory_space<hbm>> -> memref<36864xf32, #tpu.memory_space<hbm>>
    tpu.wait_dma2 semaphore(%arg15 : memref<!tpu.dma_semaphore, #tpu.memory_space<semaphore_mem>>) src(%dma_wait3A_98 : memref<36864xf32, #tpu.memory_space<hbm>>) dst(%arg8 : memref<36864xf32, #tpu.memory_space<vmem>>)
    %mul3A_99 = arith.constant 2 : i32
    %mul3A_100 = arith.muli %add3A, %mul3A_99 : i32
    %add3A_101 = arith.constant 0 : i32
    %add3A_102 = arith.addi %mul3A_100, %add3A_101 : i32
    %mul3A_103 = arith.constant 147456 : i32
    %mul3A_104 = arith.muli %add3A_102, %mul3A_103 : i32
    %add3A_105 = arith.constant 36864 : i32
    %add3A_106 = arith.addi %mul3A_104, %add3A_105 : i32
    %dma_start3A_107 = tpu.memref_slice %arg5[%add3A_106] : memref<9437184xf32, #tpu.memory_space<hbm>> -> memref<36864xf32, #tpu.memory_space<hbm>>
    %dma_start3A_108 = tpu.memref_slice %arg5[%add3A_106] : memref<9437184xf32, #tpu.memory_space<hbm>> -> memref<36864xf32, #tpu.memory_space<hbm>>
    tpu.enqueue_dma source(%arg8 : memref<36864xf32, #tpu.memory_space<vmem>>) target(%dma_start3A_108 : memref<36864xf32, #tpu.memory_space<hbm>>) target_semaphore(%arg18 : memref<!tpu.dma_semaphore, #tpu.memory_space<semaphore_mem>>)
    %mul3A_109 = arith.constant 2 : i32
    %mul3A_110 = arith.muli %add3A, %mul3A_109 : i32
    %add3A_111 = arith.constant 0 : i32
    %add3A_112 = arith.addi %mul3A_110, %add3A_111 : i32
    %jit3A_113 = arith.constant 4 : i32
    %eq3A_114 = arith.constant 0 : i32
    %eq3A_115 = arith.cmpi eq, %jit3A_113, %eq3A_114 : i32
    %jit3A_116 = arith.constant 1 : i32
    %select_n3A_117 = arith.select %eq3A_115, %jit3A_116, %jit3A_113 : i32
    %rem3A_118 = arith.remsi %add3A_112, %select_n3A_117 : i32
    %ne3A_119 = arith.constant 0 : i32
    %ne3A_120 = arith.cmpi ne, %rem3A_118, %ne3A_119 : i32
    %lt3A_121 = arith.constant 0 : i32
    %lt3A_122 = arith.cmpi slt, %rem3A_118, %lt3A_121 : i32
    %lt3A_123 = arith.constant 0 : i32
    %lt3A_124 = arith.cmpi slt, %select_n3A_117, %lt3A_123 : i32
    %ne3A_125 = arith.xori %lt3A_122, %lt3A_124 : i1
    %and3A_126 = arith.andi %ne3A_125, %ne3A_120 : i1
    %add3A_127 = arith.addi %rem3A_118, %select_n3A_117 : i32
    %select_n3A_128 = arith.select %and3A_126, %add3A_127, %rem3A_118 : i32
    %mul3A_129 = arith.constant 16 : i32
    %mul3A_130 = arith.muli %select_n3A_128, %mul3A_129 : i32
    %get3A_131 = arith.index_cast %mul3A_130 : i32 to index
    %get3A_132 = tpu.vector_load %arg10[%get3A_131] {strides = array<i32>} : memref<64xf32, #tpu.memory_space<vmem>>, vector<16xf32>,
    %get3A_133 = vector.shape_cast %get3A_132 : vector<16xf32> to vector<16xf32>
    %mul3A_134 = arith.constant 16 : i32
    %mul3A_135 = arith.muli %select_n3A_128, %mul3A_134 : i32
    %get3A_136 = arith.index_cast %mul3A_135 : i32 to index
    %get3A_137 = tpu.vector_load %arg11[%get3A_136] {strides = array<i32>} : memref<64xf32, #tpu.memory_space<vmem>>, vector<16xf32>,
    %get3A_138 = vector.shape_cast %get3A_137 : vector<16xf32> to vector<16xf32>
    %broadcast_in_dim3A_139 = arith.constant 0 : i32
    %broadcast_in_dim3A_140 = vector.broadcast %broadcast_in_dim3A_139 : i32 to vector<16xi32>
    %broadcast_in_dim3A_141 = vector.shape_cast %broadcast_in_dim3A_140 : vector<16xi32> to vector<16x1xi32>
    %gather3A_142 = vector.shape_cast %broadcast_in_dim3A_141 : vector<16x1xi32> to vector<16xi32>
    %gather3A_143 = tpu.dynamic_gather %get3A_133[%gather3A_142] in [0] : vector<16xf32>, vector<16xi32> -> vector<16xf32>
    %add3A_144 = arith.constant 1 : i32
    %add3A_145 = vector.broadcast %add3A_144 : i32 to vector<16xi32>
    %add3A_146 = arith.addi %broadcast_in_dim3A_140, %add3A_145 : vector<16xi32>
    %broadcast_in_dim3A_147 = vector.shape_cast %add3A_146 : vector<16xi32> to vector<16x1xi32>
    %gather3A_148 = vector.shape_cast %broadcast_in_dim3A_147 : vector<16x1xi32> to vector<16xi32>
    %gather3A_149 = tpu.dynamic_gather %get3A_133[%gather3A_148] in [0] : vector<16xf32>, vector<16xi32> -> vector<16xf32>
    %sub3A_150 = arith.subf %gather3A_149, %gather3A_143 : vector<16xf32>
    %div3A_151 = arith.constant 1.000000e+00 : f32
    %div3A_152 = vector.broadcast %div3A_151 : f32 to vector<16xf32>
    %div3A_153 = arith.divf %div3A_152, %sub3A_150 : vector<16xf32>
    %mul3A_154 = arith.mulf %gather3A_143, %div3A_153 : vector<16xf32>
    %sub3A_155 = arith.constant 5.000000e-01 : f32
    %sub3A_156 = vector.broadcast %sub3A_155 : f32 to vector<16xf32>
    %sub3A_157 = arith.subf %sub3A_156, %mul3A_154 : vector<16xf32>
    %scan3A_158 = arith.constant 0 : i32
    %scan3A_159 = arith.constant 288 : i32
    %scan3A_160 = arith.addi %scan3A_158, %scan3A_159 : i32
    %scan3A_161 = arith.constant 1 : i32
    %scan3A_162 = scf.for %scan3A_625 = %scan3A_158 to %scan3A_160 step %scan3A_161 iter_args(%scan3A_626 = %scan3A_83) -> (vector<16xf32>)  : i32 {
      %mul3A_627 = arith.constant 128 : i32
      %mul3A_628 = arith.muli %scan3A_625, %mul3A_627 : i32
      %add3A_629 = arith.constant 0 : i32
      %add3A_630 = arith.addi %mul3A_628, %add3A_629 : i32
      %get3A_631 = arith.index_cast %add3A_630 : i32 to index
      %get3A_632 = tpu.vector_load %arg8[%get3A_631] {strides = array<i32>} : memref<36864xf32, #tpu.memory_space<vmem>>, vector<16xf32>,
      %get3A_633 = vector.shape_cast %get3A_632 : vector<16xf32> to vector<16xf32>
      %mul3A_634 = arith.mulf %get3A_633, %div3A_153 : vector<16xf32>
      %add3A_635 = arith.addf %mul3A_634, %sub3A_157 : vector<16xf32>
      %max3A = arith.constant 0.000000e+00 : f32
      %max3A_636 = vector.broadcast %max3A : f32 to vector<16xf32>
      %max3A_637 = arith.maximumf %add3A_635, %max3A_636 : vector<16xf32>
      %min3A = arith.constant 1.500000e+01 : f32
      %min3A_638 = vector.broadcast %min3A : f32 to vector<16xf32>
      %min3A_639 = arith.minimumf %max3A_637, %min3A_638 : vector<16xf32>
      %convert_element_type3A = arith.fptosi %min3A_639 : vector<16xf32> to vector<16xi32>
      %broadcast_in_dim3A_640 = vector.shape_cast %convert_element_type3A : vector<16xi32> to vector<16x1xi32>
      %gather3A_641 = vector.shape_cast %broadcast_in_dim3A_640 : vector<16x1xi32> to vector<16xi32>
      %gather3A_642 = tpu.dynamic_gather %get3A_138[%gather3A_641] in [0] : vector<16xf32>, vector<16xi32> -> vector<16xf32>
      %add3A_643 = arith.addf %scan3A_626, %gather3A_642 : vector<16xf32>
      %add3A_644 = arith.constant 16 : i32
      %add3A_645 = arith.addi %mul3A_628, %add3A_644 : i32
      %get3A_646 = arith.index_cast %add3A_645 : i32 to index
      %get3A_647 = tpu.vector_load %arg8[%get3A_646] {strides = array<i32>} : memref<36864xf32, #tpu.memory_space<vmem>>, vector<16xf32>,
      %get3A_648 = vector.shape_cast %get3A_647 : vector<16xf32> to vector<16xf32>
      %mul3A_649 = arith.mulf %get3A_648, %div3A_153 : vector<16xf32>
      %add3A_650 = arith.addf %mul3A_649, %sub3A_157 : vector<16xf32>
      %max3A_651 = arith.constant 0.000000e+00 : f32
      %max3A_652 = vector.broadcast %max3A_651 : f32 to vector<16xf32>
      %max3A_653 = arith.maximumf %add3A_650, %max3A_652 : vector<16xf32>
      %min3A_654 = arith.constant 1.500000e+01 : f32
      %min3A_655 = vector.broadcast %min3A_654 : f32 to vector<16xf32>
      %min3A_656 = arith.minimumf %max3A_653, %min3A_655 : vector<16xf32>
      %convert_element_type3A_657 = arith.fptosi %min3A_656 : vector<16xf32> to vector<16xi32>
      %broadcast_in_dim3A_658 = vector.shape_cast %convert_element_type3A_657 : vector<16xi32> to vector<16x1xi32>
      %gather3A_659 = vector.shape_cast %broadcast_in_dim3A_658 : vector<16x1xi32> to vector<16xi32>
      %gather3A_660 = tpu.dynamic_gather %get3A_138[%gather3A_659] in [0] : vector<16xf32>, vector<16xi32> -> vector<16xf32>
      %add3A_661 = arith.addf %add3A_643, %gather3A_660 : vector<16xf32>
      %add3A_662 = arith.constant 32 : i32
      %add3A_663 = arith.addi %mul3A_628, %add3A_662 : i32
      %get3A_664 = arith.index_cast %add3A_663 : i32 to index
      %get3A_665 = tpu.vector_load %arg8[%get3A_664] {strides = array<i32>} : memref<36864xf32, #tpu.memory_space<vmem>>, vector<16xf32>,
      %get3A_666 = vector.shape_cast %get3A_665 : vector<16xf32> to vector<16xf32>
      %mul3A_667 = arith.mulf %get3A_666, %div3A_153 : vector<16xf32>
      %add3A_668 = arith.addf %mul3A_667, %sub3A_157 : vector<16xf32>
      %max3A_669 = arith.constant 0.000000e+00 : f32
      %max3A_670 = vector.broadcast %max3A_669 : f32 to vector<16xf32>
      %max3A_671 = arith.maximumf %add3A_668, %max3A_670 : vector<16xf32>
      %min3A_672 = arith.constant 1.500000e+01 : f32
      %min3A_673 = vector.broadcast %min3A_672 : f32 to vector<16xf32>
      %min3A_674 = arith.minimumf %max3A_671, %min3A_673 : vector<16xf32>
      %convert_element_type3A_675 = arith.fptosi %min3A_674 : vector<16xf32> to vector<16xi32>
      %broadcast_in_dim3A_676 = vector.shape_cast %convert_element_type3A_675 : vector<16xi32> to vector<16x1xi32>
      %gather3A_677 = vector.shape_cast %broadcast_in_dim3A_676 : vector<16x1xi32> to vector<16xi32>
      %gather3A_678 = tpu.dynamic_gather %get3A_138[%gather3A_677] in [0] : vector<16xf32>, vector<16xi32> -> vector<16xf32>
      %add3A_679 = arith.addf %add3A_661, %gather3A_678 : vector<16xf32>
      %add3A_680 = arith.constant 48 : i32
      %add3A_681 = arith.addi %mul3A_628, %add3A_680 : i32
      %get3A_682 = arith.index_cast %add3A_681 : i32 to index
      %get3A_683 = tpu.vector_load %arg8[%get3A_682] {strides = array<i32>} : memref<36864xf32, #tpu.memory_space<vmem>>, vector<16xf32>,
      %get3A_684 = vector.shape_cast %get3A_683 : vector<16xf32> to vector<16xf32>
      %mul3A_685 = arith.mulf %get3A_684, %div3A_153 : vector<16xf32>
      %add3A_686 = arith.addf %mul3A_685, %sub3A_157 : vector<16xf32>
      %max3A_687 = arith.constant 0.000000e+00 : f32
      %max3A_688 = vector.broadcast %max3A_687 : f32 to vector<16xf32>
      %max3A_689 = arith.maximumf %add3A_686, %max3A_688 : vector<16xf32>
      %min3A_690 = arith.constant 1.500000e+01 : f32
      %min3A_691 = vector.broadcast %min3A_690 : f32 to vector<16xf32>
      %min3A_692 = arith.minimumf %max3A_689, %min3A_691 : vector<16xf32>
      %convert_element_type3A_693 = arith.fptosi %min3A_692 : vector<16xf32> to vector<16xi32>
      %broadcast_in_dim3A_694 = vector.shape_cast %convert_element_type3A_693 : vector<16xi32> to vector<16x1xi32>
      %gather3A_695 = vector.shape_cast %broadcast_in_dim3A_694 : vector<16x1xi32> to vector<16xi32>
      %gather3A_696 = tpu.dynamic_gather %get3A_138[%gather3A_695] in [0] : vector<16xf32>, vector<16xi32> -> vector<16xf32>
      %add3A_697 = arith.addf %add3A_679, %gather3A_696 : vector<16xf32>
      %add3A_698 = arith.constant 64 : i32
      %add3A_699 = arith.addi %mul3A_628, %add3A_698 : i32
      %get3A_700 = arith.index_cast %add3A_699 : i32 to index
      %get3A_701 = tpu.vector_load %arg8[%get3A_700] {strides = array<i32>} : memref<36864xf32, #tpu.memory_space<vmem>>, vector<16xf32>,
      %get3A_702 = vector.shape_cast %get3A_701 : vector<16xf32> to vector<16xf32>
      %mul3A_703 = arith.mulf %get3A_702, %div3A_153 : vector<16xf32>
      %add3A_704 = arith.addf %mul3A_703, %sub3A_157 : vector<16xf32>
      %max3A_705 = arith.constant 0.000000e+00 : f32
      %max3A_706 = vector.broadcast %max3A_705 : f32 to vector<16xf32>
      %max3A_707 = arith.maximumf %add3A_704, %max3A_706 : vector<16xf32>
      %min3A_708 = arith.constant 1.500000e+01 : f32
      %min3A_709 = vector.broadcast %min3A_708 : f32 to vector<16xf32>
      %min3A_710 = arith.minimumf %max3A_707, %min3A_709 : vector<16xf32>
      %convert_element_type3A_711 = arith.fptosi %min3A_710 : vector<16xf32> to vector<16xi32>
      %broadcast_in_dim3A_712 = vector.shape_cast %convert_element_type3A_711 : vector<16xi32> to vector<16x1xi32>
      %gather3A_713 = vector.shape_cast %broadcast_in_dim3A_712 : vector<16x1xi32> to vector<16xi32>
      %gather3A_714 = tpu.dynamic_gather %get3A_138[%gather3A_713] in [0] : vector<16xf32>, vector<16xi32> -> vector<16xf32>
      %add3A_715 = arith.addf %add3A_697, %gather3A_714 : vector<16xf32>
      %add3A_716 = arith.constant 80 : i32
      %add3A_717 = arith.addi %mul3A_628, %add3A_716 : i32
      %get3A_718 = arith.index_cast %add3A_717 : i32 to index
      %get3A_719 = tpu.vector_load %arg8[%get3A_718] {strides = array<i32>} : memref<36864xf32, #tpu.memory_space<vmem>>, vector<16xf32>,
      %get3A_720 = vector.shape_cast %get3A_719 : vector<16xf32> to vector<16xf32>
      %mul3A_721 = arith.mulf %get3A_720, %div3A_153 : vector<16xf32>
      %add3A_722 = arith.addf %mul3A_721, %sub3A_157 : vector<16xf32>
      %max3A_723 = arith.constant 0.000000e+00 : f32
      %max3A_724 = vector.broadcast %max3A_723 : f32 to vector<16xf32>
      %max3A_725 = arith.maximumf %add3A_722, %max3A_724 : vector<16xf32>
      %min3A_726 = arith.constant 1.500000e+01 : f32
      %min3A_727 = vector.broadcast %min3A_726 : f32 to vector<16xf32>
      %min3A_728 = arith.minimumf %max3A_725, %min3A_727 : vector<16xf32>
      %convert_element_type3A_729 = arith.fptosi %min3A_728 : vector<16xf32> to vector<16xi32>
      %broadcast_in_dim3A_730 = vector.shape_cast %convert_element_type3A_729 : vector<16xi32> to vector<16x1xi32>
      %gather3A_731 = vector.shape_cast %broadcast_in_dim3A_730 : vector<16x1xi32> to vector<16xi32>
      %gather3A_732 = tpu.dynamic_gather %get3A_138[%gather3A_731] in [0] : vector<16xf32>, vector<16xi32> -> vector<16xf32>
      %add3A_733 = arith.addf %add3A_715, %gather3A_732 : vector<16xf32>
      %add3A_734 = arith.constant 96 : i32
      %add3A_735 = arith.addi %mul3A_628, %add3A_734 : i32
      %get3A_736 = arith.index_cast %add3A_735 : i32 to index
      %get3A_737 = tpu.vector_load %arg8[%get3A_736] {strides = array<i32>} : memref<36864xf32, #tpu.memory_space<vmem>>, vector<16xf32>,
      %get3A_738 = vector.shape_cast %get3A_737 : vector<16xf32> to vector<16xf32>
      %mul3A_739 = arith.mulf %get3A_738, %div3A_153 : vector<16xf32>
      %add3A_740 = arith.addf %mul3A_739, %sub3A_157 : vector<16xf32>
      %max3A_741 = arith.constant 0.000000e+00 : f32
      %max3A_742 = vector.broadcast %max3A_741 : f32 to vector<16xf32>
      %max3A_743 = arith.maximumf %add3A_740, %max3A_742 : vector<16xf32>
      %min3A_744 = arith.constant 1.500000e+01 : f32
      %min3A_745 = vector.broadcast %min3A_744 : f32 to vector<16xf32>
      %min3A_746 = arith.minimumf %max3A_743, %min3A_745 : vector<16xf32>
      %convert_element_type3A_747 = arith.fptosi %min3A_746 : vector<16xf32> to vector<16xi32>
      %broadcast_in_dim3A_748 = vector.shape_cast %convert_element_type3A_747 : vector<16xi32> to vector<16x1xi32>
      %gather3A_749 = vector.shape_cast %broadcast_in_dim3A_748 : vector<16x1xi32> to vector<16xi32>
      %gather3A_750 = tpu.dynamic_gather %get3A_138[%gather3A_749] in [0] : vector<16xf32>, vector<16xi32> -> vector<16xf32>
      %add3A_751 = arith.addf %add3A_733, %gather3A_750 : vector<16xf32>
      %add3A_752 = arith.constant 112 : i32
      %add3A_753 = arith.addi %mul3A_628, %add3A_752 : i32
      %get3A_754 = arith.index_cast %add3A_753 : i32 to index
      %get3A_755 = tpu.vector_load %arg8[%get3A_754] {strides = array<i32>} : memref<36864xf32, #tpu.memory_space<vmem>>, vector<16xf32>,
      %get3A_756 = vector.shape_cast %get3A_755 : vector<16xf32> to vector<16xf32>
      %mul3A_757 = arith.mulf %get3A_756, %div3A_153 : vector<16xf32>
      %add3A_758 = arith.addf %mul3A_757, %sub3A_157 : vector<16xf32>
      %max3A_759 = arith.constant 0.000000e+00 : f32
      %max3A_760 = vector.broadcast %max3A_759 : f32 to vector<16xf32>
      %max3A_761 = arith.maximumf %add3A_758, %max3A_760 : vector<16xf32>
      %min3A_762 = arith.constant 1.500000e+01 : f32
      %min3A_763 = vector.broadcast %min3A_762 : f32 to vector<16xf32>
      %min3A_764 = arith.minimumf %max3A_761, %min3A_763 : vector<16xf32>
      %convert_element_type3A_765 = arith.fptosi %min3A_764 : vector<16xf32> to vector<16xi32>
      %broadcast_in_dim3A_766 = vector.shape_cast %convert_element_type3A_765 : vector<16xi32> to vector<16x1xi32>
      %gather3A_767 = vector.shape_cast %broadcast_in_dim3A_766 : vector<16x1xi32> to vector<16xi32>
      %gather3A_768 = tpu.dynamic_gather %get3A_138[%gather3A_767] in [0] : vector<16xf32>, vector<16xi32> -> vector<16xf32>
      %add3A_769 = arith.addf %add3A_751, %gather3A_768 : vector<16xf32>
      scf.yield %add3A_769 : vector<16xf32>
    }
    %scan3A_163 = arith.constant 288 : i32
    %dma_wait3A_164 = tpu.memref_slice %arg5[%add3A_106] : memref<9437184xf32, #tpu.memory_space<hbm>> -> memref<36864xf32, #tpu.memory_space<hbm>>
    %dma_wait3A_165 = tpu.memref_slice %arg5[%add3A_106] : memref<9437184xf32, #tpu.memory_space<hbm>> -> memref<36864xf32, #tpu.memory_space<hbm>>
    tpu.wait_dma2 semaphore(%arg18 : memref<!tpu.dma_semaphore, #tpu.memory_space<semaphore_mem>>) src(%arg8 : memref<36864xf32, #tpu.memory_space<vmem>>) dst(%dma_wait3A_165 : memref<36864xf32, #tpu.memory_space<hbm>>)
    %mul3A_166 = arith.constant 2 : i32
    %mul3A_167 = arith.muli %add3A, %mul3A_166 : i32
    %add3A_168 = arith.constant 1 : i32
    %add3A_169 = arith.addi %mul3A_167, %add3A_168 : i32
    %mul3A_170 = arith.constant 147456 : i32
    %mul3A_171 = arith.muli %add3A_169, %mul3A_170 : i32
    %add3A_172 = arith.constant 0 : i32
    %add3A_173 = arith.addi %mul3A_171, %add3A_172 : i32
    %dma_start3A_174 = tpu.memref_slice %arg2[%add3A_173] : memref<9437184xf32, #tpu.memory_space<hbm>> -> memref<36864xf32, #tpu.memory_space<hbm>>
    %dma_start3A_175 = tpu.memref_slice %arg2[%add3A_173] : memref<9437184xf32, #tpu.memory_space<hbm>> -> memref<36864xf32, #tpu.memory_space<hbm>>
    tpu.enqueue_dma source(%dma_start3A_175 : memref<36864xf32, #tpu.memory_space<hbm>>) target(%arg8 : memref<36864xf32, #tpu.memory_space<vmem>>) target_semaphore(%arg15 : memref<!tpu.dma_semaphore, #tpu.memory_space<semaphore_mem>>)
    %dma_wait3A_176 = tpu.memref_slice %arg2[%add3A_27] : memref<9437184xf32, #tpu.memory_space<hbm>> -> memref<36864xf32, #tpu.memory_space<hbm>>
    %dma_wait3A_177 = tpu.memref_slice %arg2[%add3A_27] : memref<9437184xf32, #tpu.memory_space<hbm>> -> memref<36864xf32, #tpu.memory_space<hbm>>
    tpu.wait_dma2 semaphore(%arg16 : memref<!tpu.dma_semaphore, #tpu.memory_space<semaphore_mem>>) src(%dma_wait3A_177 : memref<36864xf32, #tpu.memory_space<hbm>>) dst(%arg9 : memref<36864xf32, #tpu.memory_space<vmem>>)
    %mul3A_178 = arith.constant 2 : i32
    %mul3A_179 = arith.muli %add3A, %mul3A_178 : i32
    %add3A_180 = arith.constant 0 : i32
    %add3A_181 = arith.addi %mul3A_179, %add3A_180 : i32
    %mul3A_182 = arith.constant 147456 : i32
    %mul3A_183 = arith.muli %add3A_181, %mul3A_182 : i32
    %add3A_184 = arith.constant 73728 : i32
    %add3A_185 = arith.addi %mul3A_183, %add3A_184 : i32
    %dma_start3A_186 = tpu.memref_slice %arg5[%add3A_185] : memref<9437184xf32, #tpu.memory_space<hbm>> -> memref<36864xf32, #tpu.memory_space<hbm>>
    %dma_start3A_187 = tpu.memref_slice %arg5[%add3A_185] : memref<9437184xf32, #tpu.memory_space<hbm>> -> memref<36864xf32, #tpu.memory_space<hbm>>
    tpu.enqueue_dma source(%arg9 : memref<36864xf32, #tpu.memory_space<vmem>>) target(%dma_start3A_187 : memref<36864xf32, #tpu.memory_space<hbm>>) target_semaphore(%arg19 : memref<!tpu.dma_semaphore, #tpu.memory_space<semaphore_mem>>)
    %mul3A_188 = arith.constant 2 : i32
    %mul3A_189 = arith.muli %add3A, %mul3A_188 : i32
    %add3A_190 = arith.constant 0 : i32
    %add3A_191 = arith.addi %mul3A_189, %add3A_190 : i32
    %jit3A_192 = arith.constant 4 : i32
    %eq3A_193 = arith.constant 0 : i32
    %eq3A_194 = arith.cmpi eq, %jit3A_192, %eq3A_193 : i32
    %jit3A_195 = arith.constant 1 : i32
    %select_n3A_196 = arith.select %eq3A_194, %jit3A_195, %jit3A_192 : i32
    %rem3A_197 = arith.remsi %add3A_191, %select_n3A_196 : i32
    %ne3A_198 = arith.constant 0 : i32
    %ne3A_199 = arith.cmpi ne, %rem3A_197, %ne3A_198 : i32
    %lt3A_200 = arith.constant 0 : i32
    %lt3A_201 = arith.cmpi slt, %rem3A_197, %lt3A_200 : i32
    %lt3A_202 = arith.constant 0 : i32
    %lt3A_203 = arith.cmpi slt, %select_n3A_196, %lt3A_202 : i32
    %ne3A_204 = arith.xori %lt3A_201, %lt3A_203 : i1
    %and3A_205 = arith.andi %ne3A_204, %ne3A_199 : i1
    %add3A_206 = arith.addi %rem3A_197, %select_n3A_196 : i32
    %select_n3A_207 = arith.select %and3A_205, %add3A_206, %rem3A_197 : i32
    %mul3A_208 = arith.constant 16 : i32
    %mul3A_209 = arith.muli %select_n3A_207, %mul3A_208 : i32
    %get3A_210 = arith.index_cast %mul3A_209 : i32 to index
    %get3A_211 = tpu.vector_load %arg10[%get3A_210] {strides = array<i32>} : memref<64xf32, #tpu.memory_space<vmem>>, vector<16xf32>,
    %get3A_212 = vector.shape_cast %get3A_211 : vector<16xf32> to vector<16xf32>
    %mul3A_213 = arith.constant 16 : i32
    %mul3A_214 = arith.muli %select_n3A_207, %mul3A_213 : i32
    %get3A_215 = arith.index_cast %mul3A_214 : i32 to index
    %get3A_216 = tpu.vector_load %arg11[%get3A_215] {strides = array<i32>} : memref<64xf32, #tpu.memory_space<vmem>>, vector<16xf32>,
    %get3A_217 = vector.shape_cast %get3A_216 : vector<16xf32> to vector<16xf32>
    %broadcast_in_dim3A_218 = arith.constant 0 : i32
    %broadcast_in_dim3A_219 = vector.broadcast %broadcast_in_dim3A_218 : i32 to vector<16xi32>
    %broadcast_in_dim3A_220 = vector.shape_cast %broadcast_in_dim3A_219 : vector<16xi32> to vector<16x1xi32>
    %gather3A_221 = vector.shape_cast %broadcast_in_dim3A_220 : vector<16x1xi32> to vector<16xi32>
    %gather3A_222 = tpu.dynamic_gather %get3A_212[%gather3A_221] in [0] : vector<16xf32>, vector<16xi32> -> vector<16xf32>
    %add3A_223 = arith.constant 1 : i32
    %add3A_224 = vector.broadcast %add3A_223 : i32 to vector<16xi32>
    %add3A_225 = arith.addi %broadcast_in_dim3A_219, %add3A_224 : vector<16xi32>
    %broadcast_in_dim3A_226 = vector.shape_cast %add3A_225 : vector<16xi32> to vector<16x1xi32>
    %gather3A_227 = vector.shape_cast %broadcast_in_dim3A_226 : vector<16x1xi32> to vector<16xi32>
    %gather3A_228 = tpu.dynamic_gather %get3A_212[%gather3A_227] in [0] : vector<16xf32>, vector<16xi32> -> vector<16xf32>
    %sub3A_229 = arith.subf %gather3A_228, %gather3A_222 : vector<16xf32>
    %div3A_230 = arith.constant 1.000000e+00 : f32
    %div3A_231 = vector.broadcast %div3A_230 : f32 to vector<16xf32>
    %div3A_232 = arith.divf %div3A_231, %sub3A_229 : vector<16xf32>
    %mul3A_233 = arith.mulf %gather3A_222, %div3A_232 : vector<16xf32>
    %sub3A_234 = arith.constant 5.000000e-01 : f32
    %sub3A_235 = vector.broadcast %sub3A_234 : f32 to vector<16xf32>
    %sub3A_236 = arith.subf %sub3A_235, %mul3A_233 : vector<16xf32>
    %scan3A_237 = arith.constant 0 : i32
    %scan3A_238 = arith.constant 288 : i32
    %scan3A_239 = arith.addi %scan3A_237, %scan3A_238 : i32
    %scan3A_240 = arith.constant 1 : i32
    %scan3A_241 = scf.for %scan3A_625 = %scan3A_237 to %scan3A_239 step %scan3A_240 iter_args(%scan3A_626 = %scan3A_162) -> (vector<16xf32>)  : i32 {
      %mul3A_627 = arith.constant 128 : i32
      %mul3A_628 = arith.muli %scan3A_625, %mul3A_627 : i32
      %add3A_629 = arith.constant 0 : i32
      %add3A_630 = arith.addi %mul3A_628, %add3A_629 : i32
      %get3A_631 = arith.index_cast %add3A_630 : i32 to index
      %get3A_632 = tpu.vector_load %arg9[%get3A_631] {strides = array<i32>} : memref<36864xf32, #tpu.memory_space<vmem>>, vector<16xf32>,
      %get3A_633 = vector.shape_cast %get3A_632 : vector<16xf32> to vector<16xf32>
      %mul3A_634 = arith.mulf %get3A_633, %div3A_232 : vector<16xf32>
      %add3A_635 = arith.addf %mul3A_634, %sub3A_236 : vector<16xf32>
      %max3A = arith.constant 0.000000e+00 : f32
      %max3A_636 = vector.broadcast %max3A : f32 to vector<16xf32>
      %max3A_637 = arith.maximumf %add3A_635, %max3A_636 : vector<16xf32>
      %min3A = arith.constant 1.500000e+01 : f32
      %min3A_638 = vector.broadcast %min3A : f32 to vector<16xf32>
      %min3A_639 = arith.minimumf %max3A_637, %min3A_638 : vector<16xf32>
      %convert_element_type3A = arith.fptosi %min3A_639 : vector<16xf32> to vector<16xi32>
      %broadcast_in_dim3A_640 = vector.shape_cast %convert_element_type3A : vector<16xi32> to vector<16x1xi32>
      %gather3A_641 = vector.shape_cast %broadcast_in_dim3A_640 : vector<16x1xi32> to vector<16xi32>
      %gather3A_642 = tpu.dynamic_gather %get3A_217[%gather3A_641] in [0] : vector<16xf32>, vector<16xi32> -> vector<16xf32>
      %add3A_643 = arith.addf %scan3A_626, %gather3A_642 : vector<16xf32>
      %add3A_644 = arith.constant 16 : i32
      %add3A_645 = arith.addi %mul3A_628, %add3A_644 : i32
      %get3A_646 = arith.index_cast %add3A_645 : i32 to index
      %get3A_647 = tpu.vector_load %arg9[%get3A_646] {strides = array<i32>} : memref<36864xf32, #tpu.memory_space<vmem>>, vector<16xf32>,
      %get3A_648 = vector.shape_cast %get3A_647 : vector<16xf32> to vector<16xf32>
      %mul3A_649 = arith.mulf %get3A_648, %div3A_232 : vector<16xf32>
      %add3A_650 = arith.addf %mul3A_649, %sub3A_236 : vector<16xf32>
      %max3A_651 = arith.constant 0.000000e+00 : f32
      %max3A_652 = vector.broadcast %max3A_651 : f32 to vector<16xf32>
      %max3A_653 = arith.maximumf %add3A_650, %max3A_652 : vector<16xf32>
      %min3A_654 = arith.constant 1.500000e+01 : f32
      %min3A_655 = vector.broadcast %min3A_654 : f32 to vector<16xf32>
      %min3A_656 = arith.minimumf %max3A_653, %min3A_655 : vector<16xf32>
      %convert_element_type3A_657 = arith.fptosi %min3A_656 : vector<16xf32> to vector<16xi32>
      %broadcast_in_dim3A_658 = vector.shape_cast %convert_element_type3A_657 : vector<16xi32> to vector<16x1xi32>
      %gather3A_659 = vector.shape_cast %broadcast_in_dim3A_658 : vector<16x1xi32> to vector<16xi32>
      %gather3A_660 = tpu.dynamic_gather %get3A_217[%gather3A_659] in [0] : vector<16xf32>, vector<16xi32> -> vector<16xf32>
      %add3A_661 = arith.addf %add3A_643, %gather3A_660 : vector<16xf32>
      %add3A_662 = arith.constant 32 : i32
      %add3A_663 = arith.addi %mul3A_628, %add3A_662 : i32
      %get3A_664 = arith.index_cast %add3A_663 : i32 to index
      %get3A_665 = tpu.vector_load %arg9[%get3A_664] {strides = array<i32>} : memref<36864xf32, #tpu.memory_space<vmem>>, vector<16xf32>,
      %get3A_666 = vector.shape_cast %get3A_665 : vector<16xf32> to vector<16xf32>
      %mul3A_667 = arith.mulf %get3A_666, %div3A_232 : vector<16xf32>
      %add3A_668 = arith.addf %mul3A_667, %sub3A_236 : vector<16xf32>
      %max3A_669 = arith.constant 0.000000e+00 : f32
      %max3A_670 = vector.broadcast %max3A_669 : f32 to vector<16xf32>
      %max3A_671 = arith.maximumf %add3A_668, %max3A_670 : vector<16xf32>
      %min3A_672 = arith.constant 1.500000e+01 : f32
      %min3A_673 = vector.broadcast %min3A_672 : f32 to vector<16xf32>
      %min3A_674 = arith.minimumf %max3A_671, %min3A_673 : vector<16xf32>
      %convert_element_type3A_675 = arith.fptosi %min3A_674 : vector<16xf32> to vector<16xi32>
      %broadcast_in_dim3A_676 = vector.shape_cast %convert_element_type3A_675 : vector<16xi32> to vector<16x1xi32>
      %gather3A_677 = vector.shape_cast %broadcast_in_dim3A_676 : vector<16x1xi32> to vector<16xi32>
      %gather3A_678 = tpu.dynamic_gather %get3A_217[%gather3A_677] in [0] : vector<16xf32>, vector<16xi32> -> vector<16xf32>
      %add3A_679 = arith.addf %add3A_661, %gather3A_678 : vector<16xf32>
      %add3A_680 = arith.constant 48 : i32
      %add3A_681 = arith.addi %mul3A_628, %add3A_680 : i32
      %get3A_682 = arith.index_cast %add3A_681 : i32 to index
      %get3A_683 = tpu.vector_load %arg9[%get3A_682] {strides = array<i32>} : memref<36864xf32, #tpu.memory_space<vmem>>, vector<16xf32>,
      %get3A_684 = vector.shape_cast %get3A_683 : vector<16xf32> to vector<16xf32>
      %mul3A_685 = arith.mulf %get3A_684, %div3A_232 : vector<16xf32>
      %add3A_686 = arith.addf %mul3A_685, %sub3A_236 : vector<16xf32>
      %max3A_687 = arith.constant 0.000000e+00 : f32
      %max3A_688 = vector.broadcast %max3A_687 : f32 to vector<16xf32>
      %max3A_689 = arith.maximumf %add3A_686, %max3A_688 : vector<16xf32>
      %min3A_690 = arith.constant 1.500000e+01 : f32
      %min3A_691 = vector.broadcast %min3A_690 : f32 to vector<16xf32>
      %min3A_692 = arith.minimumf %max3A_689, %min3A_691 : vector<16xf32>
      %convert_element_type3A_693 = arith.fptosi %min3A_692 : vector<16xf32> to vector<16xi32>
      %broadcast_in_dim3A_694 = vector.shape_cast %convert_element_type3A_693 : vector<16xi32> to vector<16x1xi32>
      %gather3A_695 = vector.shape_cast %broadcast_in_dim3A_694 : vector<16x1xi32> to vector<16xi32>
      %gather3A_696 = tpu.dynamic_gather %get3A_217[%gather3A_695] in [0] : vector<16xf32>, vector<16xi32> -> vector<16xf32>
      %add3A_697 = arith.addf %add3A_679, %gather3A_696 : vector<16xf32>
      %add3A_698 = arith.constant 64 : i32
      %add3A_699 = arith.addi %mul3A_628, %add3A_698 : i32
      %get3A_700 = arith.index_cast %add3A_699 : i32 to index
      %get3A_701 = tpu.vector_load %arg9[%get3A_700] {strides = array<i32>} : memref<36864xf32, #tpu.memory_space<vmem>>, vector<16xf32>,
      %get3A_702 = vector.shape_cast %get3A_701 : vector<16xf32> to vector<16xf32>
      %mul3A_703 = arith.mulf %get3A_702, %div3A_232 : vector<16xf32>
      %add3A_704 = arith.addf %mul3A_703, %sub3A_236 : vector<16xf32>
      %max3A_705 = arith.constant 0.000000e+00 : f32
      %max3A_706 = vector.broadcast %max3A_705 : f32 to vector<16xf32>
      %max3A_707 = arith.maximumf %add3A_704, %max3A_706 : vector<16xf32>
      %min3A_708 = arith.constant 1.500000e+01 : f32
      %min3A_709 = vector.broadcast %min3A_708 : f32 to vector<16xf32>
      %min3A_710 = arith.minimumf %max3A_707, %min3A_709 : vector<16xf32>
      %convert_element_type3A_711 = arith.fptosi %min3A_710 : vector<16xf32> to vector<16xi32>
      %broadcast_in_dim3A_712 = vector.shape_cast %convert_element_type3A_711 : vector<16xi32> to vector<16x1xi32>
      %gather3A_713 = vector.shape_cast %broadcast_in_dim3A_712 : vector<16x1xi32> to vector<16xi32>
      %gather3A_714 = tpu.dynamic_gather %get3A_217[%gather3A_713] in [0] : vector<16xf32>, vector<16xi32> -> vector<16xf32>
      %add3A_715 = arith.addf %add3A_697, %gather3A_714 : vector<16xf32>
      %add3A_716 = arith.constant 80 : i32
      %add3A_717 = arith.addi %mul3A_628, %add3A_716 : i32
      %get3A_718 = arith.index_cast %add3A_717 : i32 to index
      %get3A_719 = tpu.vector_load %arg9[%get3A_718] {strides = array<i32>} : memref<36864xf32, #tpu.memory_space<vmem>>, vector<16xf32>,
      %get3A_720 = vector.shape_cast %get3A_719 : vector<16xf32> to vector<16xf32>
      %mul3A_721 = arith.mulf %get3A_720, %div3A_232 : vector<16xf32>
      %add3A_722 = arith.addf %mul3A_721, %sub3A_236 : vector<16xf32>
      %max3A_723 = arith.constant 0.000000e+00 : f32
      %max3A_724 = vector.broadcast %max3A_723 : f32 to vector<16xf32>
      %max3A_725 = arith.maximumf %add3A_722, %max3A_724 : vector<16xf32>
      %min3A_726 = arith.constant 1.500000e+01 : f32
      %min3A_727 = vector.broadcast %min3A_726 : f32 to vector<16xf32>
      %min3A_728 = arith.minimumf %max3A_725, %min3A_727 : vector<16xf32>
      %convert_element_type3A_729 = arith.fptosi %min3A_728 : vector<16xf32> to vector<16xi32>
      %broadcast_in_dim3A_730 = vector.shape_cast %convert_element_type3A_729 : vector<16xi32> to vector<16x1xi32>
      %gather3A_731 = vector.shape_cast %broadcast_in_dim3A_730 : vector<16x1xi32> to vector<16xi32>
      %gather3A_732 = tpu.dynamic_gather %get3A_217[%gather3A_731] in [0] : vector<16xf32>, vector<16xi32> -> vector<16xf32>
      %add3A_733 = arith.addf %add3A_715, %gather3A_732 : vector<16xf32>
      %add3A_734 = arith.constant 96 : i32
      %add3A_735 = arith.addi %mul3A_628, %add3A_734 : i32
      %get3A_736 = arith.index_cast %add3A_735 : i32 to index
      %get3A_737 = tpu.vector_load %arg9[%get3A_736] {strides = array<i32>} : memref<36864xf32, #tpu.memory_space<vmem>>, vector<16xf32>,
      %get3A_738 = vector.shape_cast %get3A_737 : vector<16xf32> to vector<16xf32>
      %mul3A_739 = arith.mulf %get3A_738, %div3A_232 : vector<16xf32>
      %add3A_740 = arith.addf %mul3A_739, %sub3A_236 : vector<16xf32>
      %max3A_741 = arith.constant 0.000000e+00 : f32
      %max3A_742 = vector.broadcast %max3A_741 : f32 to vector<16xf32>
      %max3A_743 = arith.maximumf %add3A_740, %max3A_742 : vector<16xf32>
      %min3A_744 = arith.constant 1.500000e+01 : f32
      %min3A_745 = vector.broadcast %min3A_744 : f32 to vector<16xf32>
      %min3A_746 = arith.minimumf %max3A_743, %min3A_745 : vector<16xf32>
      %convert_element_type3A_747 = arith.fptosi %min3A_746 : vector<16xf32> to vector<16xi32>
      %broadcast_in_dim3A_748 = vector.shape_cast %convert_element_type3A_747 : vector<16xi32> to vector<16x1xi32>
      %gather3A_749 = vector.shape_cast %broadcast_in_dim3A_748 : vector<16x1xi32> to vector<16xi32>
      %gather3A_750 = tpu.dynamic_gather %get3A_217[%gather3A_749] in [0] : vector<16xf32>, vector<16xi32> -> vector<16xf32>
      %add3A_751 = arith.addf %add3A_733, %gather3A_750 : vector<16xf32>
      %add3A_752 = arith.constant 112 : i32
      %add3A_753 = arith.addi %mul3A_628, %add3A_752 : i32
      %get3A_754 = arith.index_cast %add3A_753 : i32 to index
      %get3A_755 = tpu.vector_load %arg9[%get3A_754] {strides = array<i32>} : memref<36864xf32, #tpu.memory_space<vmem>>, vector<16xf32>,
      %get3A_756 = vector.shape_cast %get3A_755 : vector<16xf32> to vector<16xf32>
      %mul3A_757 = arith.mulf %get3A_756, %div3A_232 : vector<16xf32>
      %add3A_758 = arith.addf %mul3A_757, %sub3A_236 : vector<16xf32>
      %max3A_759 = arith.constant 0.000000e+00 : f32
      %max3A_760 = vector.broadcast %max3A_759 : f32 to vector<16xf32>
      %max3A_761 = arith.maximumf %add3A_758, %max3A_760 : vector<16xf32>
      %min3A_762 = arith.constant 1.500000e+01 : f32
      %min3A_763 = vector.broadcast %min3A_762 : f32 to vector<16xf32>
      %min3A_764 = arith.minimumf %max3A_761, %min3A_763 : vector<16xf32>
      %convert_element_type3A_765 = arith.fptosi %min3A_764 : vector<16xf32> to vector<16xi32>
      %broadcast_in_dim3A_766 = vector.shape_cast %convert_element_type3A_765 : vector<16xi32> to vector<16x1xi32>
      %gather3A_767 = vector.shape_cast %broadcast_in_dim3A_766 : vector<16x1xi32> to vector<16xi32>
      %gather3A_768 = tpu.dynamic_gather %get3A_217[%gather3A_767] in [0] : vector<16xf32>, vector<16xi32> -> vector<16xf32>
      %add3A_769 = arith.addf %add3A_751, %gather3A_768 : vector<16xf32>
      scf.yield %add3A_769 : vector<16xf32>
    }
    %scan3A_242 = arith.constant 288 : i32
    %dma_wait3A_243 = tpu.memref_slice %arg5[%add3A_185] : memref<9437184xf32, #tpu.memory_space<hbm>> -> memref<36864xf32, #tpu.memory_space<hbm>>
    %dma_wait3A_244 = tpu.memref_slice %arg5[%add3A_185] : memref<9437184xf32, #tpu.memory_space<hbm>> -> memref<36864xf32, #tpu.memory_space<hbm>>
    tpu.wait_dma2 semaphore(%arg19 : memref<!tpu.dma_semaphore, #tpu.memory_space<semaphore_mem>>) src(%arg9 : memref<36864xf32, #tpu.memory_space<vmem>>) dst(%dma_wait3A_244 : memref<36864xf32, #tpu.memory_space<hbm>>)
    %mul3A_245 = arith.constant 2 : i32
    %mul3A_246 = arith.muli %add3A, %mul3A_245 : i32
    %add3A_247 = arith.constant 1 : i32
    %add3A_248 = arith.addi %mul3A_246, %add3A_247 : i32
    %mul3A_249 = arith.constant 147456 : i32
    %mul3A_250 = arith.muli %add3A_248, %mul3A_249 : i32
    %add3A_251 = arith.constant 36864 : i32
    %add3A_252 = arith.addi %mul3A_250, %add3A_251 : i32
    %dma_start3A_253 = tpu.memref_slice %arg2[%add3A_252] : memref<9437184xf32, #tpu.memory_space<hbm>> -> memref<36864xf32, #tpu.memory_space<hbm>>
    %dma_start3A_254 = tpu.memref_slice %arg2[%add3A_252] : memref<9437184xf32, #tpu.memory_space<hbm>> -> memref<36864xf32, #tpu.memory_space<hbm>>
    tpu.enqueue_dma source(%dma_start3A_254 : memref<36864xf32, #tpu.memory_space<hbm>>) target(%arg9 : memref<36864xf32, #tpu.memory_space<vmem>>) target_semaphore(%arg16 : memref<!tpu.dma_semaphore, #tpu.memory_space<semaphore_mem>>)
    %dma_wait3A_255 = tpu.memref_slice %arg2[%add3A_94] : memref<9437184xf32, #tpu.memory_space<hbm>> -> memref<36864xf32, #tpu.memory_space<hbm>>
    %dma_wait3A_256 = tpu.memref_slice %arg2[%add3A_94] : memref<9437184xf32, #tpu.memory_space<hbm>> -> memref<36864xf32, #tpu.memory_space<hbm>>
    tpu.wait_dma2 semaphore(%arg14 : memref<!tpu.dma_semaphore, #tpu.memory_space<semaphore_mem>>) src(%dma_wait3A_256 : memref<36864xf32, #tpu.memory_space<hbm>>) dst(%arg7 : memref<36864xf32, #tpu.memory_space<vmem>>)
    %mul3A_257 = arith.constant 2 : i32
    %mul3A_258 = arith.muli %add3A, %mul3A_257 : i32
    %add3A_259 = arith.constant 0 : i32
    %add3A_260 = arith.addi %mul3A_258, %add3A_259 : i32
    %mul3A_261 = arith.constant 147456 : i32
    %mul3A_262 = arith.muli %add3A_260, %mul3A_261 : i32
    %add3A_263 = arith.constant 110592 : i32
    %add3A_264 = arith.addi %mul3A_262, %add3A_263 : i32
    %dma_start3A_265 = tpu.memref_slice %arg5[%add3A_264] : memref<9437184xf32, #tpu.memory_space<hbm>> -> memref<36864xf32, #tpu.memory_space<hbm>>
    %dma_start3A_266 = tpu.memref_slice %arg5[%add3A_264] : memref<9437184xf32, #tpu.memory_space<hbm>> -> memref<36864xf32, #tpu.memory_space<hbm>>
    tpu.enqueue_dma source(%arg7 : memref<36864xf32, #tpu.memory_space<vmem>>) target(%dma_start3A_266 : memref<36864xf32, #tpu.memory_space<hbm>>) target_semaphore(%arg17 : memref<!tpu.dma_semaphore, #tpu.memory_space<semaphore_mem>>)
    %mul3A_267 = arith.constant 2 : i32
    %mul3A_268 = arith.muli %add3A, %mul3A_267 : i32
    %add3A_269 = arith.constant 0 : i32
    %add3A_270 = arith.addi %mul3A_268, %add3A_269 : i32
    %jit3A_271 = arith.constant 4 : i32
    %eq3A_272 = arith.constant 0 : i32
    %eq3A_273 = arith.cmpi eq, %jit3A_271, %eq3A_272 : i32
    %jit3A_274 = arith.constant 1 : i32
    %select_n3A_275 = arith.select %eq3A_273, %jit3A_274, %jit3A_271 : i32
    %rem3A_276 = arith.remsi %add3A_270, %select_n3A_275 : i32
    %ne3A_277 = arith.constant 0 : i32
    %ne3A_278 = arith.cmpi ne, %rem3A_276, %ne3A_277 : i32
    %lt3A_279 = arith.constant 0 : i32
    %lt3A_280 = arith.cmpi slt, %rem3A_276, %lt3A_279 : i32
    %lt3A_281 = arith.constant 0 : i32
    %lt3A_282 = arith.cmpi slt, %select_n3A_275, %lt3A_281 : i32
    %ne3A_283 = arith.xori %lt3A_280, %lt3A_282 : i1
    %and3A_284 = arith.andi %ne3A_283, %ne3A_278 : i1
    %add3A_285 = arith.addi %rem3A_276, %select_n3A_275 : i32
    %select_n3A_286 = arith.select %and3A_284, %add3A_285, %rem3A_276 : i32
    %mul3A_287 = arith.constant 16 : i32
    %mul3A_288 = arith.muli %select_n3A_286, %mul3A_287 : i32
    %get3A_289 = arith.index_cast %mul3A_288 : i32 to index
    %get3A_290 = tpu.vector_load %arg10[%get3A_289] {strides = array<i32>} : memref<64xf32, #tpu.memory_space<vmem>>, vector<16xf32>,
    %get3A_291 = vector.shape_cast %get3A_290 : vector<16xf32> to vector<16xf32>
    %mul3A_292 = arith.constant 16 : i32
    %mul3A_293 = arith.muli %select_n3A_286, %mul3A_292 : i32
    %get3A_294 = arith.index_cast %mul3A_293 : i32 to index
    %get3A_295 = tpu.vector_load %arg11[%get3A_294] {strides = array<i32>} : memref<64xf32, #tpu.memory_space<vmem>>, vector<16xf32>,
    %get3A_296 = vector.shape_cast %get3A_295 : vector<16xf32> to vector<16xf32>
    %broadcast_in_dim3A_297 = arith.constant 0 : i32
    %broadcast_in_dim3A_298 = vector.broadcast %broadcast_in_dim3A_297 : i32 to vector<16xi32>
    %broadcast_in_dim3A_299 = vector.shape_cast %broadcast_in_dim3A_298 : vector<16xi32> to vector<16x1xi32>
    %gather3A_300 = vector.shape_cast %broadcast_in_dim3A_299 : vector<16x1xi32> to vector<16xi32>
    %gather3A_301 = tpu.dynamic_gather %get3A_291[%gather3A_300] in [0] : vector<16xf32>, vector<16xi32> -> vector<16xf32>
    %add3A_302 = arith.constant 1 : i32
    %add3A_303 = vector.broadcast %add3A_302 : i32 to vector<16xi32>
    %add3A_304 = arith.addi %broadcast_in_dim3A_298, %add3A_303 : vector<16xi32>
    %broadcast_in_dim3A_305 = vector.shape_cast %add3A_304 : vector<16xi32> to vector<16x1xi32>
    %gather3A_306 = vector.shape_cast %broadcast_in_dim3A_305 : vector<16x1xi32> to vector<16xi32>
    %gather3A_307 = tpu.dynamic_gather %get3A_291[%gather3A_306] in [0] : vector<16xf32>, vector<16xi32> -> vector<16xf32>
    %sub3A_308 = arith.subf %gather3A_307, %gather3A_301 : vector<16xf32>
    %div3A_309 = arith.constant 1.000000e+00 : f32
    %div3A_310 = vector.broadcast %div3A_309 : f32 to vector<16xf32>
    %div3A_311 = arith.divf %div3A_310, %sub3A_308 : vector<16xf32>
    %mul3A_312 = arith.mulf %gather3A_301, %div3A_311 : vector<16xf32>
    %sub3A_313 = arith.constant 5.000000e-01 : f32
    %sub3A_314 = vector.broadcast %sub3A_313 : f32 to vector<16xf32>
    %sub3A_315 = arith.subf %sub3A_314, %mul3A_312 : vector<16xf32>
    %scan3A_316 = arith.constant 0 : i32
    %scan3A_317 = arith.constant 288 : i32
    %scan3A_318 = arith.addi %scan3A_316, %scan3A_317 : i32
    %scan3A_319 = arith.constant 1 : i32
    %scan3A_320 = scf.for %scan3A_625 = %scan3A_316 to %scan3A_318 step %scan3A_319 iter_args(%scan3A_626 = %scan3A_241) -> (vector<16xf32>)  : i32 {
      %mul3A_627 = arith.constant 128 : i32
      %mul3A_628 = arith.muli %scan3A_625, %mul3A_627 : i32
      %add3A_629 = arith.constant 0 : i32
      %add3A_630 = arith.addi %mul3A_628, %add3A_629 : i32
      %get3A_631 = arith.index_cast %add3A_630 : i32 to index
      %get3A_632 = tpu.vector_load %arg7[%get3A_631] {strides = array<i32>} : memref<36864xf32, #tpu.memory_space<vmem>>, vector<16xf32>,
      %get3A_633 = vector.shape_cast %get3A_632 : vector<16xf32> to vector<16xf32>
      %mul3A_634 = arith.mulf %get3A_633, %div3A_311 : vector<16xf32>
      %add3A_635 = arith.addf %mul3A_634, %sub3A_315 : vector<16xf32>
      %max3A = arith.constant 0.000000e+00 : f32
      %max3A_636 = vector.broadcast %max3A : f32 to vector<16xf32>
      %max3A_637 = arith.maximumf %add3A_635, %max3A_636 : vector<16xf32>
      %min3A = arith.constant 1.500000e+01 : f32
      %min3A_638 = vector.broadcast %min3A : f32 to vector<16xf32>
      %min3A_639 = arith.minimumf %max3A_637, %min3A_638 : vector<16xf32>
      %convert_element_type3A = arith.fptosi %min3A_639 : vector<16xf32> to vector<16xi32>
      %broadcast_in_dim3A_640 = vector.shape_cast %convert_element_type3A : vector<16xi32> to vector<16x1xi32>
      %gather3A_641 = vector.shape_cast %broadcast_in_dim3A_640 : vector<16x1xi32> to vector<16xi32>
      %gather3A_642 = tpu.dynamic_gather %get3A_296[%gather3A_641] in [0] : vector<16xf32>, vector<16xi32> -> vector<16xf32>
      %add3A_643 = arith.addf %scan3A_626, %gather3A_642 : vector<16xf32>
      %add3A_644 = arith.constant 16 : i32
      %add3A_645 = arith.addi %mul3A_628, %add3A_644 : i32
      %get3A_646 = arith.index_cast %add3A_645 : i32 to index
      %get3A_647 = tpu.vector_load %arg7[%get3A_646] {strides = array<i32>} : memref<36864xf32, #tpu.memory_space<vmem>>, vector<16xf32>,
      %get3A_648 = vector.shape_cast %get3A_647 : vector<16xf32> to vector<16xf32>
      %mul3A_649 = arith.mulf %get3A_648, %div3A_311 : vector<16xf32>
      %add3A_650 = arith.addf %mul3A_649, %sub3A_315 : vector<16xf32>
      %max3A_651 = arith.constant 0.000000e+00 : f32
      %max3A_652 = vector.broadcast %max3A_651 : f32 to vector<16xf32>
      %max3A_653 = arith.maximumf %add3A_650, %max3A_652 : vector<16xf32>
      %min3A_654 = arith.constant 1.500000e+01 : f32
      %min3A_655 = vector.broadcast %min3A_654 : f32 to vector<16xf32>
      %min3A_656 = arith.minimumf %max3A_653, %min3A_655 : vector<16xf32>
      %convert_element_type3A_657 = arith.fptosi %min3A_656 : vector<16xf32> to vector<16xi32>
      %broadcast_in_dim3A_658 = vector.shape_cast %convert_element_type3A_657 : vector<16xi32> to vector<16x1xi32>
      %gather3A_659 = vector.shape_cast %broadcast_in_dim3A_658 : vector<16x1xi32> to vector<16xi32>
      %gather3A_660 = tpu.dynamic_gather %get3A_296[%gather3A_659] in [0] : vector<16xf32>, vector<16xi32> -> vector<16xf32>
      %add3A_661 = arith.addf %add3A_643, %gather3A_660 : vector<16xf32>
      %add3A_662 = arith.constant 32 : i32
      %add3A_663 = arith.addi %mul3A_628, %add3A_662 : i32
      %get3A_664 = arith.index_cast %add3A_663 : i32 to index
      %get3A_665 = tpu.vector_load %arg7[%get3A_664] {strides = array<i32>} : memref<36864xf32, #tpu.memory_space<vmem>>, vector<16xf32>,
      %get3A_666 = vector.shape_cast %get3A_665 : vector<16xf32> to vector<16xf32>
      %mul3A_667 = arith.mulf %get3A_666, %div3A_311 : vector<16xf32>
      %add3A_668 = arith.addf %mul3A_667, %sub3A_315 : vector<16xf32>
      %max3A_669 = arith.constant 0.000000e+00 : f32
      %max3A_670 = vector.broadcast %max3A_669 : f32 to vector<16xf32>
      %max3A_671 = arith.maximumf %add3A_668, %max3A_670 : vector<16xf32>
      %min3A_672 = arith.constant 1.500000e+01 : f32
      %min3A_673 = vector.broadcast %min3A_672 : f32 to vector<16xf32>
      %min3A_674 = arith.minimumf %max3A_671, %min3A_673 : vector<16xf32>
      %convert_element_type3A_675 = arith.fptosi %min3A_674 : vector<16xf32> to vector<16xi32>
      %broadcast_in_dim3A_676 = vector.shape_cast %convert_element_type3A_675 : vector<16xi32> to vector<16x1xi32>
      %gather3A_677 = vector.shape_cast %broadcast_in_dim3A_676 : vector<16x1xi32> to vector<16xi32>
      %gather3A_678 = tpu.dynamic_gather %get3A_296[%gather3A_677] in [0] : vector<16xf32>, vector<16xi32> -> vector<16xf32>
      %add3A_679 = arith.addf %add3A_661, %gather3A_678 : vector<16xf32>
      %add3A_680 = arith.constant 48 : i32
      %add3A_681 = arith.addi %mul3A_628, %add3A_680 : i32
      %get3A_682 = arith.index_cast %add3A_681 : i32 to index
      %get3A_683 = tpu.vector_load %arg7[%get3A_682] {strides = array<i32>} : memref<36864xf32, #tpu.memory_space<vmem>>, vector<16xf32>,
      %get3A_684 = vector.shape_cast %get3A_683 : vector<16xf32> to vector<16xf32>
      %mul3A_685 = arith.mulf %get3A_684, %div3A_311 : vector<16xf32>
      %add3A_686 = arith.addf %mul3A_685, %sub3A_315 : vector<16xf32>
      %max3A_687 = arith.constant 0.000000e+00 : f32
      %max3A_688 = vector.broadcast %max3A_687 : f32 to vector<16xf32>
      %max3A_689 = arith.maximumf %add3A_686, %max3A_688 : vector<16xf32>
      %min3A_690 = arith.constant 1.500000e+01 : f32
      %min3A_691 = vector.broadcast %min3A_690 : f32 to vector<16xf32>
      %min3A_692 = arith.minimumf %max3A_689, %min3A_691 : vector<16xf32>
      %convert_element_type3A_693 = arith.fptosi %min3A_692 : vector<16xf32> to vector<16xi32>
      %broadcast_in_dim3A_694 = vector.shape_cast %convert_element_type3A_693 : vector<16xi32> to vector<16x1xi32>
      %gather3A_695 = vector.shape_cast %broadcast_in_dim3A_694 : vector<16x1xi32> to vector<16xi32>
      %gather3A_696 = tpu.dynamic_gather %get3A_296[%gather3A_695] in [0] : vector<16xf32>, vector<16xi32> -> vector<16xf32>
      %add3A_697 = arith.addf %add3A_679, %gather3A_696 : vector<16xf32>
      %add3A_698 = arith.constant 64 : i32
      %add3A_699 = arith.addi %mul3A_628, %add3A_698 : i32
      %get3A_700 = arith.index_cast %add3A_699 : i32 to index
      %get3A_701 = tpu.vector_load %arg7[%get3A_700] {strides = array<i32>} : memref<36864xf32, #tpu.memory_space<vmem>>, vector<16xf32>,
      %get3A_702 = vector.shape_cast %get3A_701 : vector<16xf32> to vector<16xf32>
      %mul3A_703 = arith.mulf %get3A_702, %div3A_311 : vector<16xf32>
      %add3A_704 = arith.addf %mul3A_703, %sub3A_315 : vector<16xf32>
      %max3A_705 = arith.constant 0.000000e+00 : f32
      %max3A_706 = vector.broadcast %max3A_705 : f32 to vector<16xf32>
      %max3A_707 = arith.maximumf %add3A_704, %max3A_706 : vector<16xf32>
      %min3A_708 = arith.constant 1.500000e+01 : f32
      %min3A_709 = vector.broadcast %min3A_708 : f32 to vector<16xf32>
      %min3A_710 = arith.minimumf %max3A_707, %min3A_709 : vector<16xf32>
      %convert_element_type3A_711 = arith.fptosi %min3A_710 : vector<16xf32> to vector<16xi32>
      %broadcast_in_dim3A_712 = vector.shape_cast %convert_element_type3A_711 : vector<16xi32> to vector<16x1xi32>
      %gather3A_713 = vector.shape_cast %broadcast_in_dim3A_712 : vector<16x1xi32> to vector<16xi32>
      %gather3A_714 = tpu.dynamic_gather %get3A_296[%gather3A_713] in [0] : vector<16xf32>, vector<16xi32> -> vector<16xf32>
      %add3A_715 = arith.addf %add3A_697, %gather3A_714 : vector<16xf32>
      %add3A_716 = arith.constant 80 : i32
      %add3A_717 = arith.addi %mul3A_628, %add3A_716 : i32
      %get3A_718 = arith.index_cast %add3A_717 : i32 to index
      %get3A_719 = tpu.vector_load %arg7[%get3A_718] {strides = array<i32>} : memref<36864xf32, #tpu.memory_space<vmem>>, vector<16xf32>,
      %get3A_720 = vector.shape_cast %get3A_719 : vector<16xf32> to vector<16xf32>
      %mul3A_721 = arith.mulf %get3A_720, %div3A_311 : vector<16xf32>
      %add3A_722 = arith.addf %mul3A_721, %sub3A_315 : vector<16xf32>
      %max3A_723 = arith.constant 0.000000e+00 : f32
      %max3A_724 = vector.broadcast %max3A_723 : f32 to vector<16xf32>
      %max3A_725 = arith.maximumf %add3A_722, %max3A_724 : vector<16xf32>
      %min3A_726 = arith.constant 1.500000e+01 : f32
      %min3A_727 = vector.broadcast %min3A_726 : f32 to vector<16xf32>
      %min3A_728 = arith.minimumf %max3A_725, %min3A_727 : vector<16xf32>
      %convert_element_type3A_729 = arith.fptosi %min3A_728 : vector<16xf32> to vector<16xi32>
      %broadcast_in_dim3A_730 = vector.shape_cast %convert_element_type3A_729 : vector<16xi32> to vector<16x1xi32>
      %gather3A_731 = vector.shape_cast %broadcast_in_dim3A_730 : vector<16x1xi32> to vector<16xi32>
      %gather3A_732 = tpu.dynamic_gather %get3A_296[%gather3A_731] in [0] : vector<16xf32>, vector<16xi32> -> vector<16xf32>
      %add3A_733 = arith.addf %add3A_715, %gather3A_732 : vector<16xf32>
      %add3A_734 = arith.constant 96 : i32
      %add3A_735 = arith.addi %mul3A_628, %add3A_734 : i32
      %get3A_736 = arith.index_cast %add3A_735 : i32 to index
      %get3A_737 = tpu.vector_load %arg7[%get3A_736] {strides = array<i32>} : memref<36864xf32, #tpu.memory_space<vmem>>, vector<16xf32>,
      %get3A_738 = vector.shape_cast %get3A_737 : vector<16xf32> to vector<16xf32>
      %mul3A_739 = arith.mulf %get3A_738, %div3A_311 : vector<16xf32>
      %add3A_740 = arith.addf %mul3A_739, %sub3A_315 : vector<16xf32>
      %max3A_741 = arith.constant 0.000000e+00 : f32
      %max3A_742 = vector.broadcast %max3A_741 : f32 to vector<16xf32>
      %max3A_743 = arith.maximumf %add3A_740, %max3A_742 : vector<16xf32>
      %min3A_744 = arith.constant 1.500000e+01 : f32
      %min3A_745 = vector.broadcast %min3A_744 : f32 to vector<16xf32>
      %min3A_746 = arith.minimumf %max3A_743, %min3A_745 : vector<16xf32>
      %convert_element_type3A_747 = arith.fptosi %min3A_746 : vector<16xf32> to vector<16xi32>
      %broadcast_in_dim3A_748 = vector.shape_cast %convert_element_type3A_747 : vector<16xi32> to vector<16x1xi32>
      %gather3A_749 = vector.shape_cast %broadcast_in_dim3A_748 : vector<16x1xi32> to vector<16xi32>
      %gather3A_750 = tpu.dynamic_gather %get3A_296[%gather3A_749] in [0] : vector<16xf32>, vector<16xi32> -> vector<16xf32>
      %add3A_751 = arith.addf %add3A_733, %gather3A_750 : vector<16xf32>
      %add3A_752 = arith.constant 112 : i32
      %add3A_753 = arith.addi %mul3A_628, %add3A_752 : i32
      %get3A_754 = arith.index_cast %add3A_753 : i32 to index
      %get3A_755 = tpu.vector_load %arg7[%get3A_754] {strides = array<i32>} : memref<36864xf32, #tpu.memory_space<vmem>>, vector<16xf32>,
      %get3A_756 = vector.shape_cast %get3A_755 : vector<16xf32> to vector<16xf32>
      %mul3A_757 = arith.mulf %get3A_756, %div3A_311 : vector<16xf32>
      %add3A_758 = arith.addf %mul3A_757, %sub3A_315 : vector<16xf32>
      %max3A_759 = arith.constant 0.000000e+00 : f32
      %max3A_760 = vector.broadcast %max3A_759 : f32 to vector<16xf32>
      %max3A_761 = arith.maximumf %add3A_758, %max3A_760 : vector<16xf32>
      %min3A_762 = arith.constant 1.500000e+01 : f32
      %min3A_763 = vector.broadcast %min3A_762 : f32 to vector<16xf32>
      %min3A_764 = arith.minimumf %max3A_761, %min3A_763 : vector<16xf32>
      %convert_element_type3A_765 = arith.fptosi %min3A_764 : vector<16xf32> to vector<16xi32>
      %broadcast_in_dim3A_766 = vector.shape_cast %convert_element_type3A_765 : vector<16xi32> to vector<16x1xi32>
      %gather3A_767 = vector.shape_cast %broadcast_in_dim3A_766 : vector<16x1xi32> to vector<16xi32>
      %gather3A_768 = tpu.dynamic_gather %get3A_296[%gather3A_767] in [0] : vector<16xf32>, vector<16xi32> -> vector<16xf32>
      %add3A_769 = arith.addf %add3A_751, %gather3A_768 : vector<16xf32>
      scf.yield %add3A_769 : vector<16xf32>
    }
    %scan3A_321 = arith.constant 288 : i32
    %dma_wait3A_322 = tpu.memref_slice %arg5[%add3A_264] : memref<9437184xf32, #tpu.memory_space<hbm>> -> memref<36864xf32, #tpu.memory_space<hbm>>
    %dma_wait3A_323 = tpu.memref_slice %arg5[%add3A_264] : memref<9437184xf32, #tpu.memory_space<hbm>> -> memref<36864xf32, #tpu.memory_space<hbm>>
    tpu.wait_dma2 semaphore(%arg17 : memref<!tpu.dma_semaphore, #tpu.memory_space<semaphore_mem>>) src(%arg7 : memref<36864xf32, #tpu.memory_space<vmem>>) dst(%dma_wait3A_323 : memref<36864xf32, #tpu.memory_space<hbm>>)
    %mul3A_324 = arith.constant 2 : i32
    %mul3A_325 = arith.muli %add3A, %mul3A_324 : i32
    %add3A_326 = arith.constant 1 : i32
    %add3A_327 = arith.addi %mul3A_325, %add3A_326 : i32
    %mul3A_328 = arith.constant 147456 : i32
    %mul3A_329 = arith.muli %add3A_327, %mul3A_328 : i32
    %add3A_330 = arith.constant 73728 : i32
    %add3A_331 = arith.addi %mul3A_329, %add3A_330 : i32
    %dma_start3A_332 = tpu.memref_slice %arg2[%add3A_331] : memref<9437184xf32, #tpu.memory_space<hbm>> -> memref<36864xf32, #tpu.memory_space<hbm>>
    %dma_start3A_333 = tpu.memref_slice %arg2[%add3A_331] : memref<9437184xf32, #tpu.memory_space<hbm>> -> memref<36864xf32, #tpu.memory_space<hbm>>
    tpu.enqueue_dma source(%dma_start3A_333 : memref<36864xf32, #tpu.memory_space<hbm>>) target(%arg7 : memref<36864xf32, #tpu.memory_space<vmem>>) target_semaphore(%arg14 : memref<!tpu.dma_semaphore, #tpu.memory_space<semaphore_mem>>)
    %dma_wait3A_334 = tpu.memref_slice %arg2[%add3A_173] : memref<9437184xf32, #tpu.memory_space<hbm>> -> memref<36864xf32, #tpu.memory_space<hbm>>
    %dma_wait3A_335 = tpu.memref_slice %arg2[%add3A_173] : memref<9437184xf32, #tpu.memory_space<hbm>> -> memref<36864xf32, #tpu.memory_space<hbm>>
    tpu.wait_dma2 semaphore(%arg15 : memref<!tpu.dma_semaphore, #tpu.memory_space<semaphore_mem>>) src(%dma_wait3A_335 : memref<36864xf32, #tpu.memory_space<hbm>>) dst(%arg8 : memref<36864xf32, #tpu.memory_space<vmem>>)
    %mul3A_336 = arith.constant 2 : i32
    %mul3A_337 = arith.muli %add3A, %mul3A_336 : i32
    %add3A_338 = arith.constant 1 : i32
    %add3A_339 = arith.addi %mul3A_337, %add3A_338 : i32
    %mul3A_340 = arith.constant 147456 : i32
    %mul3A_341 = arith.muli %add3A_339, %mul3A_340 : i32
    %add3A_342 = arith.constant 0 : i32
    %add3A_343 = arith.addi %mul3A_341, %add3A_342 : i32
    %dma_start3A_344 = tpu.memref_slice %arg5[%add3A_343] : memref<9437184xf32, #tpu.memory_space<hbm>> -> memref<36864xf32, #tpu.memory_space<hbm>>
    %dma_start3A_345 = tpu.memref_slice %arg5[%add3A_343] : memref<9437184xf32, #tpu.memory_space<hbm>> -> memref<36864xf32, #tpu.memory_space<hbm>>
    tpu.enqueue_dma source(%arg8 : memref<36864xf32, #tpu.memory_space<vmem>>) target(%dma_start3A_345 : memref<36864xf32, #tpu.memory_space<hbm>>) target_semaphore(%arg18 : memref<!tpu.dma_semaphore, #tpu.memory_space<semaphore_mem>>)
    %mul3A_346 = arith.constant 2 : i32
    %mul3A_347 = arith.muli %add3A, %mul3A_346 : i32
    %add3A_348 = arith.constant 1 : i32
    %add3A_349 = arith.addi %mul3A_347, %add3A_348 : i32
    %jit3A_350 = arith.constant 4 : i32
    %eq3A_351 = arith.constant 0 : i32
    %eq3A_352 = arith.cmpi eq, %jit3A_350, %eq3A_351 : i32
    %jit3A_353 = arith.constant 1 : i32
    %select_n3A_354 = arith.select %eq3A_352, %jit3A_353, %jit3A_350 : i32
    %rem3A_355 = arith.remsi %add3A_349, %select_n3A_354 : i32
    %ne3A_356 = arith.constant 0 : i32
    %ne3A_357 = arith.cmpi ne, %rem3A_355, %ne3A_356 : i32
    %lt3A_358 = arith.constant 0 : i32
    %lt3A_359 = arith.cmpi slt, %rem3A_355, %lt3A_358 : i32
    %lt3A_360 = arith.constant 0 : i32
    %lt3A_361 = arith.cmpi slt, %select_n3A_354, %lt3A_360 : i32
    %ne3A_362 = arith.xori %lt3A_359, %lt3A_361 : i1
    %and3A_363 = arith.andi %ne3A_362, %ne3A_357 : i1
    %add3A_364 = arith.addi %rem3A_355, %select_n3A_354 : i32
    %select_n3A_365 = arith.select %and3A_363, %add3A_364, %rem3A_355 : i32
    %mul3A_366 = arith.constant 16 : i32
    %mul3A_367 = arith.muli %select_n3A_365, %mul3A_366 : i32
    %get3A_368 = arith.index_cast %mul3A_367 : i32 to index
    %get3A_369 = tpu.vector_load %arg10[%get3A_368] {strides = array<i32>} : memref<64xf32, #tpu.memory_space<vmem>>, vector<16xf32>,
    %get3A_370 = vector.shape_cast %get3A_369 : vector<16xf32> to vector<16xf32>
    %mul3A_371 = arith.constant 16 : i32
    %mul3A_372 = arith.muli %select_n3A_365, %mul3A_371 : i32
    %get3A_373 = arith.index_cast %mul3A_372 : i32 to index
    %get3A_374 = tpu.vector_load %arg11[%get3A_373] {strides = array<i32>} : memref<64xf32, #tpu.memory_space<vmem>>, vector<16xf32>,
    %get3A_375 = vector.shape_cast %get3A_374 : vector<16xf32> to vector<16xf32>
    %broadcast_in_dim3A_376 = arith.constant 0 : i32
    %broadcast_in_dim3A_377 = vector.broadcast %broadcast_in_dim3A_376 : i32 to vector<16xi32>
    %broadcast_in_dim3A_378 = vector.shape_cast %broadcast_in_dim3A_377 : vector<16xi32> to vector<16x1xi32>
    %gather3A_379 = vector.shape_cast %broadcast_in_dim3A_378 : vector<16x1xi32> to vector<16xi32>
    %gather3A_380 = tpu.dynamic_gather %get3A_370[%gather3A_379] in [0] : vector<16xf32>, vector<16xi32> -> vector<16xf32>
    %add3A_381 = arith.constant 1 : i32
    %add3A_382 = vector.broadcast %add3A_381 : i32 to vector<16xi32>
    %add3A_383 = arith.addi %broadcast_in_dim3A_377, %add3A_382 : vector<16xi32>
    %broadcast_in_dim3A_384 = vector.shape_cast %add3A_383 : vector<16xi32> to vector<16x1xi32>
    %gather3A_385 = vector.shape_cast %broadcast_in_dim3A_384 : vector<16x1xi32> to vector<16xi32>
    %gather3A_386 = tpu.dynamic_gather %get3A_370[%gather3A_385] in [0] : vector<16xf32>, vector<16xi32> -> vector<16xf32>
    %sub3A_387 = arith.subf %gather3A_386, %gather3A_380 : vector<16xf32>
    %div3A_388 = arith.constant 1.000000e+00 : f32
    %div3A_389 = vector.broadcast %div3A_388 : f32 to vector<16xf32>
    %div3A_390 = arith.divf %div3A_389, %sub3A_387 : vector<16xf32>
    %mul3A_391 = arith.mulf %gather3A_380, %div3A_390 : vector<16xf32>
    %sub3A_392 = arith.constant 5.000000e-01 : f32
    %sub3A_393 = vector.broadcast %sub3A_392 : f32 to vector<16xf32>
    %sub3A_394 = arith.subf %sub3A_393, %mul3A_391 : vector<16xf32>
    %scan3A_395 = arith.constant 0 : i32
    %scan3A_396 = arith.constant 288 : i32
    %scan3A_397 = arith.addi %scan3A_395, %scan3A_396 : i32
    %scan3A_398 = arith.constant 1 : i32
    %scan3A_399 = scf.for %scan3A_625 = %scan3A_395 to %scan3A_397 step %scan3A_398 iter_args(%scan3A_626 = %scan3A_320) -> (vector<16xf32>)  : i32 {
      %mul3A_627 = arith.constant 128 : i32
      %mul3A_628 = arith.muli %scan3A_625, %mul3A_627 : i32
      %add3A_629 = arith.constant 0 : i32
      %add3A_630 = arith.addi %mul3A_628, %add3A_629 : i32
      %get3A_631 = arith.index_cast %add3A_630 : i32 to index
      %get3A_632 = tpu.vector_load %arg8[%get3A_631] {strides = array<i32>} : memref<36864xf32, #tpu.memory_space<vmem>>, vector<16xf32>,
      %get3A_633 = vector.shape_cast %get3A_632 : vector<16xf32> to vector<16xf32>
      %mul3A_634 = arith.mulf %get3A_633, %div3A_390 : vector<16xf32>
      %add3A_635 = arith.addf %mul3A_634, %sub3A_394 : vector<16xf32>
      %max3A = arith.constant 0.000000e+00 : f32
      %max3A_636 = vector.broadcast %max3A : f32 to vector<16xf32>
      %max3A_637 = arith.maximumf %add3A_635, %max3A_636 : vector<16xf32>
      %min3A = arith.constant 1.500000e+01 : f32
      %min3A_638 = vector.broadcast %min3A : f32 to vector<16xf32>
      %min3A_639 = arith.minimumf %max3A_637, %min3A_638 : vector<16xf32>
      %convert_element_type3A = arith.fptosi %min3A_639 : vector<16xf32> to vector<16xi32>
      %broadcast_in_dim3A_640 = vector.shape_cast %convert_element_type3A : vector<16xi32> to vector<16x1xi32>
      %gather3A_641 = vector.shape_cast %broadcast_in_dim3A_640 : vector<16x1xi32> to vector<16xi32>
      %gather3A_642 = tpu.dynamic_gather %get3A_375[%gather3A_641] in [0] : vector<16xf32>, vector<16xi32> -> vector<16xf32>
      %add3A_643 = arith.addf %scan3A_626, %gather3A_642 : vector<16xf32>
      %add3A_644 = arith.constant 16 : i32
      %add3A_645 = arith.addi %mul3A_628, %add3A_644 : i32
      %get3A_646 = arith.index_cast %add3A_645 : i32 to index
      %get3A_647 = tpu.vector_load %arg8[%get3A_646] {strides = array<i32>} : memref<36864xf32, #tpu.memory_space<vmem>>, vector<16xf32>,
      %get3A_648 = vector.shape_cast %get3A_647 : vector<16xf32> to vector<16xf32>
      %mul3A_649 = arith.mulf %get3A_648, %div3A_390 : vector<16xf32>
      %add3A_650 = arith.addf %mul3A_649, %sub3A_394 : vector<16xf32>
      %max3A_651 = arith.constant 0.000000e+00 : f32
      %max3A_652 = vector.broadcast %max3A_651 : f32 to vector<16xf32>
      %max3A_653 = arith.maximumf %add3A_650, %max3A_652 : vector<16xf32>
      %min3A_654 = arith.constant 1.500000e+01 : f32
      %min3A_655 = vector.broadcast %min3A_654 : f32 to vector<16xf32>
      %min3A_656 = arith.minimumf %max3A_653, %min3A_655 : vector<16xf32>
      %convert_element_type3A_657 = arith.fptosi %min3A_656 : vector<16xf32> to vector<16xi32>
      %broadcast_in_dim3A_658 = vector.shape_cast %convert_element_type3A_657 : vector<16xi32> to vector<16x1xi32>
      %gather3A_659 = vector.shape_cast %broadcast_in_dim3A_658 : vector<16x1xi32> to vector<16xi32>
      %gather3A_660 = tpu.dynamic_gather %get3A_375[%gather3A_659] in [0] : vector<16xf32>, vector<16xi32> -> vector<16xf32>
      %add3A_661 = arith.addf %add3A_643, %gather3A_660 : vector<16xf32>
      %add3A_662 = arith.constant 32 : i32
      %add3A_663 = arith.addi %mul3A_628, %add3A_662 : i32
      %get3A_664 = arith.index_cast %add3A_663 : i32 to index
      %get3A_665 = tpu.vector_load %arg8[%get3A_664] {strides = array<i32>} : memref<36864xf32, #tpu.memory_space<vmem>>, vector<16xf32>,
      %get3A_666 = vector.shape_cast %get3A_665 : vector<16xf32> to vector<16xf32>
      %mul3A_667 = arith.mulf %get3A_666, %div3A_390 : vector<16xf32>
      %add3A_668 = arith.addf %mul3A_667, %sub3A_394 : vector<16xf32>
      %max3A_669 = arith.constant 0.000000e+00 : f32
      %max3A_670 = vector.broadcast %max3A_669 : f32 to vector<16xf32>
      %max3A_671 = arith.maximumf %add3A_668, %max3A_670 : vector<16xf32>
      %min3A_672 = arith.constant 1.500000e+01 : f32
      %min3A_673 = vector.broadcast %min3A_672 : f32 to vector<16xf32>
      %min3A_674 = arith.minimumf %max3A_671, %min3A_673 : vector<16xf32>
      %convert_element_type3A_675 = arith.fptosi %min3A_674 : vector<16xf32> to vector<16xi32>
      %broadcast_in_dim3A_676 = vector.shape_cast %convert_element_type3A_675 : vector<16xi32> to vector<16x1xi32>
      %gather3A_677 = vector.shape_cast %broadcast_in_dim3A_676 : vector<16x1xi32> to vector<16xi32>
      %gather3A_678 = tpu.dynamic_gather %get3A_375[%gather3A_677] in [0] : vector<16xf32>, vector<16xi32> -> vector<16xf32>
      %add3A_679 = arith.addf %add3A_661, %gather3A_678 : vector<16xf32>
      %add3A_680 = arith.constant 48 : i32
      %add3A_681 = arith.addi %mul3A_628, %add3A_680 : i32
      %get3A_682 = arith.index_cast %add3A_681 : i32 to index
      %get3A_683 = tpu.vector_load %arg8[%get3A_682] {strides = array<i32>} : memref<36864xf32, #tpu.memory_space<vmem>>, vector<16xf32>,
      %get3A_684 = vector.shape_cast %get3A_683 : vector<16xf32> to vector<16xf32>
      %mul3A_685 = arith.mulf %get3A_684, %div3A_390 : vector<16xf32>
      %add3A_686 = arith.addf %mul3A_685, %sub3A_394 : vector<16xf32>
      %max3A_687 = arith.constant 0.000000e+00 : f32
      %max3A_688 = vector.broadcast %max3A_687 : f32 to vector<16xf32>
      %max3A_689 = arith.maximumf %add3A_686, %max3A_688 : vector<16xf32>
      %min3A_690 = arith.constant 1.500000e+01 : f32
      %min3A_691 = vector.broadcast %min3A_690 : f32 to vector<16xf32>
      %min3A_692 = arith.minimumf %max3A_689, %min3A_691 : vector<16xf32>
      %convert_element_type3A_693 = arith.fptosi %min3A_692 : vector<16xf32> to vector<16xi32>
      %broadcast_in_dim3A_694 = vector.shape_cast %convert_element_type3A_693 : vector<16xi32> to vector<16x1xi32>
      %gather3A_695 = vector.shape_cast %broadcast_in_dim3A_694 : vector<16x1xi32> to vector<16xi32>
      %gather3A_696 = tpu.dynamic_gather %get3A_375[%gather3A_695] in [0] : vector<16xf32>, vector<16xi32> -> vector<16xf32>
      %add3A_697 = arith.addf %add3A_679, %gather3A_696 : vector<16xf32>
      %add3A_698 = arith.constant 64 : i32
      %add3A_699 = arith.addi %mul3A_628, %add3A_698 : i32
      %get3A_700 = arith.index_cast %add3A_699 : i32 to index
      %get3A_701 = tpu.vector_load %arg8[%get3A_700] {strides = array<i32>} : memref<36864xf32, #tpu.memory_space<vmem>>, vector<16xf32>,
      %get3A_702 = vector.shape_cast %get3A_701 : vector<16xf32> to vector<16xf32>
      %mul3A_703 = arith.mulf %get3A_702, %div3A_390 : vector<16xf32>
      %add3A_704 = arith.addf %mul3A_703, %sub3A_394 : vector<16xf32>
      %max3A_705 = arith.constant 0.000000e+00 : f32
      %max3A_706 = vector.broadcast %max3A_705 : f32 to vector<16xf32>
      %max3A_707 = arith.maximumf %add3A_704, %max3A_706 : vector<16xf32>
      %min3A_708 = arith.constant 1.500000e+01 : f32
      %min3A_709 = vector.broadcast %min3A_708 : f32 to vector<16xf32>
      %min3A_710 = arith.minimumf %max3A_707, %min3A_709 : vector<16xf32>
      %convert_element_type3A_711 = arith.fptosi %min3A_710 : vector<16xf32> to vector<16xi32>
      %broadcast_in_dim3A_712 = vector.shape_cast %convert_element_type3A_711 : vector<16xi32> to vector<16x1xi32>
      %gather3A_713 = vector.shape_cast %broadcast_in_dim3A_712 : vector<16x1xi32> to vector<16xi32>
      %gather3A_714 = tpu.dynamic_gather %get3A_375[%gather3A_713] in [0] : vector<16xf32>, vector<16xi32> -> vector<16xf32>
      %add3A_715 = arith.addf %add3A_697, %gather3A_714 : vector<16xf32>
      %add3A_716 = arith.constant 80 : i32
      %add3A_717 = arith.addi %mul3A_628, %add3A_716 : i32
      %get3A_718 = arith.index_cast %add3A_717 : i32 to index
      %get3A_719 = tpu.vector_load %arg8[%get3A_718] {strides = array<i32>} : memref<36864xf32, #tpu.memory_space<vmem>>, vector<16xf32>,
      %get3A_720 = vector.shape_cast %get3A_719 : vector<16xf32> to vector<16xf32>
      %mul3A_721 = arith.mulf %get3A_720, %div3A_390 : vector<16xf32>
      %add3A_722 = arith.addf %mul3A_721, %sub3A_394 : vector<16xf32>
      %max3A_723 = arith.constant 0.000000e+00 : f32
      %max3A_724 = vector.broadcast %max3A_723 : f32 to vector<16xf32>
      %max3A_725 = arith.maximumf %add3A_722, %max3A_724 : vector<16xf32>
      %min3A_726 = arith.constant 1.500000e+01 : f32
      %min3A_727 = vector.broadcast %min3A_726 : f32 to vector<16xf32>
      %min3A_728 = arith.minimumf %max3A_725, %min3A_727 : vector<16xf32>
      %convert_element_type3A_729 = arith.fptosi %min3A_728 : vector<16xf32> to vector<16xi32>
      %broadcast_in_dim3A_730 = vector.shape_cast %convert_element_type3A_729 : vector<16xi32> to vector<16x1xi32>
      %gather3A_731 = vector.shape_cast %broadcast_in_dim3A_730 : vector<16x1xi32> to vector<16xi32>
      %gather3A_732 = tpu.dynamic_gather %get3A_375[%gather3A_731] in [0] : vector<16xf32>, vector<16xi32> -> vector<16xf32>
      %add3A_733 = arith.addf %add3A_715, %gather3A_732 : vector<16xf32>
      %add3A_734 = arith.constant 96 : i32
      %add3A_735 = arith.addi %mul3A_628, %add3A_734 : i32
      %get3A_736 = arith.index_cast %add3A_735 : i32 to index
      %get3A_737 = tpu.vector_load %arg8[%get3A_736] {strides = array<i32>} : memref<36864xf32, #tpu.memory_space<vmem>>, vector<16xf32>,
      %get3A_738 = vector.shape_cast %get3A_737 : vector<16xf32> to vector<16xf32>
      %mul3A_739 = arith.mulf %get3A_738, %div3A_390 : vector<16xf32>
      %add3A_740 = arith.addf %mul3A_739, %sub3A_394 : vector<16xf32>
      %max3A_741 = arith.constant 0.000000e+00 : f32
      %max3A_742 = vector.broadcast %max3A_741 : f32 to vector<16xf32>
      %max3A_743 = arith.maximumf %add3A_740, %max3A_742 : vector<16xf32>
      %min3A_744 = arith.constant 1.500000e+01 : f32
      %min3A_745 = vector.broadcast %min3A_744 : f32 to vector<16xf32>
      %min3A_746 = arith.minimumf %max3A_743, %min3A_745 : vector<16xf32>
      %convert_element_type3A_747 = arith.fptosi %min3A_746 : vector<16xf32> to vector<16xi32>
      %broadcast_in_dim3A_748 = vector.shape_cast %convert_element_type3A_747 : vector<16xi32> to vector<16x1xi32>
      %gather3A_749 = vector.shape_cast %broadcast_in_dim3A_748 : vector<16x1xi32> to vector<16xi32>
      %gather3A_750 = tpu.dynamic_gather %get3A_375[%gather3A_749] in [0] : vector<16xf32>, vector<16xi32> -> vector<16xf32>
      %add3A_751 = arith.addf %add3A_733, %gather3A_750 : vector<16xf32>
      %add3A_752 = arith.constant 112 : i32
      %add3A_753 = arith.addi %mul3A_628, %add3A_752 : i32
      %get3A_754 = arith.index_cast %add3A_753 : i32 to index
      %get3A_755 = tpu.vector_load %arg8[%get3A_754] {strides = array<i32>} : memref<36864xf32, #tpu.memory_space<vmem>>, vector<16xf32>,
      %get3A_756 = vector.shape_cast %get3A_755 : vector<16xf32> to vector<16xf32>
      %mul3A_757 = arith.mulf %get3A_756, %div3A_390 : vector<16xf32>
      %add3A_758 = arith.addf %mul3A_757, %sub3A_394 : vector<16xf32>
      %max3A_759 = arith.constant 0.000000e+00 : f32
      %max3A_760 = vector.broadcast %max3A_759 : f32 to vector<16xf32>
      %max3A_761 = arith.maximumf %add3A_758, %max3A_760 : vector<16xf32>
      %min3A_762 = arith.constant 1.500000e+01 : f32
      %min3A_763 = vector.broadcast %min3A_762 : f32 to vector<16xf32>
      %min3A_764 = arith.minimumf %max3A_761, %min3A_763 : vector<16xf32>
      %convert_element_type3A_765 = arith.fptosi %min3A_764 : vector<16xf32> to vector<16xi32>
      %broadcast_in_dim3A_766 = vector.shape_cast %convert_element_type3A_765 : vector<16xi32> to vector<16x1xi32>
      %gather3A_767 = vector.shape_cast %broadcast_in_dim3A_766 : vector<16x1xi32> to vector<16xi32>
      %gather3A_768 = tpu.dynamic_gather %get3A_375[%gather3A_767] in [0] : vector<16xf32>, vector<16xi32> -> vector<16xf32>
      %add3A_769 = arith.addf %add3A_751, %gather3A_768 : vector<16xf32>
      scf.yield %add3A_769 : vector<16xf32>
    }
    %scan3A_400 = arith.constant 288 : i32
    %dma_wait3A_401 = tpu.memref_slice %arg5[%add3A_343] : memref<9437184xf32, #tpu.memory_space<hbm>> -> memref<36864xf32, #tpu.memory_space<hbm>>
    %dma_wait3A_402 = tpu.memref_slice %arg5[%add3A_343] : memref<9437184xf32, #tpu.memory_space<hbm>> -> memref<36864xf32, #tpu.memory_space<hbm>>
    tpu.wait_dma2 semaphore(%arg18 : memref<!tpu.dma_semaphore, #tpu.memory_space<semaphore_mem>>) src(%arg8 : memref<36864xf32, #tpu.memory_space<vmem>>) dst(%dma_wait3A_402 : memref<36864xf32, #tpu.memory_space<hbm>>)
    %mul3A_403 = arith.constant 2 : i32
    %mul3A_404 = arith.muli %add3A, %mul3A_403 : i32
    %add3A_405 = arith.constant 1 : i32
    %add3A_406 = arith.addi %mul3A_404, %add3A_405 : i32
    %mul3A_407 = arith.constant 147456 : i32
    %mul3A_408 = arith.muli %add3A_406, %mul3A_407 : i32
    %add3A_409 = arith.constant 110592 : i32
    %add3A_410 = arith.addi %mul3A_408, %add3A_409 : i32
    %dma_start3A_411 = tpu.memref_slice %arg2[%add3A_410] : memref<9437184xf32, #tpu.memory_space<hbm>> -> memref<36864xf32, #tpu.memory_space<hbm>>
    %dma_start3A_412 = tpu.memref_slice %arg2[%add3A_410] : memref<9437184xf32, #tpu.memory_space<hbm>> -> memref<36864xf32, #tpu.memory_space<hbm>>
    tpu.enqueue_dma source(%dma_start3A_412 : memref<36864xf32, #tpu.memory_space<hbm>>) target(%arg8 : memref<36864xf32, #tpu.memory_space<vmem>>) target_semaphore(%arg15 : memref<!tpu.dma_semaphore, #tpu.memory_space<semaphore_mem>>)
    %dma_wait3A_413 = tpu.memref_slice %arg2[%add3A_252] : memref<9437184xf32, #tpu.memory_space<hbm>> -> memref<36864xf32, #tpu.memory_space<hbm>>
    %dma_wait3A_414 = tpu.memref_slice %arg2[%add3A_252] : memref<9437184xf32, #tpu.memory_space<hbm>> -> memref<36864xf32, #tpu.memory_space<hbm>>
    tpu.wait_dma2 semaphore(%arg16 : memref<!tpu.dma_semaphore, #tpu.memory_space<semaphore_mem>>) src(%dma_wait3A_414 : memref<36864xf32, #tpu.memory_space<hbm>>) dst(%arg9 : memref<36864xf32, #tpu.memory_space<vmem>>)
    %mul3A_415 = arith.constant 2 : i32
    %mul3A_416 = arith.muli %add3A, %mul3A_415 : i32
    %add3A_417 = arith.constant 1 : i32
    %add3A_418 = arith.addi %mul3A_416, %add3A_417 : i32
    %mul3A_419 = arith.constant 147456 : i32
    %mul3A_420 = arith.muli %add3A_418, %mul3A_419 : i32
    %add3A_421 = arith.constant 36864 : i32
    %add3A_422 = arith.addi %mul3A_420, %add3A_421 : i32
    %dma_start3A_423 = tpu.memref_slice %arg5[%add3A_422] : memref<9437184xf32, #tpu.memory_space<hbm>> -> memref<36864xf32, #tpu.memory_space<hbm>>
    %dma_start3A_424 = tpu.memref_slice %arg5[%add3A_422] : memref<9437184xf32, #tpu.memory_space<hbm>> -> memref<36864xf32, #tpu.memory_space<hbm>>
    tpu.enqueue_dma source(%arg9 : memref<36864xf32, #tpu.memory_space<vmem>>) target(%dma_start3A_424 : memref<36864xf32, #tpu.memory_space<hbm>>) target_semaphore(%arg19 : memref<!tpu.dma_semaphore, #tpu.memory_space<semaphore_mem>>)
    %mul3A_425 = arith.constant 2 : i32
    %mul3A_426 = arith.muli %add3A, %mul3A_425 : i32
    %add3A_427 = arith.constant 1 : i32
    %add3A_428 = arith.addi %mul3A_426, %add3A_427 : i32
    %jit3A_429 = arith.constant 4 : i32
    %eq3A_430 = arith.constant 0 : i32
    %eq3A_431 = arith.cmpi eq, %jit3A_429, %eq3A_430 : i32
    %jit3A_432 = arith.constant 1 : i32
    %select_n3A_433 = arith.select %eq3A_431, %jit3A_432, %jit3A_429 : i32
    %rem3A_434 = arith.remsi %add3A_428, %select_n3A_433 : i32
    %ne3A_435 = arith.constant 0 : i32
    %ne3A_436 = arith.cmpi ne, %rem3A_434, %ne3A_435 : i32
    %lt3A_437 = arith.constant 0 : i32
    %lt3A_438 = arith.cmpi slt, %rem3A_434, %lt3A_437 : i32
    %lt3A_439 = arith.constant 0 : i32
    %lt3A_440 = arith.cmpi slt, %select_n3A_433, %lt3A_439 : i32
    %ne3A_441 = arith.xori %lt3A_438, %lt3A_440 : i1
    %and3A_442 = arith.andi %ne3A_441, %ne3A_436 : i1
    %add3A_443 = arith.addi %rem3A_434, %select_n3A_433 : i32
    %select_n3A_444 = arith.select %and3A_442, %add3A_443, %rem3A_434 : i32
    %mul3A_445 = arith.constant 16 : i32
    %mul3A_446 = arith.muli %select_n3A_444, %mul3A_445 : i32
    %get3A_447 = arith.index_cast %mul3A_446 : i32 to index
    %get3A_448 = tpu.vector_load %arg10[%get3A_447] {strides = array<i32>} : memref<64xf32, #tpu.memory_space<vmem>>, vector<16xf32>,
    %get3A_449 = vector.shape_cast %get3A_448 : vector<16xf32> to vector<16xf32>
    %mul3A_450 = arith.constant 16 : i32
    %mul3A_451 = arith.muli %select_n3A_444, %mul3A_450 : i32
    %get3A_452 = arith.index_cast %mul3A_451 : i32 to index
    %get3A_453 = tpu.vector_load %arg11[%get3A_452] {strides = array<i32>} : memref<64xf32, #tpu.memory_space<vmem>>, vector<16xf32>,
    %get3A_454 = vector.shape_cast %get3A_453 : vector<16xf32> to vector<16xf32>
    %broadcast_in_dim3A_455 = arith.constant 0 : i32
    %broadcast_in_dim3A_456 = vector.broadcast %broadcast_in_dim3A_455 : i32 to vector<16xi32>
    %broadcast_in_dim3A_457 = vector.shape_cast %broadcast_in_dim3A_456 : vector<16xi32> to vector<16x1xi32>
    %gather3A_458 = vector.shape_cast %broadcast_in_dim3A_457 : vector<16x1xi32> to vector<16xi32>
    %gather3A_459 = tpu.dynamic_gather %get3A_449[%gather3A_458] in [0] : vector<16xf32>, vector<16xi32> -> vector<16xf32>
    %add3A_460 = arith.constant 1 : i32
    %add3A_461 = vector.broadcast %add3A_460 : i32 to vector<16xi32>
    %add3A_462 = arith.addi %broadcast_in_dim3A_456, %add3A_461 : vector<16xi32>
    %broadcast_in_dim3A_463 = vector.shape_cast %add3A_462 : vector<16xi32> to vector<16x1xi32>
    %gather3A_464 = vector.shape_cast %broadcast_in_dim3A_463 : vector<16x1xi32> to vector<16xi32>
    %gather3A_465 = tpu.dynamic_gather %get3A_449[%gather3A_464] in [0] : vector<16xf32>, vector<16xi32> -> vector<16xf32>
    %sub3A_466 = arith.subf %gather3A_465, %gather3A_459 : vector<16xf32>
    %div3A_467 = arith.constant 1.000000e+00 : f32
    %div3A_468 = vector.broadcast %div3A_467 : f32 to vector<16xf32>
    %div3A_469 = arith.divf %div3A_468, %sub3A_466 : vector<16xf32>
    %mul3A_470 = arith.mulf %gather3A_459, %div3A_469 : vector<16xf32>
    %sub3A_471 = arith.constant 5.000000e-01 : f32
    %sub3A_472 = vector.broadcast %sub3A_471 : f32 to vector<16xf32>
    %sub3A_473 = arith.subf %sub3A_472, %mul3A_470 : vector<16xf32>
    %scan3A_474 = arith.constant 0 : i32
    %scan3A_475 = arith.constant 288 : i32
    %scan3A_476 = arith.addi %scan3A_474, %scan3A_475 : i32
    %scan3A_477 = arith.constant 1 : i32
    %scan3A_478 = scf.for %scan3A_625 = %scan3A_474 to %scan3A_476 step %scan3A_477 iter_args(%scan3A_626 = %scan3A_399) -> (vector<16xf32>)  : i32 {
      %mul3A_627 = arith.constant 128 : i32
      %mul3A_628 = arith.muli %scan3A_625, %mul3A_627 : i32
      %add3A_629 = arith.constant 0 : i32
      %add3A_630 = arith.addi %mul3A_628, %add3A_629 : i32
      %get3A_631 = arith.index_cast %add3A_630 : i32 to index
      %get3A_632 = tpu.vector_load %arg9[%get3A_631] {strides = array<i32>} : memref<36864xf32, #tpu.memory_space<vmem>>, vector<16xf32>,
      %get3A_633 = vector.shape_cast %get3A_632 : vector<16xf32> to vector<16xf32>
      %mul3A_634 = arith.mulf %get3A_633, %div3A_469 : vector<16xf32>
      %add3A_635 = arith.addf %mul3A_634, %sub3A_473 : vector<16xf32>
      %max3A = arith.constant 0.000000e+00 : f32
      %max3A_636 = vector.broadcast %max3A : f32 to vector<16xf32>
      %max3A_637 = arith.maximumf %add3A_635, %max3A_636 : vector<16xf32>
      %min3A = arith.constant 1.500000e+01 : f32
      %min3A_638 = vector.broadcast %min3A : f32 to vector<16xf32>
      %min3A_639 = arith.minimumf %max3A_637, %min3A_638 : vector<16xf32>
      %convert_element_type3A = arith.fptosi %min3A_639 : vector<16xf32> to vector<16xi32>
      %broadcast_in_dim3A_640 = vector.shape_cast %convert_element_type3A : vector<16xi32> to vector<16x1xi32>
      %gather3A_641 = vector.shape_cast %broadcast_in_dim3A_640 : vector<16x1xi32> to vector<16xi32>
      %gather3A_642 = tpu.dynamic_gather %get3A_454[%gather3A_641] in [0] : vector<16xf32>, vector<16xi32> -> vector<16xf32>
      %add3A_643 = arith.addf %scan3A_626, %gather3A_642 : vector<16xf32>
      %add3A_644 = arith.constant 16 : i32
      %add3A_645 = arith.addi %mul3A_628, %add3A_644 : i32
      %get3A_646 = arith.index_cast %add3A_645 : i32 to index
      %get3A_647 = tpu.vector_load %arg9[%get3A_646] {strides = array<i32>} : memref<36864xf32, #tpu.memory_space<vmem>>, vector<16xf32>,
      %get3A_648 = vector.shape_cast %get3A_647 : vector<16xf32> to vector<16xf32>
      %mul3A_649 = arith.mulf %get3A_648, %div3A_469 : vector<16xf32>
      %add3A_650 = arith.addf %mul3A_649, %sub3A_473 : vector<16xf32>
      %max3A_651 = arith.constant 0.000000e+00 : f32
      %max3A_652 = vector.broadcast %max3A_651 : f32 to vector<16xf32>
      %max3A_653 = arith.maximumf %add3A_650, %max3A_652 : vector<16xf32>
      %min3A_654 = arith.constant 1.500000e+01 : f32
      %min3A_655 = vector.broadcast %min3A_654 : f32 to vector<16xf32>
      %min3A_656 = arith.minimumf %max3A_653, %min3A_655 : vector<16xf32>
      %convert_element_type3A_657 = arith.fptosi %min3A_656 : vector<16xf32> to vector<16xi32>
      %broadcast_in_dim3A_658 = vector.shape_cast %convert_element_type3A_657 : vector<16xi32> to vector<16x1xi32>
      %gather3A_659 = vector.shape_cast %broadcast_in_dim3A_658 : vector<16x1xi32> to vector<16xi32>
      %gather3A_660 = tpu.dynamic_gather %get3A_454[%gather3A_659] in [0] : vector<16xf32>, vector<16xi32> -> vector<16xf32>
      %add3A_661 = arith.addf %add3A_643, %gather3A_660 : vector<16xf32>
      %add3A_662 = arith.constant 32 : i32
      %add3A_663 = arith.addi %mul3A_628, %add3A_662 : i32
      %get3A_664 = arith.index_cast %add3A_663 : i32 to index
      %get3A_665 = tpu.vector_load %arg9[%get3A_664] {strides = array<i32>} : memref<36864xf32, #tpu.memory_space<vmem>>, vector<16xf32>,
      %get3A_666 = vector.shape_cast %get3A_665 : vector<16xf32> to vector<16xf32>
      %mul3A_667 = arith.mulf %get3A_666, %div3A_469 : vector<16xf32>
      %add3A_668 = arith.addf %mul3A_667, %sub3A_473 : vector<16xf32>
      %max3A_669 = arith.constant 0.000000e+00 : f32
      %max3A_670 = vector.broadcast %max3A_669 : f32 to vector<16xf32>
      %max3A_671 = arith.maximumf %add3A_668, %max3A_670 : vector<16xf32>
      %min3A_672 = arith.constant 1.500000e+01 : f32
      %min3A_673 = vector.broadcast %min3A_672 : f32 to vector<16xf32>
      %min3A_674 = arith.minimumf %max3A_671, %min3A_673 : vector<16xf32>
      %convert_element_type3A_675 = arith.fptosi %min3A_674 : vector<16xf32> to vector<16xi32>
      %broadcast_in_dim3A_676 = vector.shape_cast %convert_element_type3A_675 : vector<16xi32> to vector<16x1xi32>
      %gather3A_677 = vector.shape_cast %broadcast_in_dim3A_676 : vector<16x1xi32> to vector<16xi32>
      %gather3A_678 = tpu.dynamic_gather %get3A_454[%gather3A_677] in [0] : vector<16xf32>, vector<16xi32> -> vector<16xf32>
      %add3A_679 = arith.addf %add3A_661, %gather3A_678 : vector<16xf32>
      %add3A_680 = arith.constant 48 : i32
      %add3A_681 = arith.addi %mul3A_628, %add3A_680 : i32
      %get3A_682 = arith.index_cast %add3A_681 : i32 to index
      %get3A_683 = tpu.vector_load %arg9[%get3A_682] {strides = array<i32>} : memref<36864xf32, #tpu.memory_space<vmem>>, vector<16xf32>,
      %get3A_684 = vector.shape_cast %get3A_683 : vector<16xf32> to vector<16xf32>
      %mul3A_685 = arith.mulf %get3A_684, %div3A_469 : vector<16xf32>
      %add3A_686 = arith.addf %mul3A_685, %sub3A_473 : vector<16xf32>
      %max3A_687 = arith.constant 0.000000e+00 : f32
      %max3A_688 = vector.broadcast %max3A_687 : f32 to vector<16xf32>
      %max3A_689 = arith.maximumf %add3A_686, %max3A_688 : vector<16xf32>
      %min3A_690 = arith.constant 1.500000e+01 : f32
      %min3A_691 = vector.broadcast %min3A_690 : f32 to vector<16xf32>
      %min3A_692 = arith.minimumf %max3A_689, %min3A_691 : vector<16xf32>
      %convert_element_type3A_693 = arith.fptosi %min3A_692 : vector<16xf32> to vector<16xi32>
      %broadcast_in_dim3A_694 = vector.shape_cast %convert_element_type3A_693 : vector<16xi32> to vector<16x1xi32>
      %gather3A_695 = vector.shape_cast %broadcast_in_dim3A_694 : vector<16x1xi32> to vector<16xi32>
      %gather3A_696 = tpu.dynamic_gather %get3A_454[%gather3A_695] in [0] : vector<16xf32>, vector<16xi32> -> vector<16xf32>
      %add3A_697 = arith.addf %add3A_679, %gather3A_696 : vector<16xf32>
      %add3A_698 = arith.constant 64 : i32
      %add3A_699 = arith.addi %mul3A_628, %add3A_698 : i32
      %get3A_700 = arith.index_cast %add3A_699 : i32 to index
      %get3A_701 = tpu.vector_load %arg9[%get3A_700] {strides = array<i32>} : memref<36864xf32, #tpu.memory_space<vmem>>, vector<16xf32>,
      %get3A_702 = vector.shape_cast %get3A_701 : vector<16xf32> to vector<16xf32>
      %mul3A_703 = arith.mulf %get3A_702, %div3A_469 : vector<16xf32>
      %add3A_704 = arith.addf %mul3A_703, %sub3A_473 : vector<16xf32>
      %max3A_705 = arith.constant 0.000000e+00 : f32
      %max3A_706 = vector.broadcast %max3A_705 : f32 to vector<16xf32>
      %max3A_707 = arith.maximumf %add3A_704, %max3A_706 : vector<16xf32>
      %min3A_708 = arith.constant 1.500000e+01 : f32
      %min3A_709 = vector.broadcast %min3A_708 : f32 to vector<16xf32>
      %min3A_710 = arith.minimumf %max3A_707, %min3A_709 : vector<16xf32>
      %convert_element_type3A_711 = arith.fptosi %min3A_710 : vector<16xf32> to vector<16xi32>
      %broadcast_in_dim3A_712 = vector.shape_cast %convert_element_type3A_711 : vector<16xi32> to vector<16x1xi32>
      %gather3A_713 = vector.shape_cast %broadcast_in_dim3A_712 : vector<16x1xi32> to vector<16xi32>
      %gather3A_714 = tpu.dynamic_gather %get3A_454[%gather3A_713] in [0] : vector<16xf32>, vector<16xi32> -> vector<16xf32>
      %add3A_715 = arith.addf %add3A_697, %gather3A_714 : vector<16xf32>
      %add3A_716 = arith.constant 80 : i32
      %add3A_717 = arith.addi %mul3A_628, %add3A_716 : i32
      %get3A_718 = arith.index_cast %add3A_717 : i32 to index
      %get3A_719 = tpu.vector_load %arg9[%get3A_718] {strides = array<i32>} : memref<36864xf32, #tpu.memory_space<vmem>>, vector<16xf32>,
      %get3A_720 = vector.shape_cast %get3A_719 : vector<16xf32> to vector<16xf32>
      %mul3A_721 = arith.mulf %get3A_720, %div3A_469 : vector<16xf32>
      %add3A_722 = arith.addf %mul3A_721, %sub3A_473 : vector<16xf32>
      %max3A_723 = arith.constant 0.000000e+00 : f32
      %max3A_724 = vector.broadcast %max3A_723 : f32 to vector<16xf32>
      %max3A_725 = arith.maximumf %add3A_722, %max3A_724 : vector<16xf32>
      %min3A_726 = arith.constant 1.500000e+01 : f32
      %min3A_727 = vector.broadcast %min3A_726 : f32 to vector<16xf32>
      %min3A_728 = arith.minimumf %max3A_725, %min3A_727 : vector<16xf32>
      %convert_element_type3A_729 = arith.fptosi %min3A_728 : vector<16xf32> to vector<16xi32>
      %broadcast_in_dim3A_730 = vector.shape_cast %convert_element_type3A_729 : vector<16xi32> to vector<16x1xi32>
      %gather3A_731 = vector.shape_cast %broadcast_in_dim3A_730 : vector<16x1xi32> to vector<16xi32>
      %gather3A_732 = tpu.dynamic_gather %get3A_454[%gather3A_731] in [0] : vector<16xf32>, vector<16xi32> -> vector<16xf32>
      %add3A_733 = arith.addf %add3A_715, %gather3A_732 : vector<16xf32>
      %add3A_734 = arith.constant 96 : i32
      %add3A_735 = arith.addi %mul3A_628, %add3A_734 : i32
      %get3A_736 = arith.index_cast %add3A_735 : i32 to index
      %get3A_737 = tpu.vector_load %arg9[%get3A_736] {strides = array<i32>} : memref<36864xf32, #tpu.memory_space<vmem>>, vector<16xf32>,
      %get3A_738 = vector.shape_cast %get3A_737 : vector<16xf32> to vector<16xf32>
      %mul3A_739 = arith.mulf %get3A_738, %div3A_469 : vector<16xf32>
      %add3A_740 = arith.addf %mul3A_739, %sub3A_473 : vector<16xf32>
      %max3A_741 = arith.constant 0.000000e+00 : f32
      %max3A_742 = vector.broadcast %max3A_741 : f32 to vector<16xf32>
      %max3A_743 = arith.maximumf %add3A_740, %max3A_742 : vector<16xf32>
      %min3A_744 = arith.constant 1.500000e+01 : f32
      %min3A_745 = vector.broadcast %min3A_744 : f32 to vector<16xf32>
      %min3A_746 = arith.minimumf %max3A_743, %min3A_745 : vector<16xf32>
      %convert_element_type3A_747 = arith.fptosi %min3A_746 : vector<16xf32> to vector<16xi32>
      %broadcast_in_dim3A_748 = vector.shape_cast %convert_element_type3A_747 : vector<16xi32> to vector<16x1xi32>
      %gather3A_749 = vector.shape_cast %broadcast_in_dim3A_748 : vector<16x1xi32> to vector<16xi32>
      %gather3A_750 = tpu.dynamic_gather %get3A_454[%gather3A_749] in [0] : vector<16xf32>, vector<16xi32> -> vector<16xf32>
      %add3A_751 = arith.addf %add3A_733, %gather3A_750 : vector<16xf32>
      %add3A_752 = arith.constant 112 : i32
      %add3A_753 = arith.addi %mul3A_628, %add3A_752 : i32
      %get3A_754 = arith.index_cast %add3A_753 : i32 to index
      %get3A_755 = tpu.vector_load %arg9[%get3A_754] {strides = array<i32>} : memref<36864xf32, #tpu.memory_space<vmem>>, vector<16xf32>,
      %get3A_756 = vector.shape_cast %get3A_755 : vector<16xf32> to vector<16xf32>
      %mul3A_757 = arith.mulf %get3A_756, %div3A_469 : vector<16xf32>
      %add3A_758 = arith.addf %mul3A_757, %sub3A_473 : vector<16xf32>
      %max3A_759 = arith.constant 0.000000e+00 : f32
      %max3A_760 = vector.broadcast %max3A_759 : f32 to vector<16xf32>
      %max3A_761 = arith.maximumf %add3A_758, %max3A_760 : vector<16xf32>
      %min3A_762 = arith.constant 1.500000e+01 : f32
      %min3A_763 = vector.broadcast %min3A_762 : f32 to vector<16xf32>
      %min3A_764 = arith.minimumf %max3A_761, %min3A_763 : vector<16xf32>
      %convert_element_type3A_765 = arith.fptosi %min3A_764 : vector<16xf32> to vector<16xi32>
      %broadcast_in_dim3A_766 = vector.shape_cast %convert_element_type3A_765 : vector<16xi32> to vector<16x1xi32>
      %gather3A_767 = vector.shape_cast %broadcast_in_dim3A_766 : vector<16x1xi32> to vector<16xi32>
      %gather3A_768 = tpu.dynamic_gather %get3A_454[%gather3A_767] in [0] : vector<16xf32>, vector<16xi32> -> vector<16xf32>
      %add3A_769 = arith.addf %add3A_751, %gather3A_768 : vector<16xf32>
      scf.yield %add3A_769 : vector<16xf32>
    }
    %scan3A_479 = arith.constant 288 : i32
    %dma_wait3A_480 = tpu.memref_slice %arg2[%add3A_331] : memref<9437184xf32, #tpu.memory_space<hbm>> -> memref<36864xf32, #tpu.memory_space<hbm>>
    %dma_wait3A_481 = tpu.memref_slice %arg2[%add3A_331] : memref<9437184xf32, #tpu.memory_space<hbm>> -> memref<36864xf32, #tpu.memory_space<hbm>>
    tpu.wait_dma2 semaphore(%arg14 : memref<!tpu.dma_semaphore, #tpu.memory_space<semaphore_mem>>) src(%dma_wait3A_481 : memref<36864xf32, #tpu.memory_space<hbm>>) dst(%arg7 : memref<36864xf32, #tpu.memory_space<vmem>>)
    %mul3A_482 = arith.constant 2 : i32
    %mul3A_483 = arith.muli %add3A, %mul3A_482 : i32
    %add3A_484 = arith.constant 1 : i32
    %add3A_485 = arith.addi %mul3A_483, %add3A_484 : i32
    %mul3A_486 = arith.constant 147456 : i32
    %mul3A_487 = arith.muli %add3A_485, %mul3A_486 : i32
    %add3A_488 = arith.constant 73728 : i32
    %add3A_489 = arith.addi %mul3A_487, %add3A_488 : i32
    %dma_start3A_490 = tpu.memref_slice %arg5[%add3A_489] : memref<9437184xf32, #tpu.memory_space<hbm>> -> memref<36864xf32, #tpu.memory_space<hbm>>
    %dma_start3A_491 = tpu.memref_slice %arg5[%add3A_489] : memref<9437184xf32, #tpu.memory_space<hbm>> -> memref<36864xf32, #tpu.memory_space<hbm>>
    tpu.enqueue_dma source(%arg7 : memref<36864xf32, #tpu.memory_space<vmem>>) target(%dma_start3A_491 : memref<36864xf32, #tpu.memory_space<hbm>>) target_semaphore(%arg17 : memref<!tpu.dma_semaphore, #tpu.memory_space<semaphore_mem>>)
    %mul3A_492 = arith.constant 2 : i32
    %mul3A_493 = arith.muli %add3A, %mul3A_492 : i32
    %add3A_494 = arith.constant 1 : i32
    %add3A_495 = arith.addi %mul3A_493, %add3A_494 : i32
    %jit3A_496 = arith.constant 4 : i32
    %eq3A_497 = arith.constant 0 : i32
    %eq3A_498 = arith.cmpi eq, %jit3A_496, %eq3A_497 : i32
    %jit3A_499 = arith.constant 1 : i32
    %select_n3A_500 = arith.select %eq3A_498, %jit3A_499, %jit3A_496 : i32
    %rem3A_501 = arith.remsi %add3A_495, %select_n3A_500 : i32
    %ne3A_502 = arith.constant 0 : i32
    %ne3A_503 = arith.cmpi ne, %rem3A_501, %ne3A_502 : i32
    %lt3A_504 = arith.constant 0 : i32
    %lt3A_505 = arith.cmpi slt, %rem3A_501, %lt3A_504 : i32
    %lt3A_506 = arith.constant 0 : i32
    %lt3A_507 = arith.cmpi slt, %select_n3A_500, %lt3A_506 : i32
    %ne3A_508 = arith.xori %lt3A_505, %lt3A_507 : i1
    %and3A_509 = arith.andi %ne3A_508, %ne3A_503 : i1
    %add3A_510 = arith.addi %rem3A_501, %select_n3A_500 : i32
    %select_n3A_511 = arith.select %and3A_509, %add3A_510, %rem3A_501 : i32
    %mul3A_512 = arith.constant 16 : i32
    %mul3A_513 = arith.muli %select_n3A_511, %mul3A_512 : i32
    %get3A_514 = arith.index_cast %mul3A_513 : i32 to index
    %get3A_515 = tpu.vector_load %arg10[%get3A_514] {strides = array<i32>} : memref<64xf32, #tpu.memory_space<vmem>>, vector<16xf32>,
    %get3A_516 = vector.shape_cast %get3A_515 : vector<16xf32> to vector<16xf32>
    %mul3A_517 = arith.constant 16 : i32
    %mul3A_518 = arith.muli %select_n3A_511, %mul3A_517 : i32
    %get3A_519 = arith.index_cast %mul3A_518 : i32 to index
    %get3A_520 = tpu.vector_load %arg11[%get3A_519] {strides = array<i32>} : memref<64xf32, #tpu.memory_space<vmem>>, vector<16xf32>,
    %get3A_521 = vector.shape_cast %get3A_520 : vector<16xf32> to vector<16xf32>
    %broadcast_in_dim3A_522 = arith.constant 0 : i32
    %broadcast_in_dim3A_523 = vector.broadcast %broadcast_in_dim3A_522 : i32 to vector<16xi32>
    %broadcast_in_dim3A_524 = vector.shape_cast %broadcast_in_dim3A_523 : vector<16xi32> to vector<16x1xi32>
    %gather3A_525 = vector.shape_cast %broadcast_in_dim3A_524 : vector<16x1xi32> to vector<16xi32>
    %gather3A_526 = tpu.dynamic_gather %get3A_516[%gather3A_525] in [0] : vector<16xf32>, vector<16xi32> -> vector<16xf32>
    %add3A_527 = arith.constant 1 : i32
    %add3A_528 = vector.broadcast %add3A_527 : i32 to vector<16xi32>
    %add3A_529 = arith.addi %broadcast_in_dim3A_523, %add3A_528 : vector<16xi32>
    %broadcast_in_dim3A_530 = vector.shape_cast %add3A_529 : vector<16xi32> to vector<16x1xi32>
    %gather3A_531 = vector.shape_cast %broadcast_in_dim3A_530 : vector<16x1xi32> to vector<16xi32>
    %gather3A_532 = tpu.dynamic_gather %get3A_516[%gather3A_531] in [0] : vector<16xf32>, vector<16xi32> -> vector<16xf32>
    %sub3A_533 = arith.subf %gather3A_532, %gather3A_526 : vector<16xf32>
    %div3A_534 = arith.constant 1.000000e+00 : f32
    %div3A_535 = vector.broadcast %div3A_534 : f32 to vector<16xf32>
    %div3A_536 = arith.divf %div3A_535, %sub3A_533 : vector<16xf32>
    %mul3A_537 = arith.mulf %gather3A_526, %div3A_536 : vector<16xf32>
    %sub3A_538 = arith.constant 5.000000e-01 : f32
    %sub3A_539 = vector.broadcast %sub3A_538 : f32 to vector<16xf32>
    %sub3A_540 = arith.subf %sub3A_539, %mul3A_537 : vector<16xf32>
    %scan3A_541 = arith.constant 0 : i32
    %scan3A_542 = arith.constant 288 : i32
    %scan3A_543 = arith.addi %scan3A_541, %scan3A_542 : i32
    %scan3A_544 = arith.constant 1 : i32
    %scan3A_545 = scf.for %scan3A_625 = %scan3A_541 to %scan3A_543 step %scan3A_544 iter_args(%scan3A_626 = %scan3A_478) -> (vector<16xf32>)  : i32 {
      %mul3A_627 = arith.constant 128 : i32
      %mul3A_628 = arith.muli %scan3A_625, %mul3A_627 : i32
      %add3A_629 = arith.constant 0 : i32
      %add3A_630 = arith.addi %mul3A_628, %add3A_629 : i32
      %get3A_631 = arith.index_cast %add3A_630 : i32 to index
      %get3A_632 = tpu.vector_load %arg7[%get3A_631] {strides = array<i32>} : memref<36864xf32, #tpu.memory_space<vmem>>, vector<16xf32>,
      %get3A_633 = vector.shape_cast %get3A_632 : vector<16xf32> to vector<16xf32>
      %mul3A_634 = arith.mulf %get3A_633, %div3A_536 : vector<16xf32>
      %add3A_635 = arith.addf %mul3A_634, %sub3A_540 : vector<16xf32>
      %max3A = arith.constant 0.000000e+00 : f32
      %max3A_636 = vector.broadcast %max3A : f32 to vector<16xf32>
      %max3A_637 = arith.maximumf %add3A_635, %max3A_636 : vector<16xf32>
      %min3A = arith.constant 1.500000e+01 : f32
      %min3A_638 = vector.broadcast %min3A : f32 to vector<16xf32>
      %min3A_639 = arith.minimumf %max3A_637, %min3A_638 : vector<16xf32>
      %convert_element_type3A = arith.fptosi %min3A_639 : vector<16xf32> to vector<16xi32>
      %broadcast_in_dim3A_640 = vector.shape_cast %convert_element_type3A : vector<16xi32> to vector<16x1xi32>
      %gather3A_641 = vector.shape_cast %broadcast_in_dim3A_640 : vector<16x1xi32> to vector<16xi32>
      %gather3A_642 = tpu.dynamic_gather %get3A_521[%gather3A_641] in [0] : vector<16xf32>, vector<16xi32> -> vector<16xf32>
      %add3A_643 = arith.addf %scan3A_626, %gather3A_642 : vector<16xf32>
      %add3A_644 = arith.constant 16 : i32
      %add3A_645 = arith.addi %mul3A_628, %add3A_644 : i32
      %get3A_646 = arith.index_cast %add3A_645 : i32 to index
      %get3A_647 = tpu.vector_load %arg7[%get3A_646] {strides = array<i32>} : memref<36864xf32, #tpu.memory_space<vmem>>, vector<16xf32>,
      %get3A_648 = vector.shape_cast %get3A_647 : vector<16xf32> to vector<16xf32>
      %mul3A_649 = arith.mulf %get3A_648, %div3A_536 : vector<16xf32>
      %add3A_650 = arith.addf %mul3A_649, %sub3A_540 : vector<16xf32>
      %max3A_651 = arith.constant 0.000000e+00 : f32
      %max3A_652 = vector.broadcast %max3A_651 : f32 to vector<16xf32>
      %max3A_653 = arith.maximumf %add3A_650, %max3A_652 : vector<16xf32>
      %min3A_654 = arith.constant 1.500000e+01 : f32
      %min3A_655 = vector.broadcast %min3A_654 : f32 to vector<16xf32>
      %min3A_656 = arith.minimumf %max3A_653, %min3A_655 : vector<16xf32>
      %convert_element_type3A_657 = arith.fptosi %min3A_656 : vector<16xf32> to vector<16xi32>
      %broadcast_in_dim3A_658 = vector.shape_cast %convert_element_type3A_657 : vector<16xi32> to vector<16x1xi32>
      %gather3A_659 = vector.shape_cast %broadcast_in_dim3A_658 : vector<16x1xi32> to vector<16xi32>
      %gather3A_660 = tpu.dynamic_gather %get3A_521[%gather3A_659] in [0] : vector<16xf32>, vector<16xi32> -> vector<16xf32>
      %add3A_661 = arith.addf %add3A_643, %gather3A_660 : vector<16xf32>
      %add3A_662 = arith.constant 32 : i32
      %add3A_663 = arith.addi %mul3A_628, %add3A_662 : i32
      %get3A_664 = arith.index_cast %add3A_663 : i32 to index
      %get3A_665 = tpu.vector_load %arg7[%get3A_664] {strides = array<i32>} : memref<36864xf32, #tpu.memory_space<vmem>>, vector<16xf32>,
      %get3A_666 = vector.shape_cast %get3A_665 : vector<16xf32> to vector<16xf32>
      %mul3A_667 = arith.mulf %get3A_666, %div3A_536 : vector<16xf32>
      %add3A_668 = arith.addf %mul3A_667, %sub3A_540 : vector<16xf32>
      %max3A_669 = arith.constant 0.000000e+00 : f32
      %max3A_670 = vector.broadcast %max3A_669 : f32 to vector<16xf32>
      %max3A_671 = arith.maximumf %add3A_668, %max3A_670 : vector<16xf32>
      %min3A_672 = arith.constant 1.500000e+01 : f32
      %min3A_673 = vector.broadcast %min3A_672 : f32 to vector<16xf32>
      %min3A_674 = arith.minimumf %max3A_671, %min3A_673 : vector<16xf32>
      %convert_element_type3A_675 = arith.fptosi %min3A_674 : vector<16xf32> to vector<16xi32>
      %broadcast_in_dim3A_676 = vector.shape_cast %convert_element_type3A_675 : vector<16xi32> to vector<16x1xi32>
      %gather3A_677 = vector.shape_cast %broadcast_in_dim3A_676 : vector<16x1xi32> to vector<16xi32>
      %gather3A_678 = tpu.dynamic_gather %get3A_521[%gather3A_677] in [0] : vector<16xf32>, vector<16xi32> -> vector<16xf32>
      %add3A_679 = arith.addf %add3A_661, %gather3A_678 : vector<16xf32>
      %add3A_680 = arith.constant 48 : i32
      %add3A_681 = arith.addi %mul3A_628, %add3A_680 : i32
      %get3A_682 = arith.index_cast %add3A_681 : i32 to index
      %get3A_683 = tpu.vector_load %arg7[%get3A_682] {strides = array<i32>} : memref<36864xf32, #tpu.memory_space<vmem>>, vector<16xf32>,
      %get3A_684 = vector.shape_cast %get3A_683 : vector<16xf32> to vector<16xf32>
      %mul3A_685 = arith.mulf %get3A_684, %div3A_536 : vector<16xf32>
      %add3A_686 = arith.addf %mul3A_685, %sub3A_540 : vector<16xf32>
      %max3A_687 = arith.constant 0.000000e+00 : f32
      %max3A_688 = vector.broadcast %max3A_687 : f32 to vector<16xf32>
      %max3A_689 = arith.maximumf %add3A_686, %max3A_688 : vector<16xf32>
      %min3A_690 = arith.constant 1.500000e+01 : f32
      %min3A_691 = vector.broadcast %min3A_690 : f32 to vector<16xf32>
      %min3A_692 = arith.minimumf %max3A_689, %min3A_691 : vector<16xf32>
      %convert_element_type3A_693 = arith.fptosi %min3A_692 : vector<16xf32> to vector<16xi32>
      %broadcast_in_dim3A_694 = vector.shape_cast %convert_element_type3A_693 : vector<16xi32> to vector<16x1xi32>
      %gather3A_695 = vector.shape_cast %broadcast_in_dim3A_694 : vector<16x1xi32> to vector<16xi32>
      %gather3A_696 = tpu.dynamic_gather %get3A_521[%gather3A_695] in [0] : vector<16xf32>, vector<16xi32> -> vector<16xf32>
      %add3A_697 = arith.addf %add3A_679, %gather3A_696 : vector<16xf32>
      %add3A_698 = arith.constant 64 : i32
      %add3A_699 = arith.addi %mul3A_628, %add3A_698 : i32
      %get3A_700 = arith.index_cast %add3A_699 : i32 to index
      %get3A_701 = tpu.vector_load %arg7[%get3A_700] {strides = array<i32>} : memref<36864xf32, #tpu.memory_space<vmem>>, vector<16xf32>,
      %get3A_702 = vector.shape_cast %get3A_701 : vector<16xf32> to vector<16xf32>
      %mul3A_703 = arith.mulf %get3A_702, %div3A_536 : vector<16xf32>
      %add3A_704 = arith.addf %mul3A_703, %sub3A_540 : vector<16xf32>
      %max3A_705 = arith.constant 0.000000e+00 : f32
      %max3A_706 = vector.broadcast %max3A_705 : f32 to vector<16xf32>
      %max3A_707 = arith.maximumf %add3A_704, %max3A_706 : vector<16xf32>
      %min3A_708 = arith.constant 1.500000e+01 : f32
      %min3A_709 = vector.broadcast %min3A_708 : f32 to vector<16xf32>
      %min3A_710 = arith.minimumf %max3A_707, %min3A_709 : vector<16xf32>
      %convert_element_type3A_711 = arith.fptosi %min3A_710 : vector<16xf32> to vector<16xi32>
      %broadcast_in_dim3A_712 = vector.shape_cast %convert_element_type3A_711 : vector<16xi32> to vector<16x1xi32>
      %gather3A_713 = vector.shape_cast %broadcast_in_dim3A_712 : vector<16x1xi32> to vector<16xi32>
      %gather3A_714 = tpu.dynamic_gather %get3A_521[%gather3A_713] in [0] : vector<16xf32>, vector<16xi32> -> vector<16xf32>
      %add3A_715 = arith.addf %add3A_697, %gather3A_714 : vector<16xf32>
      %add3A_716 = arith.constant 80 : i32
      %add3A_717 = arith.addi %mul3A_628, %add3A_716 : i32
      %get3A_718 = arith.index_cast %add3A_717 : i32 to index
      %get3A_719 = tpu.vector_load %arg7[%get3A_718] {strides = array<i32>} : memref<36864xf32, #tpu.memory_space<vmem>>, vector<16xf32>,
      %get3A_720 = vector.shape_cast %get3A_719 : vector<16xf32> to vector<16xf32>
      %mul3A_721 = arith.mulf %get3A_720, %div3A_536 : vector<16xf32>
      %add3A_722 = arith.addf %mul3A_721, %sub3A_540 : vector<16xf32>
      %max3A_723 = arith.constant 0.000000e+00 : f32
      %max3A_724 = vector.broadcast %max3A_723 : f32 to vector<16xf32>
      %max3A_725 = arith.maximumf %add3A_722, %max3A_724 : vector<16xf32>
      %min3A_726 = arith.constant 1.500000e+01 : f32
      %min3A_727 = vector.broadcast %min3A_726 : f32 to vector<16xf32>
      %min3A_728 = arith.minimumf %max3A_725, %min3A_727 : vector<16xf32>
      %convert_element_type3A_729 = arith.fptosi %min3A_728 : vector<16xf32> to vector<16xi32>
      %broadcast_in_dim3A_730 = vector.shape_cast %convert_element_type3A_729 : vector<16xi32> to vector<16x1xi32>
      %gather3A_731 = vector.shape_cast %broadcast_in_dim3A_730 : vector<16x1xi32> to vector<16xi32>
      %gather3A_732 = tpu.dynamic_gather %get3A_521[%gather3A_731] in [0] : vector<16xf32>, vector<16xi32> -> vector<16xf32>
      %add3A_733 = arith.addf %add3A_715, %gather3A_732 : vector<16xf32>
      %add3A_734 = arith.constant 96 : i32
      %add3A_735 = arith.addi %mul3A_628, %add3A_734 : i32
      %get3A_736 = arith.index_cast %add3A_735 : i32 to index
      %get3A_737 = tpu.vector_load %arg7[%get3A_736] {strides = array<i32>} : memref<36864xf32, #tpu.memory_space<vmem>>, vector<16xf32>,
      %get3A_738 = vector.shape_cast %get3A_737 : vector<16xf32> to vector<16xf32>
      %mul3A_739 = arith.mulf %get3A_738, %div3A_536 : vector<16xf32>
      %add3A_740 = arith.addf %mul3A_739, %sub3A_540 : vector<16xf32>
      %max3A_741 = arith.constant 0.000000e+00 : f32
      %max3A_742 = vector.broadcast %max3A_741 : f32 to vector<16xf32>
      %max3A_743 = arith.maximumf %add3A_740, %max3A_742 : vector<16xf32>
      %min3A_744 = arith.constant 1.500000e+01 : f32
      %min3A_745 = vector.broadcast %min3A_744 : f32 to vector<16xf32>
      %min3A_746 = arith.minimumf %max3A_743, %min3A_745 : vector<16xf32>
      %convert_element_type3A_747 = arith.fptosi %min3A_746 : vector<16xf32> to vector<16xi32>
      %broadcast_in_dim3A_748 = vector.shape_cast %convert_element_type3A_747 : vector<16xi32> to vector<16x1xi32>
      %gather3A_749 = vector.shape_cast %broadcast_in_dim3A_748 : vector<16x1xi32> to vector<16xi32>
      %gather3A_750 = tpu.dynamic_gather %get3A_521[%gather3A_749] in [0] : vector<16xf32>, vector<16xi32> -> vector<16xf32>
      %add3A_751 = arith.addf %add3A_733, %gather3A_750 : vector<16xf32>
      %add3A_752 = arith.constant 112 : i32
      %add3A_753 = arith.addi %mul3A_628, %add3A_752 : i32
      %get3A_754 = arith.index_cast %add3A_753 : i32 to index
      %get3A_755 = tpu.vector_load %arg7[%get3A_754] {strides = array<i32>} : memref<36864xf32, #tpu.memory_space<vmem>>, vector<16xf32>,
      %get3A_756 = vector.shape_cast %get3A_755 : vector<16xf32> to vector<16xf32>
      %mul3A_757 = arith.mulf %get3A_756, %div3A_536 : vector<16xf32>
      %add3A_758 = arith.addf %mul3A_757, %sub3A_540 : vector<16xf32>
      %max3A_759 = arith.constant 0.000000e+00 : f32
      %max3A_760 = vector.broadcast %max3A_759 : f32 to vector<16xf32>
      %max3A_761 = arith.maximumf %add3A_758, %max3A_760 : vector<16xf32>
      %min3A_762 = arith.constant 1.500000e+01 : f32
      %min3A_763 = vector.broadcast %min3A_762 : f32 to vector<16xf32>
      %min3A_764 = arith.minimumf %max3A_761, %min3A_763 : vector<16xf32>
      %convert_element_type3A_765 = arith.fptosi %min3A_764 : vector<16xf32> to vector<16xi32>
      %broadcast_in_dim3A_766 = vector.shape_cast %convert_element_type3A_765 : vector<16xi32> to vector<16x1xi32>
      %gather3A_767 = vector.shape_cast %broadcast_in_dim3A_766 : vector<16x1xi32> to vector<16xi32>
      %gather3A_768 = tpu.dynamic_gather %get3A_521[%gather3A_767] in [0] : vector<16xf32>, vector<16xi32> -> vector<16xf32>
      %add3A_769 = arith.addf %add3A_751, %gather3A_768 : vector<16xf32>
      scf.yield %add3A_769 : vector<16xf32>
    }
    %scan3A_546 = arith.constant 288 : i32
    %dma_wait3A_547 = tpu.memref_slice %arg2[%add3A_410] : memref<9437184xf32, #tpu.memory_space<hbm>> -> memref<36864xf32, #tpu.memory_space<hbm>>
    %dma_wait3A_548 = tpu.memref_slice %arg2[%add3A_410] : memref<9437184xf32, #tpu.memory_space<hbm>> -> memref<36864xf32, #tpu.memory_space<hbm>>
    tpu.wait_dma2 semaphore(%arg15 : memref<!tpu.dma_semaphore, #tpu.memory_space<semaphore_mem>>) src(%dma_wait3A_548 : memref<36864xf32, #tpu.memory_space<hbm>>) dst(%arg8 : memref<36864xf32, #tpu.memory_space<vmem>>)
    %mul3A_549 = arith.constant 2 : i32
    %mul3A_550 = arith.muli %add3A, %mul3A_549 : i32
    %add3A_551 = arith.constant 1 : i32
    %add3A_552 = arith.addi %mul3A_550, %add3A_551 : i32
    %mul3A_553 = arith.constant 147456 : i32
    %mul3A_554 = arith.muli %add3A_552, %mul3A_553 : i32
    %add3A_555 = arith.constant 110592 : i32
    %add3A_556 = arith.addi %mul3A_554, %add3A_555 : i32
    %dma_start3A_557 = tpu.memref_slice %arg5[%add3A_556] : memref<9437184xf32, #tpu.memory_space<hbm>> -> memref<36864xf32, #tpu.memory_space<hbm>>
    %dma_start3A_558 = tpu.memref_slice %arg5[%add3A_556] : memref<9437184xf32, #tpu.memory_space<hbm>> -> memref<36864xf32, #tpu.memory_space<hbm>>
    tpu.enqueue_dma source(%arg8 : memref<36864xf32, #tpu.memory_space<vmem>>) target(%dma_start3A_558 : memref<36864xf32, #tpu.memory_space<hbm>>) target_semaphore(%arg18 : memref<!tpu.dma_semaphore, #tpu.memory_space<semaphore_mem>>)
    %mul3A_559 = arith.constant 2 : i32
    %mul3A_560 = arith.muli %add3A, %mul3A_559 : i32
    %add3A_561 = arith.constant 1 : i32
    %add3A_562 = arith.addi %mul3A_560, %add3A_561 : i32
    %jit3A_563 = arith.constant 4 : i32
    %eq3A_564 = arith.constant 0 : i32
    %eq3A_565 = arith.cmpi eq, %jit3A_563, %eq3A_564 : i32
    %jit3A_566 = arith.constant 1 : i32
    %select_n3A_567 = arith.select %eq3A_565, %jit3A_566, %jit3A_563 : i32
    %rem3A_568 = arith.remsi %add3A_562, %select_n3A_567 : i32
    %ne3A_569 = arith.constant 0 : i32
    %ne3A_570 = arith.cmpi ne, %rem3A_568, %ne3A_569 : i32
    %lt3A_571 = arith.constant 0 : i32
    %lt3A_572 = arith.cmpi slt, %rem3A_568, %lt3A_571 : i32
    %lt3A_573 = arith.constant 0 : i32
    %lt3A_574 = arith.cmpi slt, %select_n3A_567, %lt3A_573 : i32
    %ne3A_575 = arith.xori %lt3A_572, %lt3A_574 : i1
    %and3A_576 = arith.andi %ne3A_575, %ne3A_570 : i1
    %add3A_577 = arith.addi %rem3A_568, %select_n3A_567 : i32
    %select_n3A_578 = arith.select %and3A_576, %add3A_577, %rem3A_568 : i32
    %mul3A_579 = arith.constant 16 : i32
    %mul3A_580 = arith.muli %select_n3A_578, %mul3A_579 : i32
    %get3A_581 = arith.index_cast %mul3A_580 : i32 to index
    %get3A_582 = tpu.vector_load %arg10[%get3A_581] {strides = array<i32>} : memref<64xf32, #tpu.memory_space<vmem>>, vector<16xf32>,
    %get3A_583 = vector.shape_cast %get3A_582 : vector<16xf32> to vector<16xf32>
    %mul3A_584 = arith.constant 16 : i32
    %mul3A_585 = arith.muli %select_n3A_578, %mul3A_584 : i32
    %get3A_586 = arith.index_cast %mul3A_585 : i32 to index
    %get3A_587 = tpu.vector_load %arg11[%get3A_586] {strides = array<i32>} : memref<64xf32, #tpu.memory_space<vmem>>, vector<16xf32>,
    %get3A_588 = vector.shape_cast %get3A_587 : vector<16xf32> to vector<16xf32>
    %broadcast_in_dim3A_589 = arith.constant 0 : i32
    %broadcast_in_dim3A_590 = vector.broadcast %broadcast_in_dim3A_589 : i32 to vector<16xi32>
    %broadcast_in_dim3A_591 = vector.shape_cast %broadcast_in_dim3A_590 : vector<16xi32> to vector<16x1xi32>
    %gather3A_592 = vector.shape_cast %broadcast_in_dim3A_591 : vector<16x1xi32> to vector<16xi32>
    %gather3A_593 = tpu.dynamic_gather %get3A_583[%gather3A_592] in [0] : vector<16xf32>, vector<16xi32> -> vector<16xf32>
    %add3A_594 = arith.constant 1 : i32
    %add3A_595 = vector.broadcast %add3A_594 : i32 to vector<16xi32>
    %add3A_596 = arith.addi %broadcast_in_dim3A_590, %add3A_595 : vector<16xi32>
    %broadcast_in_dim3A_597 = vector.shape_cast %add3A_596 : vector<16xi32> to vector<16x1xi32>
    %gather3A_598 = vector.shape_cast %broadcast_in_dim3A_597 : vector<16x1xi32> to vector<16xi32>
    %gather3A_599 = tpu.dynamic_gather %get3A_583[%gather3A_598] in [0] : vector<16xf32>, vector<16xi32> -> vector<16xf32>
    %sub3A_600 = arith.subf %gather3A_599, %gather3A_593 : vector<16xf32>
    %div3A_601 = arith.constant 1.000000e+00 : f32
    %div3A_602 = vector.broadcast %div3A_601 : f32 to vector<16xf32>
    %div3A_603 = arith.divf %div3A_602, %sub3A_600 : vector<16xf32>
    %mul3A_604 = arith.mulf %gather3A_593, %div3A_603 : vector<16xf32>
    %sub3A_605 = arith.constant 5.000000e-01 : f32
    %sub3A_606 = vector.broadcast %sub3A_605 : f32 to vector<16xf32>
    %sub3A_607 = arith.subf %sub3A_606, %mul3A_604 : vector<16xf32>
    %scan3A_608 = arith.constant 0 : i32
    %scan3A_609 = arith.constant 288 : i32
    %scan3A_610 = arith.addi %scan3A_608, %scan3A_609 : i32
    %scan3A_611 = arith.constant 1 : i32
    %scan3A_612 = scf.for %scan3A_625 = %scan3A_608 to %scan3A_610 step %scan3A_611 iter_args(%scan3A_626 = %scan3A_545) -> (vector<16xf32>)  : i32 {
      %mul3A_627 = arith.constant 128 : i32
      %mul3A_628 = arith.muli %scan3A_625, %mul3A_627 : i32
      %add3A_629 = arith.constant 0 : i32
      %add3A_630 = arith.addi %mul3A_628, %add3A_629 : i32
      %get3A_631 = arith.index_cast %add3A_630 : i32 to index
      %get3A_632 = tpu.vector_load %arg8[%get3A_631] {strides = array<i32>} : memref<36864xf32, #tpu.memory_space<vmem>>, vector<16xf32>,
      %get3A_633 = vector.shape_cast %get3A_632 : vector<16xf32> to vector<16xf32>
      %mul3A_634 = arith.mulf %get3A_633, %div3A_603 : vector<16xf32>
      %add3A_635 = arith.addf %mul3A_634, %sub3A_607 : vector<16xf32>
      %max3A = arith.constant 0.000000e+00 : f32
      %max3A_636 = vector.broadcast %max3A : f32 to vector<16xf32>
      %max3A_637 = arith.maximumf %add3A_635, %max3A_636 : vector<16xf32>
      %min3A = arith.constant 1.500000e+01 : f32
      %min3A_638 = vector.broadcast %min3A : f32 to vector<16xf32>
      %min3A_639 = arith.minimumf %max3A_637, %min3A_638 : vector<16xf32>
      %convert_element_type3A = arith.fptosi %min3A_639 : vector<16xf32> to vector<16xi32>
      %broadcast_in_dim3A_640 = vector.shape_cast %convert_element_type3A : vector<16xi32> to vector<16x1xi32>
      %gather3A_641 = vector.shape_cast %broadcast_in_dim3A_640 : vector<16x1xi32> to vector<16xi32>
      %gather3A_642 = tpu.dynamic_gather %get3A_588[%gather3A_641] in [0] : vector<16xf32>, vector<16xi32> -> vector<16xf32>
      %add3A_643 = arith.addf %scan3A_626, %gather3A_642 : vector<16xf32>
      %add3A_644 = arith.constant 16 : i32
      %add3A_645 = arith.addi %mul3A_628, %add3A_644 : i32
      %get3A_646 = arith.index_cast %add3A_645 : i32 to index
      %get3A_647 = tpu.vector_load %arg8[%get3A_646] {strides = array<i32>} : memref<36864xf32, #tpu.memory_space<vmem>>, vector<16xf32>,
      %get3A_648 = vector.shape_cast %get3A_647 : vector<16xf32> to vector<16xf32>
      %mul3A_649 = arith.mulf %get3A_648, %div3A_603 : vector<16xf32>
      %add3A_650 = arith.addf %mul3A_649, %sub3A_607 : vector<16xf32>
      %max3A_651 = arith.constant 0.000000e+00 : f32
      %max3A_652 = vector.broadcast %max3A_651 : f32 to vector<16xf32>
      %max3A_653 = arith.maximumf %add3A_650, %max3A_652 : vector<16xf32>
      %min3A_654 = arith.constant 1.500000e+01 : f32
      %min3A_655 = vector.broadcast %min3A_654 : f32 to vector<16xf32>
      %min3A_656 = arith.minimumf %max3A_653, %min3A_655 : vector<16xf32>
      %convert_element_type3A_657 = arith.fptosi %min3A_656 : vector<16xf32> to vector<16xi32>
      %broadcast_in_dim3A_658 = vector.shape_cast %convert_element_type3A_657 : vector<16xi32> to vector<16x1xi32>
      %gather3A_659 = vector.shape_cast %broadcast_in_dim3A_658 : vector<16x1xi32> to vector<16xi32>
      %gather3A_660 = tpu.dynamic_gather %get3A_588[%gather3A_659] in [0] : vector<16xf32>, vector<16xi32> -> vector<16xf32>
      %add3A_661 = arith.addf %add3A_643, %gather3A_660 : vector<16xf32>
      %add3A_662 = arith.constant 32 : i32
      %add3A_663 = arith.addi %mul3A_628, %add3A_662 : i32
      %get3A_664 = arith.index_cast %add3A_663 : i32 to index
      %get3A_665 = tpu.vector_load %arg8[%get3A_664] {strides = array<i32>} : memref<36864xf32, #tpu.memory_space<vmem>>, vector<16xf32>,
      %get3A_666 = vector.shape_cast %get3A_665 : vector<16xf32> to vector<16xf32>
      %mul3A_667 = arith.mulf %get3A_666, %div3A_603 : vector<16xf32>
      %add3A_668 = arith.addf %mul3A_667, %sub3A_607 : vector<16xf32>
      %max3A_669 = arith.constant 0.000000e+00 : f32
      %max3A_670 = vector.broadcast %max3A_669 : f32 to vector<16xf32>
      %max3A_671 = arith.maximumf %add3A_668, %max3A_670 : vector<16xf32>
      %min3A_672 = arith.constant 1.500000e+01 : f32
      %min3A_673 = vector.broadcast %min3A_672 : f32 to vector<16xf32>
      %min3A_674 = arith.minimumf %max3A_671, %min3A_673 : vector<16xf32>
      %convert_element_type3A_675 = arith.fptosi %min3A_674 : vector<16xf32> to vector<16xi32>
      %broadcast_in_dim3A_676 = vector.shape_cast %convert_element_type3A_675 : vector<16xi32> to vector<16x1xi32>
      %gather3A_677 = vector.shape_cast %broadcast_in_dim3A_676 : vector<16x1xi32> to vector<16xi32>
      %gather3A_678 = tpu.dynamic_gather %get3A_588[%gather3A_677] in [0] : vector<16xf32>, vector<16xi32> -> vector<16xf32>
      %add3A_679 = arith.addf %add3A_661, %gather3A_678 : vector<16xf32>
      %add3A_680 = arith.constant 48 : i32
      %add3A_681 = arith.addi %mul3A_628, %add3A_680 : i32
      %get3A_682 = arith.index_cast %add3A_681 : i32 to index
      %get3A_683 = tpu.vector_load %arg8[%get3A_682] {strides = array<i32>} : memref<36864xf32, #tpu.memory_space<vmem>>, vector<16xf32>,
      %get3A_684 = vector.shape_cast %get3A_683 : vector<16xf32> to vector<16xf32>
      %mul3A_685 = arith.mulf %get3A_684, %div3A_603 : vector<16xf32>
      %add3A_686 = arith.addf %mul3A_685, %sub3A_607 : vector<16xf32>
      %max3A_687 = arith.constant 0.000000e+00 : f32
      %max3A_688 = vector.broadcast %max3A_687 : f32 to vector<16xf32>
      %max3A_689 = arith.maximumf %add3A_686, %max3A_688 : vector<16xf32>
      %min3A_690 = arith.constant 1.500000e+01 : f32
      %min3A_691 = vector.broadcast %min3A_690 : f32 to vector<16xf32>
      %min3A_692 = arith.minimumf %max3A_689, %min3A_691 : vector<16xf32>
      %convert_element_type3A_693 = arith.fptosi %min3A_692 : vector<16xf32> to vector<16xi32>
      %broadcast_in_dim3A_694 = vector.shape_cast %convert_element_type3A_693 : vector<16xi32> to vector<16x1xi32>
      %gather3A_695 = vector.shape_cast %broadcast_in_dim3A_694 : vector<16x1xi32> to vector<16xi32>
      %gather3A_696 = tpu.dynamic_gather %get3A_588[%gather3A_695] in [0] : vector<16xf32>, vector<16xi32> -> vector<16xf32>
      %add3A_697 = arith.addf %add3A_679, %gather3A_696 : vector<16xf32>
      %add3A_698 = arith.constant 64 : i32
      %add3A_699 = arith.addi %mul3A_628, %add3A_698 : i32
      %get3A_700 = arith.index_cast %add3A_699 : i32 to index
      %get3A_701 = tpu.vector_load %arg8[%get3A_700] {strides = array<i32>} : memref<36864xf32, #tpu.memory_space<vmem>>, vector<16xf32>,
      %get3A_702 = vector.shape_cast %get3A_701 : vector<16xf32> to vector<16xf32>
      %mul3A_703 = arith.mulf %get3A_702, %div3A_603 : vector<16xf32>
      %add3A_704 = arith.addf %mul3A_703, %sub3A_607 : vector<16xf32>
      %max3A_705 = arith.constant 0.000000e+00 : f32
      %max3A_706 = vector.broadcast %max3A_705 : f32 to vector<16xf32>
      %max3A_707 = arith.maximumf %add3A_704, %max3A_706 : vector<16xf32>
      %min3A_708 = arith.constant 1.500000e+01 : f32
      %min3A_709 = vector.broadcast %min3A_708 : f32 to vector<16xf32>
      %min3A_710 = arith.minimumf %max3A_707, %min3A_709 : vector<16xf32>
      %convert_element_type3A_711 = arith.fptosi %min3A_710 : vector<16xf32> to vector<16xi32>
      %broadcast_in_dim3A_712 = vector.shape_cast %convert_element_type3A_711 : vector<16xi32> to vector<16x1xi32>
      %gather3A_713 = vector.shape_cast %broadcast_in_dim3A_712 : vector<16x1xi32> to vector<16xi32>
      %gather3A_714 = tpu.dynamic_gather %get3A_588[%gather3A_713] in [0] : vector<16xf32>, vector<16xi32> -> vector<16xf32>
      %add3A_715 = arith.addf %add3A_697, %gather3A_714 : vector<16xf32>
      %add3A_716 = arith.constant 80 : i32
      %add3A_717 = arith.addi %mul3A_628, %add3A_716 : i32
      %get3A_718 = arith.index_cast %add3A_717 : i32 to index
      %get3A_719 = tpu.vector_load %arg8[%get3A_718] {strides = array<i32>} : memref<36864xf32, #tpu.memory_space<vmem>>, vector<16xf32>,
      %get3A_720 = vector.shape_cast %get3A_719 : vector<16xf32> to vector<16xf32>
      %mul3A_721 = arith.mulf %get3A_720, %div3A_603 : vector<16xf32>
      %add3A_722 = arith.addf %mul3A_721, %sub3A_607 : vector<16xf32>
      %max3A_723 = arith.constant 0.000000e+00 : f32
      %max3A_724 = vector.broadcast %max3A_723 : f32 to vector<16xf32>
      %max3A_725 = arith.maximumf %add3A_722, %max3A_724 : vector<16xf32>
      %min3A_726 = arith.constant 1.500000e+01 : f32
      %min3A_727 = vector.broadcast %min3A_726 : f32 to vector<16xf32>
      %min3A_728 = arith.minimumf %max3A_725, %min3A_727 : vector<16xf32>
      %convert_element_type3A_729 = arith.fptosi %min3A_728 : vector<16xf32> to vector<16xi32>
      %broadcast_in_dim3A_730 = vector.shape_cast %convert_element_type3A_729 : vector<16xi32> to vector<16x1xi32>
      %gather3A_731 = vector.shape_cast %broadcast_in_dim3A_730 : vector<16x1xi32> to vector<16xi32>
      %gather3A_732 = tpu.dynamic_gather %get3A_588[%gather3A_731] in [0] : vector<16xf32>, vector<16xi32> -> vector<16xf32>
      %add3A_733 = arith.addf %add3A_715, %gather3A_732 : vector<16xf32>
      %add3A_734 = arith.constant 96 : i32
      %add3A_735 = arith.addi %mul3A_628, %add3A_734 : i32
      %get3A_736 = arith.index_cast %add3A_735 : i32 to index
      %get3A_737 = tpu.vector_load %arg8[%get3A_736] {strides = array<i32>} : memref<36864xf32, #tpu.memory_space<vmem>>, vector<16xf32>,
      %get3A_738 = vector.shape_cast %get3A_737 : vector<16xf32> to vector<16xf32>
      %mul3A_739 = arith.mulf %get3A_738, %div3A_603 : vector<16xf32>
      %add3A_740 = arith.addf %mul3A_739, %sub3A_607 : vector<16xf32>
      %max3A_741 = arith.constant 0.000000e+00 : f32
      %max3A_742 = vector.broadcast %max3A_741 : f32 to vector<16xf32>
      %max3A_743 = arith.maximumf %add3A_740, %max3A_742 : vector<16xf32>
      %min3A_744 = arith.constant 1.500000e+01 : f32
      %min3A_745 = vector.broadcast %min3A_744 : f32 to vector<16xf32>
      %min3A_746 = arith.minimumf %max3A_743, %min3A_745 : vector<16xf32>
      %convert_element_type3A_747 = arith.fptosi %min3A_746 : vector<16xf32> to vector<16xi32>
      %broadcast_in_dim3A_748 = vector.shape_cast %convert_element_type3A_747 : vector<16xi32> to vector<16x1xi32>
      %gather3A_749 = vector.shape_cast %broadcast_in_dim3A_748 : vector<16x1xi32> to vector<16xi32>
      %gather3A_750 = tpu.dynamic_gather %get3A_588[%gather3A_749] in [0] : vector<16xf32>, vector<16xi32> -> vector<16xf32>
      %add3A_751 = arith.addf %add3A_733, %gather3A_750 : vector<16xf32>
      %add3A_752 = arith.constant 112 : i32
      %add3A_753 = arith.addi %mul3A_628, %add3A_752 : i32
      %get3A_754 = arith.index_cast %add3A_753 : i32 to index
      %get3A_755 = tpu.vector_load %arg8[%get3A_754] {strides = array<i32>} : memref<36864xf32, #tpu.memory_space<vmem>>, vector<16xf32>,
      %get3A_756 = vector.shape_cast %get3A_755 : vector<16xf32> to vector<16xf32>
      %mul3A_757 = arith.mulf %get3A_756, %div3A_603 : vector<16xf32>
      %add3A_758 = arith.addf %mul3A_757, %sub3A_607 : vector<16xf32>
      %max3A_759 = arith.constant 0.000000e+00 : f32
      %max3A_760 = vector.broadcast %max3A_759 : f32 to vector<16xf32>
      %max3A_761 = arith.maximumf %add3A_758, %max3A_760 : vector<16xf32>
      %min3A_762 = arith.constant 1.500000e+01 : f32
      %min3A_763 = vector.broadcast %min3A_762 : f32 to vector<16xf32>
      %min3A_764 = arith.minimumf %max3A_761, %min3A_763 : vector<16xf32>
      %convert_element_type3A_765 = arith.fptosi %min3A_764 : vector<16xf32> to vector<16xi32>
      %broadcast_in_dim3A_766 = vector.shape_cast %convert_element_type3A_765 : vector<16xi32> to vector<16x1xi32>
      %gather3A_767 = vector.shape_cast %broadcast_in_dim3A_766 : vector<16x1xi32> to vector<16xi32>
      %gather3A_768 = tpu.dynamic_gather %get3A_588[%gather3A_767] in [0] : vector<16xf32>, vector<16xi32> -> vector<16xf32>
      %add3A_769 = arith.addf %add3A_751, %gather3A_768 : vector<16xf32>
      scf.yield %add3A_769 : vector<16xf32>
    }
    %scan3A_613 = arith.constant 288 : i32
    %swap3A = arith.constant 0 : index
    %swap3A_614 = tpu.vector_load %arg13[%swap3A] {strides = array<i32>} : memref<16xf32, #tpu.memory_space<vmem>>, vector<16xf32>,
    %swap3A_615 = vector.shape_cast %swap3A_614 : vector<16xf32> to vector<16xf32>
    %swap3A_616 = vector.shape_cast %scan3A_612 : vector<16xf32> to vector<16xf32>
    tpu.vector_store %arg13[%swap3A], %swap3A_616 {strides = array<i32>} : memref<16xf32, #tpu.memory_space<vmem>>, vector<16xf32>,
    %mul3A_617 = arith.constant 16 : i32
    %mul3A_618 = arith.muli %add3A, %mul3A_617 : i32
    "tpu.region"() ({
      %run_scoped3A = tpu.sem_alloc : memref<!tpu.dma_semaphore, #tpu.memory_space<semaphore_mem>>
      %dma_start3A_625 = tpu.memref_slice %arg6[%mul3A_618] : memref<512xf32, #tpu.memory_space<hbm>> -> memref<16xf32, #tpu.memory_space<hbm>>
      %dma_start3A_626 = tpu.memref_slice %arg6[%mul3A_618] : memref<512xf32, #tpu.memory_space<hbm>> -> memref<16xf32, #tpu.memory_space<hbm>>
      tpu.enqueue_dma source(%arg13 : memref<16xf32, #tpu.memory_space<vmem>>) target(%dma_start3A_626 : memref<16xf32, #tpu.memory_space<hbm>>) target_semaphore(%run_scoped3A : memref<!tpu.dma_semaphore, #tpu.memory_space<semaphore_mem>>)
      %dma_wait3A_627 = tpu.memref_slice %arg6[%mul3A_618] : memref<512xf32, #tpu.memory_space<hbm>> -> memref<16xf32, #tpu.memory_space<hbm>>
      %dma_wait3A_628 = tpu.memref_slice %arg6[%mul3A_618] : memref<512xf32, #tpu.memory_space<hbm>> -> memref<16xf32, #tpu.memory_space<hbm>>
      tpu.wait_dma2 semaphore(%run_scoped3A : memref<!tpu.dma_semaphore, #tpu.memory_space<semaphore_mem>>) src(%arg13 : memref<16xf32, #tpu.memory_space<vmem>>) dst(%dma_wait3A_628 : memref<16xf32, #tpu.memory_space<hbm>>)
      tpu.yield
    }) : () -> ()
    %dma_wait3A_619 = tpu.memref_slice %arg5[%add3A_422] : memref<9437184xf32, #tpu.memory_space<hbm>> -> memref<36864xf32, #tpu.memory_space<hbm>>
    %dma_wait3A_620 = tpu.memref_slice %arg5[%add3A_422] : memref<9437184xf32, #tpu.memory_space<hbm>> -> memref<36864xf32, #tpu.memory_space<hbm>>
    tpu.wait_dma2 semaphore(%arg19 : memref<!tpu.dma_semaphore, #tpu.memory_space<semaphore_mem>>) src(%arg9 : memref<36864xf32, #tpu.memory_space<vmem>>) dst(%dma_wait3A_620 : memref<36864xf32, #tpu.memory_space<hbm>>)
    %dma_wait3A_621 = tpu.memref_slice %arg5[%add3A_489] : memref<9437184xf32, #tpu.memory_space<hbm>> -> memref<36864xf32, #tpu.memory_space<hbm>>
    %dma_wait3A_622 = tpu.memref_slice %arg5[%add3A_489] : memref<9437184xf32, #tpu.memory_space<hbm>> -> memref<36864xf32, #tpu.memory_space<hbm>>
    tpu.wait_dma2 semaphore(%arg17 : memref<!tpu.dma_semaphore, #tpu.memory_space<semaphore_mem>>) src(%arg7 : memref<36864xf32, #tpu.memory_space<vmem>>) dst(%dma_wait3A_622 : memref<36864xf32, #tpu.memory_space<hbm>>)
    %dma_wait3A_623 = tpu.memref_slice %arg5[%add3A_556] : memref<9437184xf32, #tpu.memory_space<hbm>> -> memref<36864xf32, #tpu.memory_space<hbm>>
    %dma_wait3A_624 = tpu.memref_slice %arg5[%add3A_556] : memref<9437184xf32, #tpu.memory_space<hbm>> -> memref<36864xf32, #tpu.memory_space<hbm>>
    tpu.wait_dma2 semaphore(%arg18 : memref<!tpu.dma_semaphore, #tpu.memory_space<semaphore_mem>>) src(%arg8 : memref<36864xf32, #tpu.memory_space<vmem>>) dst(%dma_wait3A_624 : memref<36864xf32, #tpu.memory_space<hbm>>)
    return
  }
}

</mosaic_0001>

<sc_bundles>
// kernel: _sc_call.3.cloned.1.call-start
scs
__scs_entry_jumppad:
0x0: {  	(pc) =	sbr.rel $0x88, $3  }
0x1: {  	(tag) =	ssettag $0x0;
	lr =	simm.s32 $0x1  }
0x2: {  	[smem:$0x3F9E] =	sst lr;
	_ =	strace $0xD0000000  }
0x3: {  	_ = 	snop  }
0x4: {  	_ = 	snop  }
0x5: {  	_ = 	snop  }
0x6: {  	_ = 	snop  }
0x7: {  	_ = 	snop  }
__scs_overlays_trampoline_lowered:
0x8: {  	[smem:$0x3FAD] =	sst s0  }
0x9: {  	[smem:$0x3FAE] =	sst s1  }
0xa: {  	[smem:$0x3FAF] =	sst s2  }
0xb: {  	[smem:$0x3FB0] =	sst s3  }
0xc: {  	[smem:$0x3FB1] =	sst s4  }
0xd: {  	[smem:$0x3FB2] =	sst s5  }
0xe: {  	[smem:$0x3FB3] =	sst s6  }
0xf: {  	[smem:$0x3FB4] =	sst s7  }
0x10: {  	[smem:$0x3FB5] =	sst s8  }
0x11: {  	[smem:$0x3FB6] =	sst s9;
	s0 =	simm.s32 @!p0 $0x0  }
0x12: {  	s1 =	sld [smem:$0x3F9C];
	s0 =	simm.s32 @p0 $0x1  }
0x13: {  	[smem:$0x3FB7] =	sst s0;
	s0 =	simm.s32 @!p1 $0x0  }
0x14: {  	s2 =	sld [smem:$0x3F9B];
	s0 =	simm.s32 @p1 $0x1  }
0x15: {  	[smem:$0x3FB8] =	sst s0;
	s0 =	simm.s32 @!p2 $0x0  }
0x16: {  	s3 =	sld [smem:$0x3FDB];
	s0 =	simm.s32 @p2 $0x1  }
0x17: {  	s4 =	simm.s32 $0x1BF5;
	[smem:$0x3FBA] =	sst s0  }
0x18: {  	s0 =	sld [smem:$0x3F9D];
	_ =	swait.ge [sflag:s4], $0x0  }
0x19: {  	s7 =	sld [smem:$0x3F9E]  }
0x1a: {  	s8 =	sadd.s32 $0xFFFFE003, lr  }
0x1b: {  	s9 =	sadd.s32 $0xFFFFFEF7, lr;
	s5 =	simm.s32 $0xFFFFFFFF;
	p2 =	slt.u32 s8, $0xFFFFF086  }
0x1c: {  	p1 =	slt.u32 s9, $0xF7A;
	s5 =	simm.s32 @!p2 $0x0  }
0x1d: {  	s5 =	simm.s32 @p1 $0x1;
	p0 =	seq.s32 s7, s2  }
0x1e: {  	s7 =	smul.u32 @!p0 $0xF7A, s2;
	p2 =	seq.s32 @!p0 s5, $0x0  }
0x1f: {  	s9 =	smul.u32 $0xF7A, s1;
	s8 =	simm.s32 @!p0 $0x1BF5;
	p2 =	por !p2, p0  }
0x20: {  	[sflag:s8] =	ssyncset.s32 @!p0 $0xFFFFF086;
	s6 =	sadd.s32 @!p0 s3, s7;
	s7 =	simm.s32 @!p0 $0x108  }
0x21: {  	s3 =	sadd.s32 s3, s9;
	s6 =	sadd.s32 @!p0 $0x88, s6;
	s7 =	simm.s32 @p2 $0x1082  }
0x22: {  	[simem:s7], [sflag:s8] =	dma.local @!p0 [hbm:s6], $0xF7A  }
0x23: {  	s9 =	sor.u32 $0xD0000000, s2;
	s6 =	simm.s32 $0x108;
	_ =	swait.ge @!p0 [sflag:s8], $0x0  }
0x24: {  	s3 =	sadd.s32 $0x88, s3;
	s6 =	simm.s32 @!p1 $0x1082;
	[sflag:s4] =	ssyncset.s32 $0xFFFFF086  }
0x25: {  	[simem:s6], [sflag:s4] =	dma.local [hbm:s3], $0xF7A  }
0x26: {  	[smem:$0x3F9E] =	sst s1;
	(tag) =	ssettag s2;
	_ =	strace s9  }
0x27: {  	s1 =	sld [smem:$0x3FAE]  }
0x28: {  	s2 =	sld [smem:$0x3FAF]  }
0x29: {  	s4 =	sld [smem:$0x3FB1]  }
0x2a: {  	p0 =	seq.s32 s5, $0x0;
	s5 =	sld [smem:$0x3FB2]  }
0x2b: {  	s6 =	sld [smem:$0x3FB3]  }
0x2c: {  	s7 =	sld [smem:$0x3FB4]  }
0x2d: {  	s3 =	simm.s32 $0x108;
	s8 =	sld [smem:$0x3FB5]  }
0x2e: {  	s3 =	simm.s32 @!p0 $0x1082;
	s9 =	sld [smem:$0x3FB6]  }
0x2f: {  	lr =	sadd.s32 s0, s3;
	s0 =	sld [smem:$0x3FAD]  }
0x30: {  	s3 =	sld [smem:$0x3FB0]  }
0x31: {  	[smem:$0x3FB9] =	sst s10  }
0x32: {  	s10 =	sld [smem:$0x3FB7];
	_ =	sdelay $0x3  }
0x33: {  	p0 =	seq.s32 s10, $0x1;
	s10 =	sld [smem:$0x3FB9];
	_ =	sdelay $0x3  }
0x34: {  	[smem:$0x3FB9] =	sst s10  }
0x35: {  	s10 =	sld [smem:$0x3FB8];
	_ =	sdelay $0x3  }
0x36: {  	p1 =	seq.s32 s10, $0x1;
	s10 =	sld [smem:$0x3FB9];
	_ =	sdelay $0x3  }
0x37: {  	[smem:$0x3FB9] =	sst s10  }
0x38: {  	s10 =	sld [smem:$0x3FBA]  }
0x39: {  	_ = 	snop;
	(pc) =	sbr.ind lr, $3  }
0x3a: {  	_ = 	snop  }
0x3b: {  	_ = 	snop  }
0x3c: {  	p2 =	seq.s32 s10, $0x1;
	s10 =	sld [smem:$0x3FB9]  }
0x3d: {  	_ =	shalt  }
0x3e: {  	_ =	shalt  }
0x3f: {  	_ =	shalt  }
0x40: {  	_ =	shalt  }
0x41: {  	_ =	shalt  }
0x42: {  	_ =	shalt  }
0x43: {  	_ =	shalt  }
0x44: {  	_ =	shalt  }
0x45: {  	_ =	shalt  }
0x46: {  	_ =	shalt  }
0x47: {  	_ =	shalt  }
0x48: {  	_ =	shalt  }
0x49: {  	_ =	shalt  }
0x4a: {  	_ =	shalt  }
0x4b: {  	_ =	shalt  }
0x4c: {  	_ =	shalt  }
0x4d: {  	_ =	shalt  }
0x4e: {  	_ =	shalt  }
0x4f: {  	_ =	shalt  }
0x50: {  	_ =	shalt  }
0x51: {  	_ =	shalt  }
0x52: {  	_ =	shalt  }
0x53: {  	_ =	shalt  }
0x54: {  	_ =	shalt  }
0x55: {  	_ =	shalt  }
0x56: {  	_ =	shalt  }
0x57: {  	_ =	shalt  }
0x58: {  	_ =	shalt  }
0x59: {  	_ =	shalt  }
0x5a: {  	_ =	shalt  }
0x5b: {  	_ =	shalt  }
0x5c: {  	_ =	shalt  }
0x5d: {  	_ =	shalt  }
0x5e: {  	_ =	shalt  }
0x5f: {  	_ =	shalt  }
0x60: {  	_ =	shalt  }
0x61: {  	_ =	shalt  }
0x62: {  	_ =	shalt  }
0x63: {  	_ =	shalt  }
0x64: {  	_ =	shalt  }
0x65: {  	_ =	shalt  }
0x66: {  	_ =	shalt  }
0x67: {  	_ =	shalt  }
0x68: {  	_ =	shalt  }
0x69: {  	_ =	shalt  }
0x6a: {  	_ =	shalt  }
0x6b: {  	_ =	shalt  }
0x6c: {  	_ =	shalt  }
0x6d: {  	_ =	shalt  }
0x6e: {  	_ =	shalt  }
0x6f: {  	_ =	shalt  }
0x70: {  	_ =	shalt  }
0x71: {  	_ =	shalt  }
0x72: {  	_ =	shalt  }
0x73: {  	_ =	shalt  }
0x74: {  	_ =	shalt  }
0x75: {  	_ =	shalt  }
0x76: {  	_ =	shalt  }
0x77: {  	_ =	shalt  }
0x78: {  	_ =	shalt  }
0x79: {  	_ =	shalt  }
0x7a: {  	_ =	shalt  }
0x7b: {  	_ =	shalt  }
0x7c: {  	_ =	shalt  }
0x7d: {  	_ =	shalt  }
0x7e: {  	_ =	shalt  }
0x7f: {  	_ =	shalt  }
0x80: {  	_ =	shalt  }
0x81: {  	_ =	shalt  }
0x82: {  	_ =	shalt  }
0x83: {  	_ =	shalt  }
0x84: {  	_ =	shalt  }
0x85: {  	_ =	shalt  }
0x86: {  	_ =	shalt  }
0x87: {  	_ =	shalt  }
.Lfunc_end0:
.L_simem_size_0:
called_computation_lowered:
.L_overlay_start_0:
0x88: {  	s2 =	sld [smem:$0x3FD9]  }
0x89: {  	s3 =	sld [smem:$0x3FFE];
	_ =	sdelay $0x1  }
0x8a: {  	s1 =	srdreg.scid  }
0x8b: {  	s0 =	sand.u32 $0x1, s1  }
0x8c: {  	s15 =	sshll.u32 s0, $0xA;
	s2 =	sadd.s32 s3, s2  }
0x8d: {  	s2 =	sadd.s32 s2, s15  }
0x8e: {  	[smem:$0x3FC5] =	sst s2  }
0x8f: {  	_ = 	snop  }
0x90: {  	s2 =	sld [smem:$0x3FD0]  }
0x91: {  	s16 =	sld [smem:$0x3FC9]  }
0x92: {  	s4 =	sld [smem:$0x3FC8]  }
0x93: {  	s6 =	simm.s32 $0xA;
	s7 =	simm.s32 $0x10;
	s5 =	sld [smem:$0x3FC7]  }
0x94: {  	[smem:s7], [sflag:s6] =	dma.local [hbm:s2], $0x1  }
0x95: {  	_ =	swait.eq [sflag:s6], $0x1  }
0x96: {  	[sflag:s6] =	ssyncset.done $0x0  }
0x97: {  	s17 =	sld [smem:$0x10];
	[sflag:s6] =	ssyncadd.s32 $0xFFFFFFFF  }
0x98: {  	s18 =	sld [smem:$0x11];
	(tm) =	ssettm $0x1  }
0x99: {  	s19 =	sld [smem:$0x3FFB];
	_ =	sdelay $0x3  }
0x9a: {  	_ =	strace s19  }
0x9b: {  	s7 =	sld [smem:$0x3FFC];
	_ =	sdelay $0x3  }
0x9c: {  	_ =	strace s7  }
0x9d: {  	s7 =	sld [smem:$0x3FFD];
	_ =	sdelay $0x3  }
0x9e: {  	_ =	strace s7  }
0x9f: {  	_ =	strace $0x8FFFFFFF  }
0xa0: {  	s20 =	sld [smem:$0x3FDB];
	_ =	sdelay $0x1  }
0xa1: {  	s8 =	simm.s32 $_scs_section_size  }
0xa2: {  	s9 =	simm.s32 $_size__tile_overlayer_lowered;
	s10 =	simm.s32 $_tile_overlayer_lowered  }
0xa3: {  	s23 =	simm.s32 $0x1BFF;
	s22 =	sshll.u32 s10, $0x1;
	s7 =	sadd.s32 s8, s20  }
0xa4: {  	s11 =	simm.s32 $0x0;
	s21 =	sshll.u32 s9, $0x1;
	s9 =	sadd.s32 s22, s7  }
0xa5: {  	[timem:s11], [sflag:s23] =	dma.local [hbm:s9], s21  }
0xa6: {  	_ =	swait.ge [sflag:s23], s21  }
0xa7: {  	s8 =	ssub.s32 $0x0, s21;
	[sflag:s23] =	ssyncset.done $0x0  }
0xa8: {  	[sflag:s23] =	ssyncadd.s32 s8;
	_ =	sdelay $0x1  }
0xa9: {  	s24 =	simm.s32 $0x1B8B  }
0xaa: {  	_ =	swait.ge [sflag:s24], $0x1  }
0xab: {  	[sflag:s24] =	ssyncset.done $0x0  }
0xac: {  	s25 =	simm.s32 $0x1B8E;
	[sflag:s24] =	ssyncadd.s32 $0xFFFFFFFF  }
0xad: {  	s26 =	simm.s32 $execute0_lowered;
	[smem:$0x3FD2] =	sst s25  }
0xae: {  	s8 =	sshll.u32 s26, $0x1;
	_ =	strace $0x80000046;
	[dreg:$0x1] =	wrdreg $0xFFFFFFFF  }
0xaf: {  	s28 =	simm.s32 $_size_execute0_lowered;
	s7 =	sadd.s32 s7, s8;
	[dreg:$0x0] =	wrdreg $0x0  }
0xb0: {  	s8 =	sshll.u32 s28, $0x1;
	[dreg:$0x2] =	wrdreg s7  }
0xb1: {  	[dreg:$0x3] =	wrdreg s8  }
0xb2: {  	[dreg:$0x4] =	wrdreg $0xC0  }
0xb3: {  	_ =	task [dreg:s11], $0x5FFFF  }
0xb4: {  	[dreg:$0x1] =	wrdreg $0xFFFFFFFF  }
0xb5: {  	[dreg:$0x0] =	wrdreg $0x60  }
0xb6: {  	[dreg:$0x2] =	wrdreg s16  }
0xb7: {  	[dreg:$0x3] =	wrdreg s4  }
0xb8: {  	[dreg:$0x4] =	wrdreg s5  }
0xb9: {  	[dreg:$0x5] =	wrdreg s17  }
0xba: {  	[dreg:$0x6] =	wrdreg s18  }
0xbb: {  	[dreg:$0x7] =	wrdreg $0x9  }
0xbc: {  	_ =	task.clear_ibuf [dreg:s11], $0x8FFFF;
	_ =	strace $0x90000046  }
0xbd: {  	s29 =	simm.s32 $0x9;
	_ =	strace $0x80000048  }
0xbe: {  	_ =	swait.ge [sflag:s29], $0x1  }
0xbf: {  	[sflag:s29] =	ssyncadd.s32 $0xFFFFFFFF  }
0xc0: {  	_ =	strace $0x90000048  }
0xc1: {  	_ =	sfence  }
0xc2: {  	s30 =	sld [smem:$0x0];
	_ =	sdelay $0x2  }
0xc3: {  	s31 =	sshll.u32 s1, $0xD;
	s1 =	sshrl.u32 s1, $0x2  }
0xc4: {  	s3 =	sand.u32 $0x4000, s31;
	s1 =	sadd.s32 s1, s30  }
0xc5: {  	s0 =	sor.u32 s3, s0;
	s1 =	sshll.u32 s1, $0x11  }
0xc6: {  	s0 =	sor.u32 s1, s0  }
0xc7: {  	s0 =	sadd.s32 $0x8F2B, s0  }
0xc8: {  	[sflag:s0] =	ssyncadd.remote.s32 $0x1  }
0xc9: {  	_ =	sfence.sel $0xFFFF  }
0xca: {  	[dreg:$0x0] =	wrdreg $0xFFFFFFFF;
	(pc) =	sbr.abs _section_cstart, $3  }
0xcb: {  	[dreg:$0x1] =	wrdreg $0xFFFFFFFF  }
0xcc: {  	_ =	task.clear_ibuf [dreg:s11], $0x2FFFF;
	_ =	strace $0x9FFFFFFF  }
0xcd: {  	(tm) =	ssettm $0x7FFFFFFF  }
tec
execute0_lowered:
.L_overlay_start_1:
0x0: {  	(tag) =	ssettag $0x1  }
0x1: {  	s0 =	rddreg [dreg:$0x0]  }
0x2: {  	s1 =	srdreg.scid;
	s2 =	rddreg [dreg:$0x3]  }
0x3: {  	s3 =	stileid.u32;
	s4 =	rddreg [dreg:$0x4]  }
0x4: {  	s29 =	simm.s32 $0x9000;
	s30 =	simm.s32 $0x12000;
	s31 =	simm.s32 $0x1  }
0x5: {  	s28 =	simm.s32 $0x0;
	s1 =	sand.u32 $0x1, s1;
	s3 =	sshll.u32 s3, $0x1  }
0x6: {  	s5 =	sor.u32 s1, s3;
	s3 =	simm.s32 $0x0;
	s6 =	ssub.s32 $0x2, s1  }
0x7: {  	s7 =	smul.u32 $0x48000, s5;
	[smem:$0x7FF] =	sst s3;
	s8 =	sshrl.u32 s6, $0x1  }
0x8: {  	s21 =	sshllo.u32 s5, $0x1;
	s26 =	sshll.u32 s5, $0x1;
	s14 =	ssub.s32 s6, s8  }
0x9: {  	s10 =	smul.u32 $0x24000, s21;
	s25 =	sshll.u32 s21, $0x4;
	s22 =	sshrl.u32 s7, $0x3  }
0xa: {  	s21 =	sshll.u32 s1, $0x5;
	s1 =	simm.s32 $0x5;
	s9 =	sadd.s32 $0x1200, s22  }
0xb: {  	s11 =	sadd.s32 $0x2400, s22;
	s23 =	sadd.s32 s0, s22;
	s7 =	sadd.s32 s2, s22  }
0xc: {  	s13 =	sadd.s32 $0x3600, s22;
	s16 =	sshrl.u32 s10, $0x3;
	s22 =	sand.u32 $0x30, s25  }
0xd: {  	s25 =	simm.s32 $0x6;
	[dreg:$0x6] =	wrdreg s23;
	s24 =	sadd.s32 s0, s9  }
0xe: {  	s6 =	sadd.s32 s0, s11;
	s8 =	sadd.s32 s0, s13;
	s9 =	sadd.s32 s2, s9  }
0xf: {  	s18 =	sadd.s32 $0x1200, s16;
	s10 =	sadd.s32 s0, s16;
	s11 =	sadd.s32 s2, s11  }
0x10: {  	s13 =	sadd.s32 s2, s13;
	s19 =	sadd.s32 $0x2400, s16;
	s20 =	sadd.s32 $0x3600, s16  }
0x11: {  	s16 =	sadd.s32 s2, s16;
	s23 =	sadd.s32 s4, s26;
	s26 =	simm.s32 $0x7  }
0x12: {  	[dreg:$0x7] =	wrdreg s24;
	s12 =	sadd.s32 s0, s18;
	s15 =	sadd.s32 s0, s19  }
0x13: {  	s17 =	sadd.s32 s0, s20;
	s18 =	sadd.s32 s2, s18;
	s19 =	sadd.s32 s2, s19  }
0x14: {  	s20 =	sadd.s32 s2, s20;
	s24 =	smax.u32 s14, $0x1;
	s14 =	simm.s32 $0x4  }
0x15: {  	v0 =	vimm.s32 $0x0;
	v1 =	vimm.s32 $0x1;
	s0 =	simm.s32 $0x2;
	s2 =	simm.s32 $0x3;
	_ =	strace $0x80000047  }
.LBB2_1:
0x16: {  	s4 =	rddreg [dreg:$0x1];
	s5 =	simm.s32 $0x1B000  }
0x17: {  	[tilespmem:s5], [sflag:$0x7] =	stream.linear.gather [hbm4b:s4+s3], $0x80, $0x38;
	[tilespmem:$0x1B180] =	vst v63  }
0x18: {  	_ =	swait.ge [sflag:s26], $0x80  }
0x19: {  	[sflag:s26] =	ssyncset.done $0x0  }
0x1a: {  	[sflag:s26] =	ssyncadd.s32 $0xFFFFFF80  }
0x1b: {  	s5 =	simm.s32 $0x1B080;
	s4 =	rddreg [dreg:$0x2]  }
0x1c: {  	[tilespmem:s5], [sflag:$0x7] =	stream.linear.gather [hbm4b:s4+s3], $0x80, $0x38;
	[tilespmem:$0x1B180] =	vst v63  }
0x1d: {  	_ =	swait.ge [sflag:s26], $0x80  }
0x1e: {  	[sflag:s26] =	ssyncset.done $0x0  }
0x1f: {  	s5 =	rddreg [dreg:$0x6];
	[sflag:s26] =	ssyncadd.s32 $0xFFFFFF80  }
0x20: {  	[tilespmem:s3], [sflag:$0x1] =	stream.linear.gather [hbm4b:s5+s3], $0x9000, $0x38;
	[tilespmem:$0x1B180] =	vst v63  }
0x21: {  	s5 =	rddreg [dreg:$0x7]  }
0x22: {  	[tilespmem:s29], [sflag:$0x2] =	stream.linear.gather [hbm4b:s5+s3], $0x9000, $0x38;
	[tilespmem:$0x1B180] =	vst v63  }
0x23: {  	_ = 	snop  }
0x24: {  	[tilespmem:s30], [sflag:$0x3] =	stream.linear.gather [hbm4b:s6+s3], $0x9000, $0x38;
	[tilespmem:$0x1B180] =	vst v63  }
0x25: {  	_ =	swait.ge [sflag:s31], $0x9000  }
0x26: {  	[sflag:s31] =	ssyncset.done $0x0  }
0x27: {  	[sflag:s31] =	ssyncadd.s32 $0xFFFF7000  }
0x28: {  	[hbm4b:s7+s3] =	stream.linear.scatter [tilespmem:s3], [sflag:$0x4], $0x9000, $0x38;
	[tilespmem:$0x1B180] =	vst v63  }
0x29: {  	v2 =	vld [tilespmem:s21+$0x1B000];
	_ =	sdelay $0x4  }
0x2a: {  	v3 =	vperm.xlane v2, v0;
	v2 =	vperm.xlane v2, v1;
	_ =	sdelay $0x1  }
0x2b: {  	v2 =	vsub.f32 v2, v3;
	_ =	sdelay $0x1  }
0x2c: {  	(erf) = vrcp.f32 v2;
	_ =	sdelay $0x1  }
0x2d: {  	s5 =	simm.s32 $0x0  }
0x2e: {  	v5 =	vld [tilespmem:s5+$0x60]  }
0x2f: {  	v6 =	vld [tilespmem:s5+$0x50]  }
0x30: {  	v7 =	vld [tilespmem:s5+$0x40]  }
0x31: {  	v8 =	vld [tilespmem:s5+$0x0]  }
0x32: {  	v2 =	vld [tilespmem:s5+$0x70]  }
0x33: {  	v9 =	vld [tilespmem:s5+$0x30]  }
0x34: {  	v10 =	vld [tilespmem:s5+$0x10];
	v4 =	vpop (erf)  }
0x35: {  	v11 =	vld [tilespmem:s5+$0x20];
	v3 =	vmul.f32 v4, v3;
	_ =	sdelay $0x1  }
0x36: {  	v2 =	vmul.f32 v2, v4;
	v8 =	vmul.f32 v8, v4;
	v3 =	vsub.f32 $5.000000000e-01, v3  }
0x37: {  	v12 =	vimm.f32 $0.0e+00;
	v5 =	vmul.f32 v5, v4;
	v6 =	vmul.f32 v6, v4  }
0x38: {  	v7 =	vmul.f32 v7, v4;
	v10 =	vmul.f32 v10, v4;
	v8 =	vadd.f32 v8, v3  }
0x39: {  	v9 =	vmul.f32 v9, v4;
	v11 =	vmul.f32 v11, v4;
	v15 =	vadd.f32 v2, v3  }
0x3a: {  	v2 =	vld [tilespmem:s21+$0x1B080];
	v10 =	vadd.f32 v10, v3;
	v5 =	vadd.f32 v5, v3;
	v8 =	vmax.f32 v8, $0.0e+00  }
0x3b: {  	v9 =	vadd.f32 v9, v3;
	v6 =	vadd.f32 v6, v3;
	v8 =	vmin.f32 v8, $1.500000000e+01  }
0x3c: {  	v11 =	vadd.f32 v11, v3;
	v10 =	vmax.f32 v10, $0.0e+00;
	v8 =	vtrunc.f32 v8  }
0x3d: {  	v7 =	vadd.f32 v7, v3;
	v10 =	vmin.f32 v10, $1.500000000e+01;
	v8 =	vcvt.f32.s32 v8  }
0x3e: {  	v11 =	vmax.f32 v11, $0.0e+00;
	v9 =	vmax.f32 v9, $0.0e+00;
	v10 =	vtrunc.f32 v10  }
0x3f: {  	v11 =	vmin.f32 v11, $1.500000000e+01;
	v10 =	vcvt.f32.s32 v10;
	v8 =	vperm.xlane v2, v8  }
0x40: {  	v7 =	vmax.f32 v7, $0.0e+00;
	v9 =	vmin.f32 v9, $1.500000000e+01;
	v11 =	vtrunc.f32 v11  }
0x41: {  	v11 =	vcvt.f32.s32 v11;
	v10 =	vperm.xlane v2, v10;
	v12 =	vadd.f32 v8, v12  }
0x42: {  	s5 =	simm.s32 $0x80;
	v6 =	vmax.f32 v6, $0.0e+00;
	v13 =	vmin.f32 v7, $1.500000000e+01;
	v9 =	vtrunc.f32 v9  }
0x43: {  	v11 =	vperm.xlane v2, v11;
	v8 =	vld [tilespmem:s5+$0x70];
	v10 =	vadd.f32 v10, v12;
	v12 =	vcvt.f32.s32 v9  }
0x44: {  	v16 =	vmax.f32 v5, $0.0e+00;
	v5 =	vld [tilespmem:s5+$0x50];
	v14 =	vmin.f32 v6, $1.500000000e+01;
	v13 =	vtrunc.f32 v13  }
0x45: {  	v7 =	vld [tilespmem:s5+$0x60];
	v9 =	vadd.f32 v11, v10;
	v10 =	vperm.xlane v2, v12;
	v12 =	vcvt.f32.s32 v13  }
0x46: {  	s4 =	simm.s32 $0x400;
	v6 =	vld [tilespmem:s5+$0x40];
	v14 =	vtrunc.f32 v14;
	v13 =	vmin.f32 v16, $1.500000000e+01;
	v11 =	vmax.f32 v15, $0.0e+00  }
.LBB2_2:
0x47: {  	p0 =	sne.s32 s4, $0x23E00;
	v15 =	vld [tilespmem:s5+$0x0];
	v9 =	vadd.f32 v10, v9;
	v10 =	vperm.xlane v2, v12;
	v12 =	vcvt.f32.s32 v14  }
0x48: {  	v13 =	vtrunc.f32 v13;
	v11 =	vmin.f32 v11, $1.500000000e+01;
	v14 =	vld [tilespmem:s5+$0x30];
	v8 =	vmul.f32 v8, v4  }
0x49: {  	v16 =	vld [tilespmem:s5+$0x10];
	v9 =	vadd.f32 v10, v9;
	v10 =	vperm.xlane v2, v12;
	v12 =	vcvt.f32.s32 v13  }
0x4a: {  	v11 =	vtrunc.f32 v11;
	v7 =	vmul.f32 v7, v4;
	v13 =	vld [tilespmem:s5+$0x20]  }
0x4b: {  	v11 =	vcvt.f32.s32 v11;
	v9 =	vadd.f32 v10, v9;
	v10 =	vperm.xlane v2, v12  }
0x4c: {  	v5 =	vmul.f32 v5, v4;
	v12 =	vmul.f32 v15, v4  }
0x4d: {  	v6 =	vmul.f32 v6, v4;
	v9 =	vadd.f32 v10, v9;
	v10 =	vperm.xlane v2, v11  }
0x4e: {  	v14 =	vmul.f32 v14, v4;
	v11 =	vadd.f32 v12, v3;
	v12 =	vmul.f32 v16, v4  }
0x4f: {  	v15 =	vadd.f32 v8, v3;
	v13 =	vmul.f32 v13, v4;
	v8 =	vadd.f32 v10, v9  }
0x50: {  	v9 =	vmax.f32 v11, $0.0e+00;
	v10 =	vadd.f32 v12, v3;
	v11 =	vadd.f32 v7, v3  }
0x51: {  	v5 =	vadd.f32 v5, v3;
	v7 =	vmin.f32 v9, $1.500000000e+01;
	v9 =	vadd.f32 v14, v3  }
0x52: {  	v12 =	vadd.f32 v13, v3;
	v7 =	vtrunc.f32 v7;
	v10 =	vmax.f32 v10, $0.0e+00  }
0x53: {  	v6 =	vadd.f32 v6, v3;
	v7 =	vcvt.f32.s32 v7;
	v10 =	vmin.f32 v10, $1.500000000e+01  }
0x54: {  	v12 =	vmax.f32 v12, $0.0e+00;
	v9 =	vmax.f32 v9, $0.0e+00;
	v10 =	vtrunc.f32 v10  }
0x55: {  	v12 =	vmin.f32 v12, $1.500000000e+01;
	v7 =	vperm.xlane v2, v7;
	v10 =	vcvt.f32.s32 v10  }
0x56: {  	v6 =	vmax.f32 v6, $0.0e+00;
	v9 =	vmin.f32 v9, $1.500000000e+01;
	v12 =	vtrunc.f32 v12  }
0x57: {  	v12 =	vcvt.f32.s32 v12;
	v7 =	vadd.f32 v7, v8;
	v10 =	vperm.xlane v2, v10  }
.Ltmp0:
0x58: {  	s5 =	sshra.s32 s4, $0x2;
	v5 =	vmax.f32 v5, $0.0e+00;
	v6 =	vmin.f32 v6, $1.500000000e+01;
	v9 =	vtrunc.f32 v9;
	(pc) =	sbr.rel @p0 .LBB2_2-.Ltmp0, $4  }
0x59: {  	v13 =	vcvt.f32.s32 v9;
	v12 =	vperm.xlane v2, v12;
	v8 =	vld [tilespmem:s5+$0x70];
	v10 =	vadd.f32 v10, v7  }
0x5a: {  	v6 =	vtrunc.f32 v6;
	v14 =	vmin.f32 v5, $1.500000000e+01;
	v11 =	vmax.f32 v11, $0.0e+00;
	v7 =	vld [tilespmem:s5+$0x60]  }
0x5b: {  	v5 =	vld [tilespmem:s5+$0x50];
	v9 =	vadd.f32 v12, v10;
	v10 =	vperm.xlane v2, v13;
	v12 =	vcvt.f32.s32 v6  }
0x5c: {  	s4 =	sadd.s32 $0x200, s4;
	v14 =	vtrunc.f32 v14;
	v13 =	vmin.f32 v11, $1.500000000e+01;
	v11 =	vmax.f32 v15, $0.0e+00;
	v6 =	vld [tilespmem:s5+$0x40]  }
0x5d: {  	v15 =	vld [tilespmem:s5+$0x0];
	v12 =	vperm.xlane v2, v12;
	v14 =	vcvt.f32.s32 v14  }
0x5e: {  	v16 =	vld [tilespmem:s5+$0x30];
	v13 =	vtrunc.f32 v13;
	v11 =	vmin.f32 v11, $1.500000000e+01;
	v8 =	vmul.f32 v8, v4  }
0x5f: {  	v17 =	vld [tilespmem:s5+$0x10];
	v9 =	vadd.f32 v10, v9;
	v10 =	vcvt.f32.s32 v13;
	v11 =	vtrunc.f32 v11  }
0x60: {  	v18 =	vld [tilespmem:s5+$0x20];
	_ =	swait.ge [sflag:s14], $0x9000;
	v13 =	vperm.xlane v2, v14;
	v7 =	vmul.f32 v7, v4  }
0x61: {  	[sflag:s14] =	ssyncset.done $0x0;
	v9 =	vadd.f32 v12, v9;
	v11 =	vcvt.f32.s32 v11;
	v10 =	vperm.xlane v2, v10  }
0x62: {  	s4 =	simm.s32 $0x0;
	[sflag:s14] =	ssyncadd.s32 $0xFFFF7000;
	v5 =	vmul.f32 v5, v4;
	v8 =	vadd.f32 v8, v3;
	v6 =	vmul.f32 v6, v4  }
0x63: {  	[tilespmem:s4], [sflag:$0x1] =	stream.linear.gather [hbm4b:s8+s4], $0x9000, $0x38;
	v9 =	vadd.f32 v13, v9;
	v11 =	vperm.xlane v2, v11;
	v12 =	vmul.f32 v15, v4;
	[tilespmem:$0x1B180] =	vst v63  }
0x64: {  	_ =	swait.ge [sflag:s0], $0x9000;
	v7 =	vadd.f32 v7, v3;
	v13 =	vmul.f32 v17, v4;
	v5 =	vadd.f32 v5, v3  }
0x65: {  	[sflag:s0] =	ssyncset.done $0x0;
	v9 =	vadd.f32 v10, v9;
	v10 =	vmul.f32 v16, v4;
	v12 =	vadd.f32 v12, v3  }
0x66: {  	v4 =	vmul.f32 v18, v4;
	[sflag:s0] =	ssyncadd.s32 $0xFFFF7000;
	v13 =	vadd.f32 v13, v3;
	v5 =	vmax.f32 v5, $0.0e+00  }
0x67: {  	[hbm4b:s9+s4] =	stream.linear.scatter [tilespmem:s29], [sflag:$0x5], $0x9000, $0x38;
	v9 =	vadd.f32 v11, v9;
	v10 =	vadd.f32 v10, v3;
	v12 =	vmax.f32 v12, $0.0e+00;
	[tilespmem:$0x1B180] =	vst v63  }
0x68: {  	v4 =	vadd.f32 v4, v3;
	v13 =	vmax.f32 v13, $0.0e+00;
	v11 =	vmin.f32 v12, $1.500000000e+01;
	v12 =	vld [tilespmem:s21+$0x1B000]  }
0x69: {  	v3 =	vadd.f32 v6, v3;
	v13 =	vmin.f32 v13, $1.500000000e+01;
	v11 =	vtrunc.f32 v11  }
0x6a: {  	v4 =	vmax.f32 v4, $0.0e+00;
	v6 =	vtrunc.f32 v13;
	v11 =	vcvt.f32.s32 v11  }
0x6b: {  	v10 =	vmax.f32 v10, $0.0e+00;
	v4 =	vmin.f32 v4, $1.500000000e+01;
	v6 =	vcvt.f32.s32 v6  }
0x6c: {  	v3 =	vmax.f32 v3, $0.0e+00;
	v4 =	vtrunc.f32 v4;
	v11 =	vperm.xlane v2, v11  }
0x6d: {  	v10 =	vmin.f32 v10, $1.500000000e+01;
	v13 =	vperm.xlane v12, v0;
	v12 =	vperm.xlane v12, v1  }
0x6e: {  	v4 =	vcvt.f32.s32 v4;
	v6 =	vperm.xlane v2, v6;
	v9 =	vadd.f32 v11, v9  }
0x6f: {  	v3 =	vmin.f32 v3, $1.500000000e+01;
	v10 =	vtrunc.f32 v10;
	v12 =	vsub.f32 v12, v13  }
0x70: {  	v4 =	vperm.xlane v2, v4;
	v6 =	vadd.f32 v6, v9;
	v9 =	vcvt.f32.s32 v10  }
0x71: {  	v5 =	vmin.f32 v5, $1.500000000e+01;
	v3 =	vtrunc.f32 v3;
	(erf) = vrcp.f32 v12  }
0x72: {  	v3 =	vcvt.f32.s32 v3;
	v4 =	vadd.f32 v4, v6;
	v6 =	vperm.xlane v2, v9  }
0x73: {  	s5 =	simm.s32 $0x0;
	v5 =	vtrunc.f32 v5  }
0x74: {  	v14 =	vld [tilespmem:s5+$0x9010];
	v5 =	vcvt.f32.s32 v5;
	v3 =	vperm.xlane v2, v3;
	v4 =	vadd.f32 v6, v4  }
0x75: {  	v7 =	vmax.f32 v7, $0.0e+00;
	v11 =	vld [tilespmem:s5+$0x9040]  }
0x76: {  	v7 =	vmin.f32 v7, $1.500000000e+01;
	v10 =	vld [tilespmem:s5+$0x9060];
	v3 =	vadd.f32 v3, v4;
	v4 =	vperm.xlane v2, v5  }
0x77: {  	v8 =	vmax.f32 v8, $0.0e+00;
	v7 =	vtrunc.f32 v7;
	v9 =	vld [tilespmem:s5+$0x9070]  }
0x78: {  	v8 =	vmin.f32 v8, $1.500000000e+01;
	v5 =	vcvt.f32.s32 v7;
	v7 =	vld [tilespmem:s5+$0x9000]  }
0x79: {  	v8 =	vtrunc.f32 v8;
	v6 =	vld [tilespmem:s5+$0x9050]  }
0x7a: {  	v8 =	vcvt.f32.s32 v8;
	v12 =	vld [tilespmem:s5+$0x9030];
	v3 =	vadd.f32 v4, v3;
	v5 =	vperm.xlane v2, v5;
	v4 =	vpop (erf)  }
0x7b: {  	v15 =	vld [tilespmem:s5+$0x9020];
	v13 =	vmul.f32 v4, v13  }
0x7c: {  	v2 =	vperm.xlane v2, v8;
	v5 =	vadd.f32 v5, v3;
	v8 =	vmul.f32 v9, v4  }
0x7d: {  	v7 =	vmul.f32 v7, v4;
	v9 =	vmul.f32 v10, v4;
	v3 =	vsub.f32 $5.000000000e-01, v13  }
0x7e: {  	v6 =	vmul.f32 v6, v4;
	v10 =	vmul.f32 v11, v4  }
0x7f: {  	v11 =	vmul.f32 v14, v4;
	v12 =	vmul.f32 v12, v4;
	v7 =	vadd.f32 v7, v3  }
0x80: {  	v5 =	vadd.f32 v2, v5;
	v13 =	vmul.f32 v15, v4;
	v15 =	vadd.f32 v8, v3  }
0x81: {  	v2 =	vld [tilespmem:s21+$0x1B080];
	v8 =	vadd.f32 v11, v3;
	v9 =	vadd.f32 v9, v3;
	v7 =	vmax.f32 v7, $0.0e+00  }
0x82: {  	v11 =	vadd.f32 v12, v3;
	v6 =	vadd.f32 v6, v3;
	v7 =	vmin.f32 v7, $1.500000000e+01  }
0x83: {  	v12 =	vadd.f32 v13, v3;
	v8 =	vmax.f32 v8, $0.0e+00;
	v7 =	vtrunc.f32 v7  }
0x84: {  	v10 =	vadd.f32 v10, v3;
	v8 =	vmin.f32 v8, $1.500000000e+01;
	v7 =	vcvt.f32.s32 v7  }
0x85: {  	v12 =	vmax.f32 v12, $0.0e+00;
	v11 =	vmax.f32 v11, $0.0e+00;
	v8 =	vtrunc.f32 v8  }
0x86: {  	v12 =	vmin.f32 v12, $1.500000000e+01;
	v8 =	vcvt.f32.s32 v8;
	v7 =	vperm.xlane v2, v7  }
0x87: {  	v10 =	vmax.f32 v10, $0.0e+00;
	v11 =	vmin.f32 v11, $1.500000000e+01;
	v12 =	vtrunc.f32 v12  }
0x88: {  	v12 =	vcvt.f32.s32 v12;
	v5 =	vadd.f32 v7, v5;
	v7 =	vperm.xlane v2, v8  }
0x89: {  	s5 =	simm.s32 $0x80;
	v6 =	vmax.f32 v6, $0.0e+00;
	v10 =	vmin.f32 v10, $1.500000000e+01;
	v11 =	vtrunc.f32 v11  }
0x8a: {  	v11 =	vcvt.f32.s32 v11;
	v12 =	vperm.xlane v2, v12;
	v8 =	vld [tilespmem:s5+$0x9070];
	v13 =	vadd.f32 v7, v5  }
0x8b: {  	v63 =	vmax.f32 v9, $0.0e+00;
	v62 =	vmin.f32 v6, $1.500000000e+01;
	v6 =	vld [tilespmem:s5+$0x9040];
	v14 =	vtrunc.f32 v10  }
0x8c: {  	v10 =	vperm.xlane v2, v11;
	v7 =	vld [tilespmem:s5+$0x9060];
	v9 =	vadd.f32 v12, v13;
	v12 =	vcvt.f32.s32 v14  }
0x8d: {  	s4 =	simm.s32 $0x400;
	v11 =	vmax.f32 v15, $0.0e+00;
	v5 =	vld [tilespmem:s5+$0x9050];
	v14 =	vtrunc.f32 v62;
	v13 =	vmin.f32 v63, $1.500000000e+01  }
.LBB2_4:
0x8e: {  	p0 =	sne.s32 s4, $0x23E00;
	v15 =	vld [tilespmem:s5+$0x9000];
	v9 =	vadd.f32 v10, v9;
	v10 =	vperm.xlane v2, v12;
	v12 =	vcvt.f32.s32 v14  }
0x8f: {  	v13 =	vtrunc.f32 v13;
	v11 =	vmin.f32 v11, $1.500000000e+01;
	v14 =	vld [tilespmem:s5+$0x9030];
	v8 =	vmul.f32 v8, v4  }
0x90: {  	v16 =	vld [tilespmem:s5+$0x9010];
	v9 =	vadd.f32 v10, v9;
	v10 =	vperm.xlane v2, v12;
	v12 =	vcvt.f32.s32 v13  }
0x91: {  	v11 =	vtrunc.f32 v11;
	v7 =	vmul.f32 v7, v4;
	v13 =	vld [tilespmem:s5+$0x9020]  }
0x92: {  	v11 =	vcvt.f32.s32 v11;
	v9 =	vadd.f32 v10, v9;
	v10 =	vperm.xlane v2, v12  }
0x93: {  	v5 =	vmul.f32 v5, v4;
	v12 =	vmul.f32 v15, v4  }
0x94: {  	v6 =	vmul.f32 v6, v4;
	v9 =	vadd.f32 v10, v9;
	v10 =	vperm.xlane v2, v11  }
0x95: {  	v14 =	vmul.f32 v14, v4;
	v11 =	vadd.f32 v12, v3;
	v12 =	vmul.f32 v16, v4  }
0x96: {  	v15 =	vadd.f32 v8, v3;
	v13 =	vmul.f32 v13, v4;
	v8 =	vadd.f32 v10, v9  }
0x97: {  	v9 =	vmax.f32 v11, $0.0e+00;
	v10 =	vadd.f32 v12, v3;
	v11 =	vadd.f32 v7, v3  }
0x98: {  	v5 =	vadd.f32 v5, v3;
	v7 =	vmin.f32 v9, $1.500000000e+01;
	v9 =	vadd.f32 v14, v3  }
0x99: {  	v12 =	vadd.f32 v13, v3;
	v7 =	vtrunc.f32 v7;
	v10 =	vmax.f32 v10, $0.0e+00  }
0x9a: {  	v6 =	vadd.f32 v6, v3;
	v7 =	vcvt.f32.s32 v7;
	v10 =	vmin.f32 v10, $1.500000000e+01  }
0x9b: {  	v12 =	vmax.f32 v12, $0.0e+00;
	v9 =	vmax.f32 v9, $0.0e+00;
	v10 =	vtrunc.f32 v10  }
0x9c: {  	v12 =	vmin.f32 v12, $1.500000000e+01;
	v7 =	vperm.xlane v2, v7;
	v10 =	vcvt.f32.s32 v10  }
0x9d: {  	v6 =	vmax.f32 v6, $0.0e+00;
	v9 =	vmin.f32 v9, $1.500000000e+01;
	v12 =	vtrunc.f32 v12  }
0x9e: {  	v12 =	vcvt.f32.s32 v12;
	v7 =	vadd.f32 v7, v8;
	v10 =	vperm.xlane v2, v10  }
.Ltmp1:
0x9f: {  	s5 =	sshra.s32 s4, $0x2;
	v5 =	vmax.f32 v5, $0.0e+00;
	v6 =	vmin.f32 v6, $1.500000000e+01;
	v9 =	vtrunc.f32 v9;
	(pc) =	sbr.rel @p0 .LBB2_4-.Ltmp1, $4  }
0xa0: {  	v13 =	vcvt.f32.s32 v9;
	v12 =	vperm.xlane v2, v12;
	v8 =	vld [tilespmem:s5+$0x9070];
	v10 =	vadd.f32 v10, v7  }
0xa1: {  	v6 =	vtrunc.f32 v6;
	v14 =	vmin.f32 v5, $1.500000000e+01;
	v11 =	vmax.f32 v11, $0.0e+00;
	v7 =	vld [tilespmem:s5+$0x9060]  }
0xa2: {  	v5 =	vld [tilespmem:s5+$0x9050];
	v9 =	vadd.f32 v12, v10;
	v10 =	vperm.xlane v2, v13;
	v12 =	vcvt.f32.s32 v6  }
0xa3: {  	s4 =	sadd.s32 $0x200, s4;
	v14 =	vtrunc.f32 v14;
	v13 =	vmin.f32 v11, $1.500000000e+01;
	v11 =	vmax.f32 v15, $0.0e+00;
	v6 =	vld [tilespmem:s5+$0x9040]  }
0xa4: {  	v15 =	vld [tilespmem:s5+$0x9000];
	v12 =	vperm.xlane v2, v12;
	v14 =	vcvt.f32.s32 v14  }
0xa5: {  	v16 =	vld [tilespmem:s5+$0x9030];
	v13 =	vtrunc.f32 v13;
	v11 =	vmin.f32 v11, $1.500000000e+01;
	v8 =	vmul.f32 v8, v4  }
0xa6: {  	v17 =	vld [tilespmem:s5+$0x9010];
	v9 =	vadd.f32 v10, v9;
	v10 =	vcvt.f32.s32 v13;
	v11 =	vtrunc.f32 v11  }
0xa7: {  	v18 =	vld [tilespmem:s5+$0x9020];
	_ =	swait.ge [sflag:s1], $0x9000;
	v13 =	vperm.xlane v2, v14;
	v7 =	vmul.f32 v7, v4  }
0xa8: {  	[sflag:s1] =	ssyncset.done $0x0;
	v9 =	vadd.f32 v12, v9;
	v11 =	vcvt.f32.s32 v11;
	v10 =	vperm.xlane v2, v10  }
0xa9: {  	s4 =	simm.s32 $0x0;
	[sflag:s1] =	ssyncadd.s32 $0xFFFF7000;
	v5 =	vmul.f32 v5, v4;
	v8 =	vadd.f32 v8, v3;
	v6 =	vmul.f32 v6, v4  }
0xaa: {  	[tilespmem:s29], [sflag:$0x2] =	stream.linear.gather [hbm4b:s10+s4], $0x9000, $0x38;
	v9 =	vadd.f32 v13, v9;
	v11 =	vperm.xlane v2, v11;
	v12 =	vmul.f32 v15, v4;
	[tilespmem:$0x1B180] =	vst v63  }
0xab: {  	_ =	swait.ge [sflag:s2], $0x9000;
	v7 =	vadd.f32 v7, v3;
	v13 =	vmul.f32 v17, v4;
	v5 =	vadd.f32 v5, v3  }
0xac: {  	[sflag:s2] =	ssyncset.done $0x0;
	v9 =	vadd.f32 v10, v9;
	v10 =	vmul.f32 v16, v4;
	v12 =	vadd.f32 v12, v3  }
0xad: {  	v4 =	vmul.f32 v18, v4;
	[sflag:s2] =	ssyncadd.s32 $0xFFFF7000;
	v13 =	vadd.f32 v13, v3;
	v5 =	vmax.f32 v5, $0.0e+00  }
0xae: {  	[hbm4b:s11+s4] =	stream.linear.scatter [tilespmem:s30], [sflag:$0x6], $0x9000, $0x38;
	v9 =	vadd.f32 v11, v9;
	v10 =	vadd.f32 v10, v3;
	v12 =	vmax.f32 v12, $0.0e+00;
	[tilespmem:$0x1B180] =	vst v63  }
0xaf: {  	v4 =	vadd.f32 v4, v3;
	v13 =	vmax.f32 v13, $0.0e+00;
	v11 =	vmin.f32 v12, $1.500000000e+01;
	v12 =	vld [tilespmem:s21+$0x1B000]  }
0xb0: {  	v3 =	vadd.f32 v6, v3;
	v13 =	vmin.f32 v13, $1.500000000e+01;
	v11 =	vtrunc.f32 v11  }
0xb1: {  	v4 =	vmax.f32 v4, $0.0e+00;
	v6 =	vtrunc.f32 v13;
	v11 =	vcvt.f32.s32 v11  }
0xb2: {  	v10 =	vmax.f32 v10, $0.0e+00;
	v4 =	vmin.f32 v4, $1.500000000e+01;
	v6 =	vcvt.f32.s32 v6  }
0xb3: {  	v3 =	vmax.f32 v3, $0.0e+00;
	v4 =	vtrunc.f32 v4;
	v11 =	vperm.xlane v2, v11  }
0xb4: {  	v10 =	vmin.f32 v10, $1.500000000e+01;
	v13 =	vperm.xlane v12, v0;
	v12 =	vperm.xlane v12, v1  }
0xb5: {  	v4 =	vcvt.f32.s32 v4;
	v6 =	vperm.xlane v2, v6;
	v9 =	vadd.f32 v11, v9  }
0xb6: {  	v3 =	vmin.f32 v3, $1.500000000e+01;
	v10 =	vtrunc.f32 v10;
	v12 =	vsub.f32 v12, v13  }
0xb7: {  	v4 =	vperm.xlane v2, v4;
	v6 =	vadd.f32 v6, v9;
	v9 =	vcvt.f32.s32 v10  }
0xb8: {  	v5 =	vmin.f32 v5, $1.500000000e+01;
	v3 =	vtrunc.f32 v3;
	(erf) = vrcp.f32 v12  }
0xb9: {  	v3 =	vcvt.f32.s32 v3;
	v4 =	vadd.f32 v4, v6;
	v6 =	vperm.xlane v2, v9  }
0xba: {  	s5 =	simm.s32 $0x0;
	v5 =	vtrunc.f32 v5  }
0xbb: {  	v14 =	vld [tilespmem:s5+$0x12010];
	v5 =	vcvt.f32.s32 v5;
	v3 =	vperm.xlane v2, v3;
	v4 =	vadd.f32 v6, v4  }
0xbc: {  	v7 =	vmax.f32 v7, $0.0e+00;
	v11 =	vld [tilespmem:s5+$0x12040]  }
0xbd: {  	v7 =	vmin.f32 v7, $1.500000000e+01;
	v10 =	vld [tilespmem:s5+$0x12060];
	v3 =	vadd.f32 v3, v4;
	v4 =	vperm.xlane v2, v5  }
0xbe: {  	v8 =	vmax.f32 v8, $0.0e+00;
	v7 =	vtrunc.f32 v7;
	v9 =	vld [tilespmem:s5+$0x12070]  }
0xbf: {  	v8 =	vmin.f32 v8, $1.500000000e+01;
	v5 =	vcvt.f32.s32 v7;
	v7 =	vld [tilespmem:s5+$0x12000]  }
0xc0: {  	v8 =	vtrunc.f32 v8;
	v6 =	vld [tilespmem:s5+$0x12050]  }
0xc1: {  	v8 =	vcvt.f32.s32 v8;
	v12 =	vld [tilespmem:s5+$0x12030];
	v3 =	vadd.f32 v4, v3;
	v5 =	vperm.xlane v2, v5;
	v4 =	vpop (erf)  }
0xc2: {  	v15 =	vld [tilespmem:s5+$0x12020];
	v13 =	vmul.f32 v4, v13  }
0xc3: {  	v2 =	vperm.xlane v2, v8;
	v5 =	vadd.f32 v5, v3;
	v8 =	vmul.f32 v9, v4  }
0xc4: {  	v7 =	vmul.f32 v7, v4;
	v9 =	vmul.f32 v10, v4;
	v3 =	vsub.f32 $5.000000000e-01, v13  }
0xc5: {  	v6 =	vmul.f32 v6, v4;
	v10 =	vmul.f32 v11, v4  }
0xc6: {  	v11 =	vmul.f32 v14, v4;
	v12 =	vmul.f32 v12, v4;
	v7 =	vadd.f32 v7, v3  }
0xc7: {  	v5 =	vadd.f32 v2, v5;
	v13 =	vmul.f32 v15, v4;
	v15 =	vadd.f32 v8, v3  }
0xc8: {  	v2 =	vld [tilespmem:s21+$0x1B080];
	v8 =	vadd.f32 v11, v3;
	v9 =	vadd.f32 v9, v3;
	v7 =	vmax.f32 v7, $0.0e+00  }
0xc9: {  	v11 =	vadd.f32 v12, v3;
	v6 =	vadd.f32 v6, v3;
	v7 =	vmin.f32 v7, $1.500000000e+01  }
0xca: {  	v12 =	vadd.f32 v13, v3;
	v8 =	vmax.f32 v8, $0.0e+00;
	v7 =	vtrunc.f32 v7  }
0xcb: {  	v10 =	vadd.f32 v10, v3;
	v8 =	vmin.f32 v8, $1.500000000e+01;
	v7 =	vcvt.f32.s32 v7  }
0xcc: {  	v12 =	vmax.f32 v12, $0.0e+00;
	v11 =	vmax.f32 v11, $0.0e+00;
	v8 =	vtrunc.f32 v8  }
0xcd: {  	v12 =	vmin.f32 v12, $1.500000000e+01;
	v8 =	vcvt.f32.s32 v8;
	v7 =	vperm.xlane v2, v7  }
0xce: {  	v10 =	vmax.f32 v10, $0.0e+00;
	v11 =	vmin.f32 v11, $1.500000000e+01;
	v12 =	vtrunc.f32 v12  }
0xcf: {  	v12 =	vcvt.f32.s32 v12;
	v5 =	vadd.f32 v7, v5;
	v7 =	vperm.xlane v2, v8  }
0xd0: {  	s5 =	simm.s32 $0x80;
	v6 =	vmax.f32 v6, $0.0e+00;
	v10 =	vmin.f32 v10, $1.500000000e+01;
	v11 =	vtrunc.f32 v11  }
0xd1: {  	v11 =	vcvt.f32.s32 v11;
	v12 =	vperm.xlane v2, v12;
	v8 =	vld [tilespmem:s5+$0x12070];
	v13 =	vadd.f32 v7, v5  }
0xd2: {  	v63 =	vmax.f32 v9, $0.0e+00;
	v62 =	vmin.f32 v6, $1.500000000e+01;
	v6 =	vld [tilespmem:s5+$0x12040];
	v14 =	vtrunc.f32 v10  }
0xd3: {  	v10 =	vperm.xlane v2, v11;
	v7 =	vld [tilespmem:s5+$0x12060];
	v9 =	vadd.f32 v12, v13;
	v12 =	vcvt.f32.s32 v14  }
0xd4: {  	s4 =	simm.s32 $0x400;
	v11 =	vmax.f32 v15, $0.0e+00;
	v5 =	vld [tilespmem:s5+$0x12050];
	v14 =	vtrunc.f32 v62;
	v13 =	vmin.f32 v63, $1.500000000e+01  }
.LBB2_6:
0xd5: {  	p0 =	sne.s32 s4, $0x23E00;
	v15 =	vld [tilespmem:s5+$0x12000];
	v9 =	vadd.f32 v10, v9;
	v10 =	vperm.xlane v2, v12;
	v12 =	vcvt.f32.s32 v14  }
0xd6: {  	v13 =	vtrunc.f32 v13;
	v11 =	vmin.f32 v11, $1.500000000e+01;
	v14 =	vld [tilespmem:s5+$0x12030];
	v8 =	vmul.f32 v8, v4  }
0xd7: {  	v16 =	vld [tilespmem:s5+$0x12010];
	v9 =	vadd.f32 v10, v9;
	v10 =	vperm.xlane v2, v12;
	v12 =	vcvt.f32.s32 v13  }
0xd8: {  	v11 =	vtrunc.f32 v11;
	v7 =	vmul.f32 v7, v4;
	v13 =	vld [tilespmem:s5+$0x12020]  }
0xd9: {  	v11 =	vcvt.f32.s32 v11;
	v9 =	vadd.f32 v10, v9;
	v10 =	vperm.xlane v2, v12  }
0xda: {  	v5 =	vmul.f32 v5, v4;
	v12 =	vmul.f32 v15, v4  }
0xdb: {  	v6 =	vmul.f32 v6, v4;
	v9 =	vadd.f32 v10, v9;
	v10 =	vperm.xlane v2, v11  }
0xdc: {  	v14 =	vmul.f32 v14, v4;
	v11 =	vadd.f32 v12, v3;
	v12 =	vmul.f32 v16, v4  }
0xdd: {  	v15 =	vadd.f32 v8, v3;
	v13 =	vmul.f32 v13, v4;
	v8 =	vadd.f32 v10, v9  }
0xde: {  	v9 =	vmax.f32 v11, $0.0e+00;
	v10 =	vadd.f32 v12, v3;
	v11 =	vadd.f32 v7, v3  }
0xdf: {  	v5 =	vadd.f32 v5, v3;
	v7 =	vmin.f32 v9, $1.500000000e+01;
	v9 =	vadd.f32 v14, v3  }
0xe0: {  	v12 =	vadd.f32 v13, v3;
	v7 =	vtrunc.f32 v7;
	v10 =	vmax.f32 v10, $0.0e+00  }
0xe1: {  	v6 =	vadd.f32 v6, v3;
	v7 =	vcvt.f32.s32 v7;
	v10 =	vmin.f32 v10, $1.500000000e+01  }
0xe2: {  	v12 =	vmax.f32 v12, $0.0e+00;
	v9 =	vmax.f32 v9, $0.0e+00;
	v10 =	vtrunc.f32 v10  }
0xe3: {  	v12 =	vmin.f32 v12, $1.500000000e+01;
	v7 =	vperm.xlane v2, v7;
	v10 =	vcvt.f32.s32 v10  }
0xe4: {  	v6 =	vmax.f32 v6, $0.0e+00;
	v9 =	vmin.f32 v9, $1.500000000e+01;
	v12 =	vtrunc.f32 v12  }
0xe5: {  	v12 =	vcvt.f32.s32 v12;
	v7 =	vadd.f32 v7, v8;
	v10 =	vperm.xlane v2, v10  }
.Ltmp2:
0xe6: {  	s5 =	sshra.s32 s4, $0x2;
	v5 =	vmax.f32 v5, $0.0e+00;
	v6 =	vmin.f32 v6, $1.500000000e+01;
	v9 =	vtrunc.f32 v9;
	(pc) =	sbr.rel @p0 .LBB2_6-.Ltmp2, $4  }
0xe7: {  	v13 =	vcvt.f32.s32 v9;
	v12 =	vperm.xlane v2, v12;
	v8 =	vld [tilespmem:s5+$0x12070];
	v10 =	vadd.f32 v10, v7  }
0xe8: {  	v6 =	vtrunc.f32 v6;
	v14 =	vmin.f32 v5, $1.500000000e+01;
	v11 =	vmax.f32 v11, $0.0e+00;
	v7 =	vld [tilespmem:s5+$0x12060]  }
0xe9: {  	v5 =	vld [tilespmem:s5+$0x12050];
	v9 =	vadd.f32 v12, v10;
	v10 =	vperm.xlane v2, v13;
	v12 =	vcvt.f32.s32 v6  }
0xea: {  	s4 =	sadd.s32 $0x200, s4;
	v14 =	vtrunc.f32 v14;
	v13 =	vmin.f32 v11, $1.500000000e+01;
	v11 =	vmax.f32 v15, $0.0e+00;
	v6 =	vld [tilespmem:s5+$0x12040]  }
0xeb: {  	v15 =	vld [tilespmem:s5+$0x12000];
	v12 =	vperm.xlane v2, v12;
	v14 =	vcvt.f32.s32 v14  }
0xec: {  	v16 =	vld [tilespmem:s5+$0x12030];
	v13 =	vtrunc.f32 v13;
	v11 =	vmin.f32 v11, $1.500000000e+01;
	v8 =	vmul.f32 v8, v4  }
0xed: {  	v17 =	vld [tilespmem:s5+$0x12010];
	v9 =	vadd.f32 v10, v9;
	v10 =	vcvt.f32.s32 v13;
	v11 =	vtrunc.f32 v11  }
0xee: {  	v18 =	vld [tilespmem:s5+$0x12020];
	_ =	swait.ge [sflag:s25], $0x9000;
	v13 =	vperm.xlane v2, v14;
	v7 =	vmul.f32 v7, v4  }
0xef: {  	[sflag:s25] =	ssyncset.done $0x0;
	v9 =	vadd.f32 v12, v9;
	v11 =	vcvt.f32.s32 v11;
	v10 =	vperm.xlane v2, v10  }
0xf0: {  	s4 =	simm.s32 $0x0;
	[sflag:s25] =	ssyncadd.s32 $0xFFFF7000;
	v5 =	vmul.f32 v5, v4;
	v8 =	vadd.f32 v8, v3;
	v6 =	vmul.f32 v6, v4  }
0xf1: {  	[tilespmem:s30], [sflag:$0x3] =	stream.linear.gather [hbm4b:s12+s4], $0x9000, $0x38;
	v9 =	vadd.f32 v13, v9;
	v11 =	vperm.xlane v2, v11;
	v12 =	vmul.f32 v15, v4;
	[tilespmem:$0x1B180] =	vst v63  }
0xf2: {  	_ =	swait.ge [sflag:s31], $0x9000;
	v7 =	vadd.f32 v7, v3;
	v13 =	vmul.f32 v17, v4;
	v5 =	vadd.f32 v5, v3  }
0xf3: {  	[sflag:s31] =	ssyncset.done $0x0;
	v9 =	vadd.f32 v10, v9;
	v10 =	vmul.f32 v16, v4;
	v12 =	vadd.f32 v12, v3  }
0xf4: {  	v4 =	vmul.f32 v18, v4;
	[sflag:s31] =	ssyncadd.s32 $0xFFFF7000;
	v13 =	vadd.f32 v13, v3;
	v5 =	vmax.f32 v5, $0.0e+00  }
0xf5: {  	[hbm4b:s13+s4] =	stream.linear.scatter [tilespmem:s4], [sflag:$0x4], $0x9000, $0x38;
	v9 =	vadd.f32 v11, v9;
	v10 =	vadd.f32 v10, v3;
	v12 =	vmax.f32 v12, $0.0e+00;
	[tilespmem:$0x1B180] =	vst v63  }
0xf6: {  	v4 =	vadd.f32 v4, v3;
	v13 =	vmax.f32 v13, $0.0e+00;
	v11 =	vmin.f32 v12, $1.500000000e+01;
	v12 =	vld [tilespmem:s21+$0x1B000]  }
0xf7: {  	v3 =	vadd.f32 v6, v3;
	v13 =	vmin.f32 v13, $1.500000000e+01;
	v11 =	vtrunc.f32 v11  }
0xf8: {  	v4 =	vmax.f32 v4, $0.0e+00;
	v6 =	vtrunc.f32 v13;
	v11 =	vcvt.f32.s32 v11  }
0xf9: {  	v10 =	vmax.f32 v10, $0.0e+00;
	v4 =	vmin.f32 v4, $1.500000000e+01;
	v6 =	vcvt.f32.s32 v6  }
0xfa: {  	v3 =	vmax.f32 v3, $0.0e+00;
	v4 =	vtrunc.f32 v4;
	v11 =	vperm.xlane v2, v11  }
0xfb: {  	v10 =	vmin.f32 v10, $1.500000000e+01;
	v13 =	vperm.xlane v12, v0;
	v12 =	vperm.xlane v12, v1  }
0xfc: {  	v4 =	vcvt.f32.s32 v4;
	v6 =	vperm.xlane v2, v6;
	v9 =	vadd.f32 v11, v9  }
0xfd: {  	v3 =	vmin.f32 v3, $1.500000000e+01;
	v10 =	vtrunc.f32 v10;
	v12 =	vsub.f32 v12, v13  }
0xfe: {  	v4 =	vperm.xlane v2, v4;
	v6 =	vadd.f32 v6, v9;
	v9 =	vcvt.f32.s32 v10  }
0xff: {  	v5 =	vmin.f32 v5, $1.500000000e+01;
	v3 =	vtrunc.f32 v3;
	(erf) = vrcp.f32 v12  }
0x100: {  	v3 =	vcvt.f32.s32 v3;
	v4 =	vadd.f32 v4, v6;
	v6 =	vperm.xlane v2, v9  }
0x101: {  	s5 =	simm.s32 $0x0;
	v5 =	vtrunc.f32 v5  }
0x102: {  	v14 =	vld [tilespmem:s5+$0x10];
	v5 =	vcvt.f32.s32 v5;
	v3 =	vperm.xlane v2, v3;
	v4 =	vadd.f32 v6, v4  }
0x103: {  	v7 =	vmax.f32 v7, $0.0e+00;
	v11 =	vld [tilespmem:s5+$0x40]  }
0x104: {  	v7 =	vmin.f32 v7, $1.500000000e+01;
	v10 =	vld [tilespmem:s5+$0x60];
	v3 =	vadd.f32 v3, v4;
	v4 =	vperm.xlane v2, v5  }
0x105: {  	v8 =	vmax.f32 v8, $0.0e+00;
	v7 =	vtrunc.f32 v7;
	v9 =	vld [tilespmem:s5+$0x70]  }
0x106: {  	v8 =	vmin.f32 v8, $1.500000000e+01;
	v5 =	vcvt.f32.s32 v7;
	v7 =	vld [tilespmem:s5+$0x0]  }
0x107: {  	v8 =	vtrunc.f32 v8;
	v6 =	vld [tilespmem:s5+$0x50]  }
0x108: {  	v8 =	vcvt.f32.s32 v8;
	v12 =	vld [tilespmem:s5+$0x30];
	v3 =	vadd.f32 v4, v3;
	v5 =	vperm.xlane v2, v5;
	v4 =	vpop (erf)  }
0x109: {  	v15 =	vld [tilespmem:s5+$0x20];
	v13 =	vmul.f32 v4, v13  }
0x10a: {  	v2 =	vperm.xlane v2, v8;
	v5 =	vadd.f32 v5, v3;
	v8 =	vmul.f32 v9, v4  }
0x10b: {  	v7 =	vmul.f32 v7, v4;
	v9 =	vmul.f32 v10, v4;
	v3 =	vsub.f32 $5.000000000e-01, v13  }
0x10c: {  	v6 =	vmul.f32 v6, v4;
	v10 =	vmul.f32 v11, v4  }
0x10d: {  	v11 =	vmul.f32 v14, v4;
	v12 =	vmul.f32 v12, v4;
	v7 =	vadd.f32 v7, v3  }
0x10e: {  	v5 =	vadd.f32 v2, v5;
	v13 =	vmul.f32 v15, v4;
	v15 =	vadd.f32 v8, v3  }
0x10f: {  	v2 =	vld [tilespmem:s21+$0x1B080];
	v8 =	vadd.f32 v11, v3;
	v9 =	vadd.f32 v9, v3;
	v7 =	vmax.f32 v7, $0.0e+00  }
0x110: {  	v11 =	vadd.f32 v12, v3;
	v6 =	vadd.f32 v6, v3;
	v7 =	vmin.f32 v7, $1.500000000e+01  }
0x111: {  	v12 =	vadd.f32 v13, v3;
	v8 =	vmax.f32 v8, $0.0e+00;
	v7 =	vtrunc.f32 v7  }
0x112: {  	v10 =	vadd.f32 v10, v3;
	v8 =	vmin.f32 v8, $1.500000000e+01;
	v7 =	vcvt.f32.s32 v7  }
0x113: {  	v12 =	vmax.f32 v12, $0.0e+00;
	v11 =	vmax.f32 v11, $0.0e+00;
	v8 =	vtrunc.f32 v8  }
0x114: {  	v12 =	vmin.f32 v12, $1.500000000e+01;
	v8 =	vcvt.f32.s32 v8;
	v7 =	vperm.xlane v2, v7  }
0x115: {  	v10 =	vmax.f32 v10, $0.0e+00;
	v11 =	vmin.f32 v11, $1.500000000e+01;
	v12 =	vtrunc.f32 v12  }
0x116: {  	v12 =	vcvt.f32.s32 v12;
	v5 =	vadd.f32 v7, v5;
	v7 =	vperm.xlane v2, v8  }
0x117: {  	s5 =	simm.s32 $0x80;
	v6 =	vmax.f32 v6, $0.0e+00;
	v10 =	vmin.f32 v10, $1.500000000e+01;
	v11 =	vtrunc.f32 v11  }
0x118: {  	v11 =	vcvt.f32.s32 v11;
	v12 =	vperm.xlane v2, v12;
	v8 =	vld [tilespmem:s5+$0x70];
	v13 =	vadd.f32 v7, v5  }
0x119: {  	v63 =	vmax.f32 v9, $0.0e+00;
	v62 =	vmin.f32 v6, $1.500000000e+01;
	v6 =	vld [tilespmem:s5+$0x40];
	v14 =	vtrunc.f32 v10  }
0x11a: {  	v10 =	vperm.xlane v2, v11;
	v7 =	vld [tilespmem:s5+$0x60];
	v9 =	vadd.f32 v12, v13;
	v12 =	vcvt.f32.s32 v14  }
0x11b: {  	s4 =	simm.s32 $0x400;
	v11 =	vmax.f32 v15, $0.0e+00;
	v5 =	vld [tilespmem:s5+$0x50];
	v14 =	vtrunc.f32 v62;
	v13 =	vmin.f32 v63, $1.500000000e+01  }
.LBB2_8:
0x11c: {  	p0 =	sne.s32 s4, $0x23E00;
	v15 =	vld [tilespmem:s5+$0x0];
	v9 =	vadd.f32 v10, v9;
	v10 =	vperm.xlane v2, v12;
	v12 =	vcvt.f32.s32 v14  }
0x11d: {  	v13 =	vtrunc.f32 v13;
	v11 =	vmin.f32 v11, $1.500000000e+01;
	v14 =	vld [tilespmem:s5+$0x30];
	v8 =	vmul.f32 v8, v4  }
0x11e: {  	v16 =	vld [tilespmem:s5+$0x10];
	v9 =	vadd.f32 v10, v9;
	v10 =	vperm.xlane v2, v12;
	v12 =	vcvt.f32.s32 v13  }
0x11f: {  	v11 =	vtrunc.f32 v11;
	v7 =	vmul.f32 v7, v4;
	v13 =	vld [tilespmem:s5+$0x20]  }
0x120: {  	v11 =	vcvt.f32.s32 v11;
	v9 =	vadd.f32 v10, v9;
	v10 =	vperm.xlane v2, v12  }
0x121: {  	v5 =	vmul.f32 v5, v4;
	v12 =	vmul.f32 v15, v4  }
0x122: {  	v6 =	vmul.f32 v6, v4;
	v9 =	vadd.f32 v10, v9;
	v10 =	vperm.xlane v2, v11  }
0x123: {  	v14 =	vmul.f32 v14, v4;
	v11 =	vadd.f32 v12, v3;
	v12 =	vmul.f32 v16, v4  }
0x124: {  	v15 =	vadd.f32 v8, v3;
	v13 =	vmul.f32 v13, v4;
	v8 =	vadd.f32 v10, v9  }
0x125: {  	v9 =	vmax.f32 v11, $0.0e+00;
	v10 =	vadd.f32 v12, v3;
	v11 =	vadd.f32 v7, v3  }
0x126: {  	v5 =	vadd.f32 v5, v3;
	v7 =	vmin.f32 v9, $1.500000000e+01;
	v9 =	vadd.f32 v14, v3  }
0x127: {  	v12 =	vadd.f32 v13, v3;
	v7 =	vtrunc.f32 v7;
	v10 =	vmax.f32 v10, $0.0e+00  }
0x128: {  	v6 =	vadd.f32 v6, v3;
	v7 =	vcvt.f32.s32 v7;
	v10 =	vmin.f32 v10, $1.500000000e+01  }
0x129: {  	v12 =	vmax.f32 v12, $0.0e+00;
	v9 =	vmax.f32 v9, $0.0e+00;
	v10 =	vtrunc.f32 v10  }
0x12a: {  	v12 =	vmin.f32 v12, $1.500000000e+01;
	v7 =	vperm.xlane v2, v7;
	v10 =	vcvt.f32.s32 v10  }
0x12b: {  	v6 =	vmax.f32 v6, $0.0e+00;
	v9 =	vmin.f32 v9, $1.500000000e+01;
	v12 =	vtrunc.f32 v12  }
0x12c: {  	v12 =	vcvt.f32.s32 v12;
	v7 =	vadd.f32 v7, v8;
	v10 =	vperm.xlane v2, v10  }
.Ltmp3:
0x12d: {  	s5 =	sshra.s32 s4, $0x2;
	v5 =	vmax.f32 v5, $0.0e+00;
	v6 =	vmin.f32 v6, $1.500000000e+01;
	v9 =	vtrunc.f32 v9;
	(pc) =	sbr.rel @p0 .LBB2_8-.Ltmp3, $4  }
0x12e: {  	v13 =	vcvt.f32.s32 v9;
	v12 =	vperm.xlane v2, v12;
	v8 =	vld [tilespmem:s5+$0x70];
	v10 =	vadd.f32 v10, v7  }
0x12f: {  	v6 =	vtrunc.f32 v6;
	v14 =	vmin.f32 v5, $1.500000000e+01;
	v11 =	vmax.f32 v11, $0.0e+00;
	v7 =	vld [tilespmem:s5+$0x60]  }
0x130: {  	v5 =	vld [tilespmem:s5+$0x50];
	v9 =	vadd.f32 v12, v10;
	v10 =	vperm.xlane v2, v13;
	v12 =	vcvt.f32.s32 v6  }
0x131: {  	s4 =	sadd.s32 $0x200, s4;
	v14 =	vtrunc.f32 v14;
	v13 =	vmin.f32 v11, $1.500000000e+01;
	v11 =	vmax.f32 v15, $0.0e+00;
	v6 =	vld [tilespmem:s5+$0x40]  }
0x132: {  	v15 =	vld [tilespmem:s5+$0x0];
	v12 =	vperm.xlane v2, v12;
	v14 =	vcvt.f32.s32 v14  }
0x133: {  	v16 =	vld [tilespmem:s5+$0x30];
	v13 =	vtrunc.f32 v13;
	v11 =	vmin.f32 v11, $1.500000000e+01;
	v8 =	vmul.f32 v8, v4  }
0x134: {  	v17 =	vld [tilespmem:s5+$0x10];
	v9 =	vadd.f32 v10, v9;
	v10 =	vcvt.f32.s32 v13;
	v11 =	vtrunc.f32 v11  }
0x135: {  	v18 =	vld [tilespmem:s5+$0x20];
	_ =	swait.ge [sflag:s14], $0x9000;
	v13 =	vperm.xlane v2, v14;
	v7 =	vmul.f32 v7, v4  }
0x136: {  	[sflag:s14] =	ssyncset.done $0x0;
	v9 =	vadd.f32 v12, v9;
	v11 =	vcvt.f32.s32 v11;
	v10 =	vperm.xlane v2, v10  }
0x137: {  	s4 =	simm.s32 $0x0;
	[sflag:s14] =	ssyncadd.s32 $0xFFFF7000;
	v5 =	vmul.f32 v5, v4;
	v8 =	vadd.f32 v8, v3;
	v6 =	vmul.f32 v6, v4  }
0x138: {  	[tilespmem:s4], [sflag:$0x1] =	stream.linear.gather [hbm4b:s15+s4], $0x9000, $0x38;
	v9 =	vadd.f32 v13, v9;
	v11 =	vperm.xlane v2, v11;
	v12 =	vmul.f32 v15, v4;
	[tilespmem:$0x1B180] =	vst v63  }
0x139: {  	_ =	swait.ge [sflag:s0], $0x9000;
	v7 =	vadd.f32 v7, v3;
	v13 =	vmul.f32 v17, v4;
	v5 =	vadd.f32 v5, v3  }
0x13a: {  	[sflag:s0] =	ssyncset.done $0x0;
	v9 =	vadd.f32 v10, v9;
	v10 =	vmul.f32 v16, v4;
	v12 =	vadd.f32 v12, v3  }
0x13b: {  	v4 =	vmul.f32 v18, v4;
	[sflag:s0] =	ssyncadd.s32 $0xFFFF7000;
	v13 =	vadd.f32 v13, v3;
	v5 =	vmax.f32 v5, $0.0e+00  }
0x13c: {  	[hbm4b:s16+s4] =	stream.linear.scatter [tilespmem:s29], [sflag:$0x5], $0x9000, $0x38;
	v9 =	vadd.f32 v11, v9;
	v10 =	vadd.f32 v10, v3;
	v12 =	vmax.f32 v12, $0.0e+00;
	[tilespmem:$0x1B180] =	vst v63  }
0x13d: {  	v4 =	vadd.f32 v4, v3;
	v13 =	vmax.f32 v13, $0.0e+00;
	v11 =	vmin.f32 v12, $1.500000000e+01;
	v12 =	vld [tilespmem:s22+$0x1B000]  }
0x13e: {  	v3 =	vadd.f32 v6, v3;
	v13 =	vmin.f32 v13, $1.500000000e+01;
	v11 =	vtrunc.f32 v11  }
0x13f: {  	v4 =	vmax.f32 v4, $0.0e+00;
	v6 =	vtrunc.f32 v13;
	v11 =	vcvt.f32.s32 v11  }
0x140: {  	v10 =	vmax.f32 v10, $0.0e+00;
	v4 =	vmin.f32 v4, $1.500000000e+01;
	v6 =	vcvt.f32.s32 v6  }
0x141: {  	v3 =	vmax.f32 v3, $0.0e+00;
	v4 =	vtrunc.f32 v4;
	v11 =	vperm.xlane v2, v11  }
0x142: {  	v10 =	vmin.f32 v10, $1.500000000e+01;
	v13 =	vperm.xlane v12, v0;
	v12 =	vperm.xlane v12, v1  }
0x143: {  	v4 =	vcvt.f32.s32 v4;
	v6 =	vperm.xlane v2, v6;
	v9 =	vadd.f32 v11, v9  }
0x144: {  	v3 =	vmin.f32 v3, $1.500000000e+01;
	v10 =	vtrunc.f32 v10;
	v12 =	vsub.f32 v12, v13  }
0x145: {  	v4 =	vperm.xlane v2, v4;
	v6 =	vadd.f32 v6, v9;
	v9 =	vcvt.f32.s32 v10  }
0x146: {  	v5 =	vmin.f32 v5, $1.500000000e+01;
	v3 =	vtrunc.f32 v3;
	(erf) = vrcp.f32 v12  }
0x147: {  	v3 =	vcvt.f32.s32 v3;
	v4 =	vadd.f32 v4, v6;
	v6 =	vperm.xlane v2, v9  }
0x148: {  	s5 =	simm.s32 $0x0;
	v5 =	vtrunc.f32 v5  }
0x149: {  	v14 =	vld [tilespmem:s5+$0x9010];
	v5 =	vcvt.f32.s32 v5;
	v3 =	vperm.xlane v2, v3;
	v4 =	vadd.f32 v6, v4  }
0x14a: {  	v7 =	vmax.f32 v7, $0.0e+00;
	v11 =	vld [tilespmem:s5+$0x9040]  }
0x14b: {  	v7 =	vmin.f32 v7, $1.500000000e+01;
	v10 =	vld [tilespmem:s5+$0x9060];
	v3 =	vadd.f32 v3, v4;
	v4 =	vperm.xlane v2, v5  }
0x14c: {  	v8 =	vmax.f32 v8, $0.0e+00;
	v7 =	vtrunc.f32 v7;
	v9 =	vld [tilespmem:s5+$0x9070]  }
0x14d: {  	v8 =	vmin.f32 v8, $1.500000000e+01;
	v5 =	vcvt.f32.s32 v7;
	v7 =	vld [tilespmem:s5+$0x9000]  }
0x14e: {  	v8 =	vtrunc.f32 v8;
	v6 =	vld [tilespmem:s5+$0x9050]  }
0x14f: {  	v8 =	vcvt.f32.s32 v8;
	v12 =	vld [tilespmem:s5+$0x9030];
	v3 =	vadd.f32 v4, v3;
	v5 =	vperm.xlane v2, v5;
	v4 =	vpop (erf)  }
0x150: {  	v15 =	vld [tilespmem:s5+$0x9020];
	v13 =	vmul.f32 v4, v13  }
0x151: {  	v2 =	vperm.xlane v2, v8;
	v5 =	vadd.f32 v5, v3;
	v8 =	vmul.f32 v9, v4  }
0x152: {  	v7 =	vmul.f32 v7, v4;
	v9 =	vmul.f32 v10, v4;
	v3 =	vsub.f32 $5.000000000e-01, v13  }
0x153: {  	v6 =	vmul.f32 v6, v4;
	v10 =	vmul.f32 v11, v4  }
0x154: {  	v11 =	vmul.f32 v14, v4;
	v12 =	vmul.f32 v12, v4;
	v7 =	vadd.f32 v7, v3  }
0x155: {  	v5 =	vadd.f32 v2, v5;
	v13 =	vmul.f32 v15, v4;
	v15 =	vadd.f32 v8, v3  }
0x156: {  	v2 =	vld [tilespmem:s22+$0x1B080];
	v8 =	vadd.f32 v11, v3;
	v9 =	vadd.f32 v9, v3;
	v7 =	vmax.f32 v7, $0.0e+00  }
0x157: {  	v11 =	vadd.f32 v12, v3;
	v6 =	vadd.f32 v6, v3;
	v7 =	vmin.f32 v7, $1.500000000e+01  }
0x158: {  	v12 =	vadd.f32 v13, v3;
	v8 =	vmax.f32 v8, $0.0e+00;
	v7 =	vtrunc.f32 v7  }
0x159: {  	v10 =	vadd.f32 v10, v3;
	v8 =	vmin.f32 v8, $1.500000000e+01;
	v7 =	vcvt.f32.s32 v7  }
0x15a: {  	v12 =	vmax.f32 v12, $0.0e+00;
	v11 =	vmax.f32 v11, $0.0e+00;
	v8 =	vtrunc.f32 v8  }
0x15b: {  	v12 =	vmin.f32 v12, $1.500000000e+01;
	v8 =	vcvt.f32.s32 v8;
	v7 =	vperm.xlane v2, v7  }
0x15c: {  	v10 =	vmax.f32 v10, $0.0e+00;
	v11 =	vmin.f32 v11, $1.500000000e+01;
	v12 =	vtrunc.f32 v12  }
0x15d: {  	v12 =	vcvt.f32.s32 v12;
	v5 =	vadd.f32 v7, v5;
	v7 =	vperm.xlane v2, v8  }
0x15e: {  	s5 =	simm.s32 $0x80;
	v6 =	vmax.f32 v6, $0.0e+00;
	v10 =	vmin.f32 v10, $1.500000000e+01;
	v11 =	vtrunc.f32 v11  }
0x15f: {  	v11 =	vcvt.f32.s32 v11;
	v12 =	vperm.xlane v2, v12;
	v8 =	vld [tilespmem:s5+$0x9070];
	v13 =	vadd.f32 v7, v5  }
0x160: {  	v63 =	vmax.f32 v9, $0.0e+00;
	v62 =	vmin.f32 v6, $1.500000000e+01;
	v6 =	vld [tilespmem:s5+$0x9040];
	v14 =	vtrunc.f32 v10  }
0x161: {  	v10 =	vperm.xlane v2, v11;
	v7 =	vld [tilespmem:s5+$0x9060];
	v9 =	vadd.f32 v12, v13;
	v12 =	vcvt.f32.s32 v14  }
0x162: {  	s4 =	simm.s32 $0x400;
	v11 =	vmax.f32 v15, $0.0e+00;
	v5 =	vld [tilespmem:s5+$0x9050];
	v14 =	vtrunc.f32 v62;
	v13 =	vmin.f32 v63, $1.500000000e+01  }
.LBB2_10:
0x163: {  	p0 =	sne.s32 s4, $0x23E00;
	v15 =	vld [tilespmem:s5+$0x9000];
	v9 =	vadd.f32 v10, v9;
	v10 =	vperm.xlane v2, v12;
	v12 =	vcvt.f32.s32 v14  }
0x164: {  	v13 =	vtrunc.f32 v13;
	v11 =	vmin.f32 v11, $1.500000000e+01;
	v14 =	vld [tilespmem:s5+$0x9030];
	v8 =	vmul.f32 v8, v4  }
0x165: {  	v16 =	vld [tilespmem:s5+$0x9010];
	v9 =	vadd.f32 v10, v9;
	v10 =	vperm.xlane v2, v12;
	v12 =	vcvt.f32.s32 v13  }
0x166: {  	v11 =	vtrunc.f32 v11;
	v7 =	vmul.f32 v7, v4;
	v13 =	vld [tilespmem:s5+$0x9020]  }
0x167: {  	v11 =	vcvt.f32.s32 v11;
	v9 =	vadd.f32 v10, v9;
	v10 =	vperm.xlane v2, v12  }
0x168: {  	v5 =	vmul.f32 v5, v4;
	v12 =	vmul.f32 v15, v4  }
0x169: {  	v6 =	vmul.f32 v6, v4;
	v9 =	vadd.f32 v10, v9;
	v10 =	vperm.xlane v2, v11  }
0x16a: {  	v14 =	vmul.f32 v14, v4;
	v11 =	vadd.f32 v12, v3;
	v12 =	vmul.f32 v16, v4  }
0x16b: {  	v15 =	vadd.f32 v8, v3;
	v13 =	vmul.f32 v13, v4;
	v8 =	vadd.f32 v10, v9  }
0x16c: {  	v9 =	vmax.f32 v11, $0.0e+00;
	v10 =	vadd.f32 v12, v3;
	v11 =	vadd.f32 v7, v3  }
0x16d: {  	v5 =	vadd.f32 v5, v3;
	v7 =	vmin.f32 v9, $1.500000000e+01;
	v9 =	vadd.f32 v14, v3  }
0x16e: {  	v12 =	vadd.f32 v13, v3;
	v7 =	vtrunc.f32 v7;
	v10 =	vmax.f32 v10, $0.0e+00  }
0x16f: {  	v6 =	vadd.f32 v6, v3;
	v7 =	vcvt.f32.s32 v7;
	v10 =	vmin.f32 v10, $1.500000000e+01  }
0x170: {  	v12 =	vmax.f32 v12, $0.0e+00;
	v9 =	vmax.f32 v9, $0.0e+00;
	v10 =	vtrunc.f32 v10  }
0x171: {  	v12 =	vmin.f32 v12, $1.500000000e+01;
	v7 =	vperm.xlane v2, v7;
	v10 =	vcvt.f32.s32 v10  }
0x172: {  	v6 =	vmax.f32 v6, $0.0e+00;
	v9 =	vmin.f32 v9, $1.500000000e+01;
	v12 =	vtrunc.f32 v12  }
0x173: {  	v12 =	vcvt.f32.s32 v12;
	v7 =	vadd.f32 v7, v8;
	v10 =	vperm.xlane v2, v10  }
.Ltmp4:
0x174: {  	s5 =	sshra.s32 s4, $0x2;
	v5 =	vmax.f32 v5, $0.0e+00;
	v6 =	vmin.f32 v6, $1.500000000e+01;
	v9 =	vtrunc.f32 v9;
	(pc) =	sbr.rel @p0 .LBB2_10-.Ltmp4, $4  }
0x175: {  	v13 =	vcvt.f32.s32 v9;
	v12 =	vperm.xlane v2, v12;
	v8 =	vld [tilespmem:s5+$0x9070];
	v10 =	vadd.f32 v10, v7  }
0x176: {  	v6 =	vtrunc.f32 v6;
	v14 =	vmin.f32 v5, $1.500000000e+01;
	v11 =	vmax.f32 v11, $0.0e+00;
	v7 =	vld [tilespmem:s5+$0x9060]  }
0x177: {  	v5 =	vld [tilespmem:s5+$0x9050];
	v9 =	vadd.f32 v12, v10;
	v10 =	vperm.xlane v2, v13;
	v12 =	vcvt.f32.s32 v6  }
0x178: {  	s4 =	sadd.s32 $0x200, s4;
	v14 =	vtrunc.f32 v14;
	v13 =	vmin.f32 v11, $1.500000000e+01;
	v11 =	vmax.f32 v15, $0.0e+00;
	v6 =	vld [tilespmem:s5+$0x9040]  }
0x179: {  	v15 =	vld [tilespmem:s5+$0x9000];
	v12 =	vperm.xlane v2, v12;
	v14 =	vcvt.f32.s32 v14  }
0x17a: {  	v16 =	vld [tilespmem:s5+$0x9030];
	v13 =	vtrunc.f32 v13;
	v11 =	vmin.f32 v11, $1.500000000e+01;
	v8 =	vmul.f32 v8, v4  }
0x17b: {  	v17 =	vld [tilespmem:s5+$0x9010];
	v9 =	vadd.f32 v10, v9;
	v10 =	vcvt.f32.s32 v13;
	v11 =	vtrunc.f32 v11  }
0x17c: {  	v18 =	vld [tilespmem:s5+$0x9020];
	_ =	swait.ge [sflag:s1], $0x9000;
	v13 =	vperm.xlane v2, v14;
	v7 =	vmul.f32 v7, v4  }
0x17d: {  	[sflag:s1] =	ssyncset.done $0x0;
	v9 =	vadd.f32 v12, v9;
	v11 =	vcvt.f32.s32 v11;
	v10 =	vperm.xlane v2, v10  }
0x17e: {  	s4 =	simm.s32 $0x0;
	[sflag:s1] =	ssyncadd.s32 $0xFFFF7000;
	v5 =	vmul.f32 v5, v4;
	v8 =	vadd.f32 v8, v3;
	v6 =	vmul.f32 v6, v4  }
0x17f: {  	[tilespmem:s29], [sflag:$0x2] =	stream.linear.gather [hbm4b:s17+s4], $0x9000, $0x38;
	v9 =	vadd.f32 v13, v9;
	v11 =	vperm.xlane v2, v11;
	v12 =	vmul.f32 v15, v4;
	[tilespmem:$0x1B180] =	vst v63  }
0x180: {  	_ =	swait.ge [sflag:s2], $0x9000;
	v7 =	vadd.f32 v7, v3;
	v13 =	vmul.f32 v17, v4;
	v5 =	vadd.f32 v5, v3  }
0x181: {  	[sflag:s2] =	ssyncset.done $0x0;
	v9 =	vadd.f32 v10, v9;
	v10 =	vmul.f32 v16, v4;
	v12 =	vadd.f32 v12, v3  }
0x182: {  	v4 =	vmul.f32 v18, v4;
	[sflag:s2] =	ssyncadd.s32 $0xFFFF7000;
	v13 =	vadd.f32 v13, v3;
	v5 =	vmax.f32 v5, $0.0e+00  }
0x183: {  	[hbm4b:s18+s4] =	stream.linear.scatter [tilespmem:s30], [sflag:$0x6], $0x9000, $0x38;
	v9 =	vadd.f32 v11, v9;
	v10 =	vadd.f32 v10, v3;
	v12 =	vmax.f32 v12, $0.0e+00;
	[tilespmem:$0x1B180] =	vst v63  }
0x184: {  	v4 =	vadd.f32 v4, v3;
	v13 =	vmax.f32 v13, $0.0e+00;
	v11 =	vmin.f32 v12, $1.500000000e+01;
	v12 =	vld [tilespmem:s22+$0x1B000]  }
0x185: {  	v3 =	vadd.f32 v6, v3;
	v13 =	vmin.f32 v13, $1.500000000e+01;
	v11 =	vtrunc.f32 v11  }
0x186: {  	v4 =	vmax.f32 v4, $0.0e+00;
	v6 =	vtrunc.f32 v13;
	v11 =	vcvt.f32.s32 v11  }
0x187: {  	v10 =	vmax.f32 v10, $0.0e+00;
	v4 =	vmin.f32 v4, $1.500000000e+01;
	v6 =	vcvt.f32.s32 v6  }
0x188: {  	v3 =	vmax.f32 v3, $0.0e+00;
	v4 =	vtrunc.f32 v4;
	v11 =	vperm.xlane v2, v11  }
0x189: {  	v10 =	vmin.f32 v10, $1.500000000e+01;
	v13 =	vperm.xlane v12, v0;
	v12 =	vperm.xlane v12, v1  }
0x18a: {  	v4 =	vcvt.f32.s32 v4;
	v6 =	vperm.xlane v2, v6;
	v9 =	vadd.f32 v11, v9  }
0x18b: {  	v3 =	vmin.f32 v3, $1.500000000e+01;
	v10 =	vtrunc.f32 v10;
	v12 =	vsub.f32 v12, v13  }
0x18c: {  	v4 =	vperm.xlane v2, v4;
	v6 =	vadd.f32 v6, v9;
	v9 =	vcvt.f32.s32 v10  }
0x18d: {  	v5 =	vmin.f32 v5, $1.500000000e+01;
	v3 =	vtrunc.f32 v3;
	(erf) = vrcp.f32 v12  }
0x18e: {  	v3 =	vcvt.f32.s32 v3;
	v4 =	vadd.f32 v4, v6;
	v6 =	vperm.xlane v2, v9  }
0x18f: {  	s5 =	simm.s32 $0x0;
	v5 =	vtrunc.f32 v5  }
0x190: {  	v14 =	vld [tilespmem:s5+$0x12010];
	v5 =	vcvt.f32.s32 v5;
	v3 =	vperm.xlane v2, v3;
	v4 =	vadd.f32 v6, v4  }
0x191: {  	v7 =	vmax.f32 v7, $0.0e+00;
	v11 =	vld [tilespmem:s5+$0x12040]  }
0x192: {  	v7 =	vmin.f32 v7, $1.500000000e+01;
	v10 =	vld [tilespmem:s5+$0x12060];
	v3 =	vadd.f32 v3, v4;
	v4 =	vperm.xlane v2, v5  }
0x193: {  	v8 =	vmax.f32 v8, $0.0e+00;
	v7 =	vtrunc.f32 v7;
	v9 =	vld [tilespmem:s5+$0x12070]  }
0x194: {  	v8 =	vmin.f32 v8, $1.500000000e+01;
	v5 =	vcvt.f32.s32 v7;
	v7 =	vld [tilespmem:s5+$0x12000]  }
0x195: {  	v8 =	vtrunc.f32 v8;
	v6 =	vld [tilespmem:s5+$0x12050]  }
0x196: {  	v8 =	vcvt.f32.s32 v8;
	v12 =	vld [tilespmem:s5+$0x12030];
	v3 =	vadd.f32 v4, v3;
	v5 =	vperm.xlane v2, v5;
	v4 =	vpop (erf)  }
0x197: {  	v15 =	vld [tilespmem:s5+$0x12020];
	v13 =	vmul.f32 v4, v13  }
0x198: {  	v2 =	vperm.xlane v2, v8;
	v5 =	vadd.f32 v5, v3;
	v8 =	vmul.f32 v9, v4  }
0x199: {  	v7 =	vmul.f32 v7, v4;
	v9 =	vmul.f32 v10, v4;
	v3 =	vsub.f32 $5.000000000e-01, v13  }
0x19a: {  	v6 =	vmul.f32 v6, v4;
	v10 =	vmul.f32 v11, v4  }
0x19b: {  	v11 =	vmul.f32 v14, v4;
	v12 =	vmul.f32 v12, v4;
	v7 =	vadd.f32 v7, v3  }
0x19c: {  	v5 =	vadd.f32 v2, v5;
	v13 =	vmul.f32 v15, v4;
	v15 =	vadd.f32 v8, v3  }
0x19d: {  	v2 =	vld [tilespmem:s22+$0x1B080];
	v8 =	vadd.f32 v11, v3;
	v9 =	vadd.f32 v9, v3;
	v7 =	vmax.f32 v7, $0.0e+00  }
0x19e: {  	v11 =	vadd.f32 v12, v3;
	v6 =	vadd.f32 v6, v3;
	v7 =	vmin.f32 v7, $1.500000000e+01  }
0x19f: {  	v12 =	vadd.f32 v13, v3;
	v8 =	vmax.f32 v8, $0.0e+00;
	v7 =	vtrunc.f32 v7  }
0x1a0: {  	v10 =	vadd.f32 v10, v3;
	v8 =	vmin.f32 v8, $1.500000000e+01;
	v7 =	vcvt.f32.s32 v7  }
0x1a1: {  	v12 =	vmax.f32 v12, $0.0e+00;
	v11 =	vmax.f32 v11, $0.0e+00;
	v8 =	vtrunc.f32 v8  }
0x1a2: {  	v12 =	vmin.f32 v12, $1.500000000e+01;
	v8 =	vcvt.f32.s32 v8;
	v7 =	vperm.xlane v2, v7  }
0x1a3: {  	v10 =	vmax.f32 v10, $0.0e+00;
	v11 =	vmin.f32 v11, $1.500000000e+01;
	v12 =	vtrunc.f32 v12  }
0x1a4: {  	v12 =	vcvt.f32.s32 v12;
	v5 =	vadd.f32 v7, v5;
	v7 =	vperm.xlane v2, v8  }
0x1a5: {  	s5 =	simm.s32 $0x80;
	v13 =	vmax.f32 v6, $0.0e+00;
	v10 =	vmin.f32 v10, $1.500000000e+01;
	v11 =	vtrunc.f32 v11  }
0x1a6: {  	v11 =	vcvt.f32.s32 v11;
	v12 =	vperm.xlane v2, v12;
	v8 =	vld [tilespmem:s5+$0x12070];
	v7 =	vadd.f32 v7, v5  }
0x1a7: {  	v6 =	vld [tilespmem:s5+$0x12060];
	v63 =	vmax.f32 v9, $0.0e+00;
	v13 =	vmin.f32 v13, $1.500000000e+01;
	v14 =	vtrunc.f32 v10  }
0x1a8: {  	v10 =	vperm.xlane v2, v11;
	v5 =	vld [tilespmem:s5+$0x12050];
	v9 =	vadd.f32 v12, v7;
	v12 =	vcvt.f32.s32 v14  }
0x1a9: {  	s4 =	simm.s32 $0x400;
	v11 =	vmax.f32 v15, $0.0e+00;
	v7 =	vld [tilespmem:s5+$0x12040];
	v14 =	vtrunc.f32 v13;
	v13 =	vmin.f32 v63, $1.500000000e+01  }
.LBB2_12:
0x1aa: {  	p0 =	sne.s32 s4, $0x23E00;
	v15 =	vld [tilespmem:s5+$0x12000];
	v9 =	vadd.f32 v10, v9;
	v10 =	vperm.xlane v2, v12;
	v12 =	vcvt.f32.s32 v14  }
0x1ab: {  	v13 =	vtrunc.f32 v13;
	v11 =	vmin.f32 v11, $1.500000000e+01;
	v14 =	vld [tilespmem:s5+$0x12030];
	v8 =	vmul.f32 v8, v4  }
0x1ac: {  	v16 =	vld [tilespmem:s5+$0x12010];
	v9 =	vadd.f32 v10, v9;
	v10 =	vperm.xlane v2, v12;
	v12 =	vcvt.f32.s32 v13  }
0x1ad: {  	v11 =	vtrunc.f32 v11;
	v6 =	vmul.f32 v6, v4;
	v13 =	vld [tilespmem:s5+$0x12020]  }
0x1ae: {  	v11 =	vcvt.f32.s32 v11;
	v9 =	vadd.f32 v10, v9;
	v10 =	vperm.xlane v2, v12  }
0x1af: {  	v5 =	vmul.f32 v5, v4;
	v12 =	vmul.f32 v15, v4  }
0x1b0: {  	v7 =	vmul.f32 v7, v4;
	v9 =	vadd.f32 v10, v9;
	v10 =	vperm.xlane v2, v11  }
0x1b1: {  	v14 =	vmul.f32 v14, v4;
	v11 =	vadd.f32 v12, v3;
	v12 =	vmul.f32 v16, v4  }
0x1b2: {  	v15 =	vadd.f32 v8, v3;
	v13 =	vmul.f32 v13, v4;
	v8 =	vadd.f32 v10, v9  }
0x1b3: {  	v9 =	vmax.f32 v11, $0.0e+00;
	v10 =	vadd.f32 v12, v3;
	v11 =	vadd.f32 v6, v3  }
0x1b4: {  	v5 =	vadd.f32 v5, v3;
	v6 =	vmin.f32 v9, $1.500000000e+01;
	v9 =	vadd.f32 v14, v3  }
0x1b5: {  	v12 =	vadd.f32 v13, v3;
	v6 =	vtrunc.f32 v6;
	v10 =	vmax.f32 v10, $0.0e+00  }
0x1b6: {  	v7 =	vadd.f32 v7, v3;
	v6 =	vcvt.f32.s32 v6;
	v10 =	vmin.f32 v10, $1.500000000e+01  }
0x1b7: {  	v12 =	vmax.f32 v12, $0.0e+00;
	v9 =	vmax.f32 v9, $0.0e+00;
	v10 =	vtrunc.f32 v10  }
0x1b8: {  	v12 =	vmin.f32 v12, $1.500000000e+01;
	v6 =	vperm.xlane v2, v6;
	v10 =	vcvt.f32.s32 v10  }
0x1b9: {  	v7 =	vmax.f32 v7, $0.0e+00;
	v9 =	vmin.f32 v9, $1.500000000e+01;
	v12 =	vtrunc.f32 v12  }
0x1ba: {  	v12 =	vcvt.f32.s32 v12;
	v6 =	vadd.f32 v6, v8;
	v10 =	vperm.xlane v2, v10  }
.Ltmp5:
0x1bb: {  	s5 =	sshra.s32 s4, $0x2;
	v5 =	vmax.f32 v5, $0.0e+00;
	v7 =	vmin.f32 v7, $1.500000000e+01;
	v9 =	vtrunc.f32 v9;
	(pc) =	sbr.rel @p0 .LBB2_12-.Ltmp5, $4  }
0x1bc: {  	v13 =	vcvt.f32.s32 v9;
	v12 =	vperm.xlane v2, v12;
	v8 =	vld [tilespmem:s5+$0x12070];
	v10 =	vadd.f32 v10, v6  }
0x1bd: {  	v7 =	vtrunc.f32 v7;
	v14 =	vmin.f32 v5, $1.500000000e+01;
	v11 =	vmax.f32 v11, $0.0e+00;
	v6 =	vld [tilespmem:s5+$0x12060]  }
0x1be: {  	v5 =	vld [tilespmem:s5+$0x12050];
	v9 =	vadd.f32 v12, v10;
	v10 =	vperm.xlane v2, v13;
	v12 =	vcvt.f32.s32 v7  }
0x1bf: {  	s4 =	sadd.s32 $0x200, s4;
	v14 =	vtrunc.f32 v14;
	v13 =	vmin.f32 v11, $1.500000000e+01;
	v11 =	vmax.f32 v15, $0.0e+00;
	v7 =	vld [tilespmem:s5+$0x12040]  }
0x1c0: {  	v12 =	vperm.xlane v2, v12;
	v14 =	vcvt.f32.s32 v14  }
0x1c1: {  	v15 =	vld [tilespmem:s5+$0x12000];
	v13 =	vtrunc.f32 v13;
	v11 =	vmin.f32 v11, $1.500000000e+01;
	v8 =	vmul.f32 v8, v4  }
0x1c2: {  	v9 =	vadd.f32 v10, v9;
	v10 =	vld [tilespmem:s5+$0x12010];
	v13 =	vcvt.f32.s32 v13;
	v11 =	vtrunc.f32 v11  }
0x1c3: {  	v16 =	vld [tilespmem:s5+$0x12030];
	v14 =	vperm.xlane v2, v14;
	v6 =	vmul.f32 v6, v4  }
0x1c4: {  	v17 =	vld [tilespmem:s5+$0x12020];
	v9 =	vadd.f32 v12, v9;
	v11 =	vcvt.f32.s32 v11;
	v12 =	vperm.xlane v2, v13  }
0x1c5: {  	v5 =	vmul.f32 v5, v4;
	v8 =	vadd.f32 v8, v3;
	v7 =	vmul.f32 v7, v4  }
0x1c6: {  	v9 =	vadd.f32 v14, v9;
	v11 =	vperm.xlane v2, v11;
	v13 =	vmul.f32 v15, v4  }
0x1c7: {  	_ =	swait.ge [sflag:s31], $0x9000;
	v6 =	vadd.f32 v6, v3;
	v10 =	vmul.f32 v10, v4;
	v5 =	vadd.f32 v5, v3  }
0x1c8: {  	[sflag:s31] =	ssyncset.done $0x0;
	v9 =	vadd.f32 v12, v9;
	v12 =	vmul.f32 v16, v4;
	v13 =	vadd.f32 v13, v3  }
0x1c9: {  	s4 =	simm.s32 $0x0;
	[sflag:s31] =	ssyncadd.s32 $0xFFFF7000;
	v4 =	vmul.f32 v17, v4;
	v10 =	vadd.f32 v10, v3;
	v5 =	vmax.f32 v5, $0.0e+00  }
0x1ca: {  	[hbm4b:s19+s4] =	stream.linear.scatter [tilespmem:s4], [sflag:$0x4], $0x9000, $0x38;
	v9 =	vadd.f32 v11, v9;
	v12 =	vadd.f32 v12, v3;
	v13 =	vmax.f32 v13, $0.0e+00;
	[tilespmem:$0x1B180] =	vst v63  }
0x1cb: {  	v4 =	vadd.f32 v4, v3;
	v10 =	vmax.f32 v10, $0.0e+00;
	v11 =	vmin.f32 v13, $1.500000000e+01;
	v13 =	vld [tilespmem:s22+$0x1B000]  }
0x1cc: {  	v3 =	vadd.f32 v7, v3;
	v10 =	vmin.f32 v10, $1.500000000e+01;
	v11 =	vtrunc.f32 v11  }
0x1cd: {  	v4 =	vmax.f32 v4, $0.0e+00;
	v7 =	vtrunc.f32 v10;
	v11 =	vcvt.f32.s32 v11  }
0x1ce: {  	v3 =	vmax.f32 v3, $0.0e+00;
	v4 =	vmin.f32 v4, $1.500000000e+01;
	v7 =	vcvt.f32.s32 v7  }
0x1cf: {  	v10 =	vmax.f32 v12, $0.0e+00;
	v4 =	vtrunc.f32 v4;
	v11 =	vperm.xlane v2, v11  }
0x1d0: {  	v10 =	vmin.f32 v10, $1.500000000e+01;
	v12 =	vperm.xlane v13, v0;
	v13 =	vperm.xlane v13, v1  }
0x1d1: {  	v4 =	vcvt.f32.s32 v4;
	v7 =	vperm.xlane v2, v7;
	v9 =	vadd.f32 v11, v9  }
0x1d2: {  	v3 =	vmin.f32 v3, $1.500000000e+01;
	v10 =	vtrunc.f32 v10;
	v13 =	vsub.f32 v13, v12  }
0x1d3: {  	v4 =	vperm.xlane v2, v4;
	v7 =	vadd.f32 v7, v9;
	v9 =	vcvt.f32.s32 v10  }
0x1d4: {  	v5 =	vmin.f32 v5, $1.500000000e+01;
	v3 =	vtrunc.f32 v3;
	(erf) = vrcp.f32 v13  }
0x1d5: {  	v3 =	vcvt.f32.s32 v3;
	v4 =	vadd.f32 v4, v7;
	v7 =	vperm.xlane v2, v9  }
0x1d6: {  	s5 =	simm.s32 $0x0;
	v5 =	vtrunc.f32 v5  }
0x1d7: {  	v14 =	vld [tilespmem:s5+$0x10];
	v5 =	vcvt.f32.s32 v5;
	v3 =	vperm.xlane v2, v3;
	v4 =	vadd.f32 v7, v4  }
0x1d8: {  	v6 =	vmax.f32 v6, $0.0e+00;
	v11 =	vld [tilespmem:s5+$0x40]  }
0x1d9: {  	v6 =	vmin.f32 v6, $1.500000000e+01;
	v10 =	vld [tilespmem:s5+$0x60];
	v3 =	vadd.f32 v3, v4;
	v4 =	vperm.xlane v2, v5  }
0x1da: {  	v8 =	vmax.f32 v8, $0.0e+00;
	v6 =	vtrunc.f32 v6;
	v9 =	vld [tilespmem:s5+$0x70]  }
0x1db: {  	v8 =	vmin.f32 v8, $1.500000000e+01;
	v5 =	vcvt.f32.s32 v6;
	v6 =	vld [tilespmem:s5+$0x0]  }
0x1dc: {  	v8 =	vtrunc.f32 v8;
	v7 =	vld [tilespmem:s5+$0x50]  }
0x1dd: {  	v15 =	vld [tilespmem:s5+$0x20];
	v8 =	vcvt.f32.s32 v8;
	v3 =	vadd.f32 v4, v3;
	v5 =	vperm.xlane v2, v5;
	v4 =	vpop (erf)  }
0x1de: {  	v13 =	vld [tilespmem:s5+$0x30];
	v12 =	vmul.f32 v4, v12  }
0x1df: {  	v2 =	vperm.xlane v2, v8;
	v5 =	vadd.f32 v5, v3;
	v8 =	vmul.f32 v9, v4  }
0x1e0: {  	v6 =	vmul.f32 v6, v4;
	v9 =	vmul.f32 v10, v4;
	v3 =	vsub.f32 $5.000000000e-01, v12  }
0x1e1: {  	v7 =	vmul.f32 v7, v4;
	v10 =	vmul.f32 v11, v4  }
0x1e2: {  	v11 =	vmul.f32 v14, v4;
	v5 =	vadd.f32 v2, v5;
	v6 =	vadd.f32 v6, v3  }
0x1e3: {  	v12 =	vmul.f32 v13, v4;
	v13 =	vmul.f32 v15, v4;
	v15 =	vadd.f32 v8, v3  }
0x1e4: {  	v2 =	vld [tilespmem:s22+$0x1B080];
	v8 =	vadd.f32 v11, v3;
	v9 =	vadd.f32 v9, v3;
	v6 =	vmax.f32 v6, $0.0e+00  }
0x1e5: {  	v11 =	vadd.f32 v12, v3;
	v7 =	vadd.f32 v7, v3;
	v6 =	vmin.f32 v6, $1.500000000e+01  }
0x1e6: {  	v12 =	vadd.f32 v13, v3;
	v8 =	vmax.f32 v8, $0.0e+00;
	v6 =	vtrunc.f32 v6  }
0x1e7: {  	v10 =	vadd.f32 v10, v3;
	v8 =	vmin.f32 v8, $1.500000000e+01;
	v6 =	vcvt.f32.s32 v6  }
0x1e8: {  	v12 =	vmax.f32 v12, $0.0e+00;
	v11 =	vmax.f32 v11, $0.0e+00;
	v8 =	vtrunc.f32 v8  }
0x1e9: {  	v12 =	vmin.f32 v12, $1.500000000e+01;
	v8 =	vcvt.f32.s32 v8;
	v6 =	vperm.xlane v2, v6  }
0x1ea: {  	v10 =	vmax.f32 v10, $0.0e+00;
	v11 =	vmin.f32 v11, $1.500000000e+01;
	v12 =	vtrunc.f32 v12  }
0x1eb: {  	v12 =	vcvt.f32.s32 v12;
	v5 =	vadd.f32 v6, v5;
	v6 =	vperm.xlane v2, v8  }
0x1ec: {  	s5 =	simm.s32 $0x80;
	v7 =	vmax.f32 v7, $0.0e+00;
	v10 =	vmin.f32 v10, $1.500000000e+01;
	v11 =	vtrunc.f32 v11  }
0x1ed: {  	v11 =	vcvt.f32.s32 v11;
	v12 =	vperm.xlane v2, v12;
	v8 =	vld [tilespmem:s5+$0x70];
	v13 =	vadd.f32 v6, v5  }
0x1ee: {  	v63 =	vmax.f32 v9, $0.0e+00;
	v62 =	vmin.f32 v7, $1.500000000e+01;
	v7 =	vld [tilespmem:s5+$0x40];
	v14 =	vtrunc.f32 v10  }
0x1ef: {  	v10 =	vperm.xlane v2, v11;
	v6 =	vld [tilespmem:s5+$0x60];
	v9 =	vadd.f32 v12, v13;
	v12 =	vcvt.f32.s32 v14  }
0x1f0: {  	s4 =	simm.s32 $0x400;
	v11 =	vmax.f32 v15, $0.0e+00;
	v5 =	vld [tilespmem:s5+$0x50];
	v14 =	vtrunc.f32 v62;
	v13 =	vmin.f32 v63, $1.500000000e+01  }
.LBB2_14:
0x1f1: {  	p0 =	sne.s32 s4, $0x23E00;
	v15 =	vld [tilespmem:s5+$0x0];
	v9 =	vadd.f32 v10, v9;
	v10 =	vperm.xlane v2, v12;
	v12 =	vcvt.f32.s32 v14  }
0x1f2: {  	v13 =	vtrunc.f32 v13;
	v11 =	vmin.f32 v11, $1.500000000e+01;
	v14 =	vld [tilespmem:s5+$0x30];
	v8 =	vmul.f32 v8, v4  }
0x1f3: {  	v16 =	vld [tilespmem:s5+$0x10];
	v9 =	vadd.f32 v10, v9;
	v10 =	vperm.xlane v2, v12;
	v12 =	vcvt.f32.s32 v13  }
0x1f4: {  	v11 =	vtrunc.f32 v11;
	v6 =	vmul.f32 v6, v4;
	v13 =	vld [tilespmem:s5+$0x20]  }
0x1f5: {  	v11 =	vcvt.f32.s32 v11;
	v9 =	vadd.f32 v10, v9;
	v10 =	vperm.xlane v2, v12  }
0x1f6: {  	v5 =	vmul.f32 v5, v4;
	v12 =	vmul.f32 v15, v4  }
0x1f7: {  	v7 =	vmul.f32 v7, v4;
	v9 =	vadd.f32 v10, v9;
	v10 =	vperm.xlane v2, v11  }
0x1f8: {  	v14 =	vmul.f32 v14, v4;
	v11 =	vadd.f32 v12, v3;
	v12 =	vmul.f32 v16, v4  }
0x1f9: {  	v15 =	vadd.f32 v8, v3;
	v13 =	vmul.f32 v13, v4;
	v8 =	vadd.f32 v10, v9  }
0x1fa: {  	v9 =	vmax.f32 v11, $0.0e+00;
	v10 =	vadd.f32 v12, v3;
	v11 =	vadd.f32 v6, v3  }
0x1fb: {  	v5 =	vadd.f32 v5, v3;
	v6 =	vmin.f32 v9, $1.500000000e+01;
	v9 =	vadd.f32 v14, v3  }
0x1fc: {  	v12 =	vadd.f32 v13, v3;
	v6 =	vtrunc.f32 v6;
	v10 =	vmax.f32 v10, $0.0e+00  }
0x1fd: {  	v7 =	vadd.f32 v7, v3;
	v6 =	vcvt.f32.s32 v6;
	v10 =	vmin.f32 v10, $1.500000000e+01  }
0x1fe: {  	v12 =	vmax.f32 v12, $0.0e+00;
	v9 =	vmax.f32 v9, $0.0e+00;
	v10 =	vtrunc.f32 v10  }
0x1ff: {  	v12 =	vmin.f32 v12, $1.500000000e+01;
	v6 =	vperm.xlane v2, v6;
	v10 =	vcvt.f32.s32 v10  }
0x200: {  	v7 =	vmax.f32 v7, $0.0e+00;
	v9 =	vmin.f32 v9, $1.500000000e+01;
	v12 =	vtrunc.f32 v12  }
0x201: {  	v12 =	vcvt.f32.s32 v12;
	v6 =	vadd.f32 v6, v8;
	v10 =	vperm.xlane v2, v10  }
.Ltmp6:
0x202: {  	s5 =	sshra.s32 s4, $0x2;
	v5 =	vmax.f32 v5, $0.0e+00;
	v7 =	vmin.f32 v7, $1.500000000e+01;
	v9 =	vtrunc.f32 v9;
	(pc) =	sbr.rel @p0 .LBB2_14-.Ltmp6, $4  }
0x203: {  	v13 =	vcvt.f32.s32 v9;
	v12 =	vperm.xlane v2, v12;
	v8 =	vld [tilespmem:s5+$0x70];
	v10 =	vadd.f32 v10, v6  }
0x204: {  	v7 =	vtrunc.f32 v7;
	v14 =	vmin.f32 v5, $1.500000000e+01;
	v11 =	vmax.f32 v11, $0.0e+00;
	v6 =	vld [tilespmem:s5+$0x60]  }
0x205: {  	v5 =	vld [tilespmem:s5+$0x50];
	v9 =	vadd.f32 v12, v10;
	v10 =	vperm.xlane v2, v13;
	v12 =	vcvt.f32.s32 v7  }
0x206: {  	s4 =	sadd.s32 $0x200, s4;
	v14 =	vtrunc.f32 v14;
	v13 =	vmin.f32 v11, $1.500000000e+01;
	v11 =	vmax.f32 v15, $0.0e+00;
	v7 =	vld [tilespmem:s5+$0x40]  }
0x207: {  	v12 =	vperm.xlane v2, v12;
	v14 =	vcvt.f32.s32 v14  }
0x208: {  	v15 =	vld [tilespmem:s5+$0x0];
	v13 =	vtrunc.f32 v13;
	v11 =	vmin.f32 v11, $1.500000000e+01;
	v8 =	vmul.f32 v8, v4  }
0x209: {  	v9 =	vadd.f32 v10, v9;
	v10 =	vld [tilespmem:s5+$0x10];
	v13 =	vcvt.f32.s32 v13;
	v11 =	vtrunc.f32 v11  }
0x20a: {  	v16 =	vld [tilespmem:s5+$0x30];
	v14 =	vperm.xlane v2, v14;
	v6 =	vmul.f32 v6, v4  }
0x20b: {  	v17 =	vld [tilespmem:s5+$0x20];
	v9 =	vadd.f32 v12, v9;
	v11 =	vcvt.f32.s32 v11;
	v12 =	vperm.xlane v2, v13  }
0x20c: {  	v5 =	vmul.f32 v5, v4;
	v8 =	vadd.f32 v8, v3;
	v7 =	vmul.f32 v7, v4  }
0x20d: {  	v9 =	vadd.f32 v14, v9;
	v11 =	vperm.xlane v2, v11;
	v13 =	vmul.f32 v15, v4  }
0x20e: {  	_ =	swait.ge [sflag:s0], $0x9000;
	v6 =	vadd.f32 v6, v3;
	v10 =	vmul.f32 v10, v4;
	v5 =	vadd.f32 v5, v3  }
0x20f: {  	[sflag:s0] =	ssyncset.done $0x0;
	v9 =	vadd.f32 v12, v9;
	v12 =	vmul.f32 v16, v4;
	v13 =	vadd.f32 v13, v3  }
0x210: {  	s4 =	simm.s32 $0x0;
	[sflag:s0] =	ssyncadd.s32 $0xFFFF7000;
	v4 =	vmul.f32 v17, v4;
	v10 =	vadd.f32 v10, v3;
	v5 =	vmax.f32 v5, $0.0e+00  }
0x211: {  	[hbm4b:s20+s4] =	stream.linear.scatter [tilespmem:s29], [sflag:$0x5], $0x9000, $0x38;
	v9 =	vadd.f32 v11, v9;
	v12 =	vadd.f32 v12, v3;
	v13 =	vmax.f32 v13, $0.0e+00;
	[tilespmem:$0x1B180] =	vst v63  }
0x212: {  	v4 =	vadd.f32 v4, v3;
	v10 =	vmax.f32 v10, $0.0e+00;
	v11 =	vmin.f32 v13, $1.500000000e+01;
	v13 =	vld [tilespmem:s22+$0x1B000]  }
0x213: {  	v3 =	vadd.f32 v7, v3;
	v10 =	vmin.f32 v10, $1.500000000e+01;
	v11 =	vtrunc.f32 v11  }
0x214: {  	v4 =	vmax.f32 v4, $0.0e+00;
	v7 =	vtrunc.f32 v10;
	v11 =	vcvt.f32.s32 v11  }
0x215: {  	v3 =	vmax.f32 v3, $0.0e+00;
	v4 =	vmin.f32 v4, $1.500000000e+01;
	v7 =	vcvt.f32.s32 v7  }
0x216: {  	v10 =	vmax.f32 v12, $0.0e+00;
	v4 =	vtrunc.f32 v4;
	v11 =	vperm.xlane v2, v11  }
0x217: {  	v10 =	vmin.f32 v10, $1.500000000e+01;
	v12 =	vperm.xlane v13, v0;
	v13 =	vperm.xlane v13, v1  }
0x218: {  	v4 =	vcvt.f32.s32 v4;
	v7 =	vperm.xlane v2, v7;
	v9 =	vadd.f32 v11, v9  }
0x219: {  	v3 =	vmin.f32 v3, $1.500000000e+01;
	v10 =	vtrunc.f32 v10;
	v13 =	vsub.f32 v13, v12  }
0x21a: {  	v4 =	vperm.xlane v2, v4;
	v7 =	vadd.f32 v7, v9;
	v9 =	vcvt.f32.s32 v10  }
0x21b: {  	v5 =	vmin.f32 v5, $1.500000000e+01;
	v3 =	vtrunc.f32 v3;
	(erf) = vrcp.f32 v13  }
0x21c: {  	v3 =	vcvt.f32.s32 v3;
	v4 =	vadd.f32 v4, v7;
	v7 =	vperm.xlane v2, v9  }
0x21d: {  	s5 =	simm.s32 $0x0;
	v5 =	vtrunc.f32 v5  }
0x21e: {  	v14 =	vld [tilespmem:s5+$0x9010];
	v5 =	vcvt.f32.s32 v5;
	v3 =	vperm.xlane v2, v3;
	v4 =	vadd.f32 v7, v4  }
0x21f: {  	v6 =	vmax.f32 v6, $0.0e+00;
	v11 =	vld [tilespmem:s5+$0x9040]  }
0x220: {  	v6 =	vmin.f32 v6, $1.500000000e+01;
	v10 =	vld [tilespmem:s5+$0x9060];
	v3 =	vadd.f32 v3, v4;
	v4 =	vperm.xlane v2, v5  }
0x221: {  	v8 =	vmax.f32 v8, $0.0e+00;
	v6 =	vtrunc.f32 v6;
	v9 =	vld [tilespmem:s5+$0x9070]  }
0x222: {  	v8 =	vmin.f32 v8, $1.500000000e+01;
	v5 =	vcvt.f32.s32 v6;
	v6 =	vld [tilespmem:s5+$0x9000]  }
0x223: {  	v8 =	vtrunc.f32 v8;
	v7 =	vld [tilespmem:s5+$0x9050]  }
0x224: {  	v15 =	vld [tilespmem:s5+$0x9020];
	v8 =	vcvt.f32.s32 v8;
	v3 =	vadd.f32 v4, v3;
	v5 =	vperm.xlane v2, v5;
	v4 =	vpop (erf)  }
0x225: {  	v13 =	vld [tilespmem:s5+$0x9030];
	v12 =	vmul.f32 v4, v12  }
0x226: {  	v2 =	vperm.xlane v2, v8;
	v5 =	vadd.f32 v5, v3;
	v8 =	vmul.f32 v9, v4  }
0x227: {  	v6 =	vmul.f32 v6, v4;
	v9 =	vmul.f32 v10, v4;
	v3 =	vsub.f32 $5.000000000e-01, v12  }
0x228: {  	v7 =	vmul.f32 v7, v4;
	v10 =	vmul.f32 v11, v4  }
0x229: {  	v11 =	vmul.f32 v14, v4;
	v5 =	vadd.f32 v2, v5;
	v6 =	vadd.f32 v6, v3  }
0x22a: {  	v12 =	vmul.f32 v13, v4;
	v13 =	vmul.f32 v15, v4;
	v15 =	vadd.f32 v8, v3  }
0x22b: {  	v2 =	vld [tilespmem:s22+$0x1B080];
	v8 =	vadd.f32 v11, v3;
	v9 =	vadd.f32 v9, v3;
	v6 =	vmax.f32 v6, $0.0e+00  }
0x22c: {  	v11 =	vadd.f32 v12, v3;
	v7 =	vadd.f32 v7, v3;
	v6 =	vmin.f32 v6, $1.500000000e+01  }
0x22d: {  	v12 =	vadd.f32 v13, v3;
	v8 =	vmax.f32 v8, $0.0e+00;
	v6 =	vtrunc.f32 v6  }
0x22e: {  	v10 =	vadd.f32 v10, v3;
	v8 =	vmin.f32 v8, $1.500000000e+01;
	v6 =	vcvt.f32.s32 v6  }
0x22f: {  	v12 =	vmax.f32 v12, $0.0e+00;
	v11 =	vmax.f32 v11, $0.0e+00;
	v8 =	vtrunc.f32 v8  }
0x230: {  	v12 =	vmin.f32 v12, $1.500000000e+01;
	v8 =	vcvt.f32.s32 v8;
	v6 =	vperm.xlane v2, v6  }
0x231: {  	v10 =	vmax.f32 v10, $0.0e+00;
	v11 =	vmin.f32 v11, $1.500000000e+01;
	v12 =	vtrunc.f32 v12  }
0x232: {  	v12 =	vcvt.f32.s32 v12;
	v5 =	vadd.f32 v6, v5;
	v6 =	vperm.xlane v2, v8  }
0x233: {  	s5 =	simm.s32 $0x80;
	v7 =	vmax.f32 v7, $0.0e+00;
	v10 =	vmin.f32 v10, $1.500000000e+01;
	v11 =	vtrunc.f32 v11  }
0x234: {  	v11 =	vcvt.f32.s32 v11;
	v12 =	vperm.xlane v2, v12;
	v8 =	vld [tilespmem:s5+$0x9070];
	v13 =	vadd.f32 v6, v5  }
0x235: {  	v63 =	vmax.f32 v9, $0.0e+00;
	v62 =	vmin.f32 v7, $1.500000000e+01;
	v7 =	vld [tilespmem:s5+$0x9040];
	v14 =	vtrunc.f32 v10  }
0x236: {  	v10 =	vperm.xlane v2, v11;
	v11 =	vcvt.f32.s32 v14;
	v6 =	vld [tilespmem:s5+$0x9060];
	v9 =	vadd.f32 v12, v13  }
0x237: {  	s4 =	simm.s32 $0x400;
	v14 =	vtrunc.f32 v62;
	v5 =	vld [tilespmem:s5+$0x9050];
	v12 =	vmin.f32 v63, $1.500000000e+01;
	v13 =	vmax.f32 v15, $0.0e+00  }
.LBB2_16:
0x238: {  	p0 =	sne.s32 s4, $0x23E00;
	v15 =	vld [tilespmem:s5+$0x9000];
	v9 =	vadd.f32 v10, v9;
	v10 =	vperm.xlane v2, v11;
	v11 =	vcvt.f32.s32 v14  }
0x239: {  	v12 =	vtrunc.f32 v12;
	v13 =	vmin.f32 v13, $1.500000000e+01;
	v14 =	vld [tilespmem:s5+$0x9030];
	v8 =	vmul.f32 v8, v4  }
0x23a: {  	v16 =	vld [tilespmem:s5+$0x9010];
	v9 =	vadd.f32 v10, v9;
	v10 =	vperm.xlane v2, v11;
	v11 =	vcvt.f32.s32 v12  }
0x23b: {  	v13 =	vtrunc.f32 v13;
	v6 =	vmul.f32 v6, v4;
	v12 =	vld [tilespmem:s5+$0x9020]  }
0x23c: {  	v9 =	vadd.f32 v10, v9;
	v10 =	vperm.xlane v2, v11;
	v11 =	vcvt.f32.s32 v13  }
0x23d: {  	v5 =	vmul.f32 v5, v4;
	v13 =	vmul.f32 v15, v4  }
0x23e: {  	v7 =	vmul.f32 v7, v4;
	v9 =	vadd.f32 v10, v9;
	v10 =	vperm.xlane v2, v11  }
0x23f: {  	v14 =	vmul.f32 v14, v4;
	v11 =	vadd.f32 v13, v3;
	v13 =	vmul.f32 v16, v4  }
0x240: {  	v15 =	vadd.f32 v8, v3;
	v12 =	vmul.f32 v12, v4;
	v8 =	vadd.f32 v10, v9  }
0x241: {  	v9 =	vmax.f32 v11, $0.0e+00;
	v10 =	vadd.f32 v13, v3;
	v11 =	vadd.f32 v6, v3  }
0x242: {  	v5 =	vadd.f32 v5, v3;
	v6 =	vmin.f32 v9, $1.500000000e+01;
	v9 =	vadd.f32 v14, v3  }
0x243: {  	v12 =	vadd.f32 v12, v3;
	v6 =	vtrunc.f32 v6;
	v10 =	vmax.f32 v10, $0.0e+00  }
0x244: {  	v7 =	vadd.f32 v7, v3;
	v6 =	vcvt.f32.s32 v6;
	v10 =	vmin.f32 v10, $1.500000000e+01  }
0x245: {  	v12 =	vmax.f32 v12, $0.0e+00;
	v9 =	vmax.f32 v9, $0.0e+00;
	v10 =	vtrunc.f32 v10  }
0x246: {  	v12 =	vmin.f32 v12, $1.500000000e+01;
	v6 =	vperm.xlane v2, v6;
	v10 =	vcvt.f32.s32 v10  }
0x247: {  	v7 =	vmax.f32 v7, $0.0e+00;
	v9 =	vmin.f32 v9, $1.500000000e+01;
	v12 =	vtrunc.f32 v12  }
0x248: {  	v12 =	vcvt.f32.s32 v12;
	v6 =	vadd.f32 v6, v8;
	v10 =	vperm.xlane v2, v10  }
.Ltmp7:
0x249: {  	s5 =	sshra.s32 s4, $0x2;
	v5 =	vmax.f32 v5, $0.0e+00;
	v7 =	vmin.f32 v7, $1.500000000e+01;
	v9 =	vtrunc.f32 v9;
	(pc) =	sbr.rel @p0 .LBB2_16-.Ltmp7, $4  }
0x24a: {  	v13 =	vcvt.f32.s32 v9;
	v12 =	vperm.xlane v2, v12;
	v8 =	vld [tilespmem:s5+$0x9070];
	v10 =	vadd.f32 v10, v6  }
0x24b: {  	v7 =	vtrunc.f32 v7;
	v14 =	vmin.f32 v5, $1.500000000e+01;
	v16 =	vmax.f32 v11, $0.0e+00;
	v6 =	vld [tilespmem:s5+$0x9060]  }
0x24c: {  	v11 =	vcvt.f32.s32 v7;
	v5 =	vld [tilespmem:s5+$0x9050];
	v9 =	vadd.f32 v12, v10;
	v10 =	vperm.xlane v2, v13  }
0x24d: {  	s4 =	sadd.s32 $0x200, s4;
	v14 =	vtrunc.f32 v14;
	v12 =	vmin.f32 v16, $1.500000000e+01;
	v13 =	vmax.f32 v15, $0.0e+00;
	v7 =	vld [tilespmem:s5+$0x9040]  }
0x24e: {  	v15 =	vld [tilespmem:s5+$0x9000];
	v37 =	vperm.xlane v2, v11;
	v38 =	vcvt.f32.s32 v14  }
0x24f: {  	v39 =	vld [tilespmem:s5+$0x9030];
	v12 =	vtrunc.f32 v12;
	v13 =	vmin.f32 v13, $1.500000000e+01;
	v8 =	vmul.f32 v8, v4  }
0x250: {  	v9 =	vadd.f32 v10, v9;
	v16 =	vld [tilespmem:s5+$0x9010];
	v41 =	vcvt.f32.s32 v12;
	v13 =	vtrunc.f32 v13  }
0x251: {  	v42 =	vld [tilespmem:s5+$0x9020];
	v40 =	vperm.xlane v2, v38;
	v6 =	vmul.f32 v6, v4  }
0x252: {  	v9 =	vadd.f32 v37, v9;
	v44 =	vcvt.f32.s32 v13;
	v43 =	vperm.xlane v2, v41  }
0x253: {  	v5 =	vmul.f32 v5, v4;
	v8 =	vadd.f32 v8, v3;
	v45 =	vmul.f32 v15, v4  }
0x254: {  	v9 =	vadd.f32 v40, v9;
	v7 =	vmul.f32 v7, v4;
	v46 =	vperm.xlane v2, v44  }
0x255: {  	v6 =	vadd.f32 v6, v3;
	v48 =	vmul.f32 v16, v4;
	v47 =	vadd.f32 v45, v3  }
0x256: {  	v14 =	vmul.f32 v39, v4;
	v49 =	vmul.f32 v42, v4;
	v5 =	vadd.f32 v5, v3  }
0x257: {  	v9 =	vadd.f32 v43, v9;
	v51 =	vadd.f32 v48, v3;
	v50 =	vmax.f32 v47, $0.0e+00  }
0x258: {  	v52 =	vadd.f32 v14, v3;
	v4 =	vadd.f32 v49, v3;
	v10 =	vmin.f32 v50, $1.500000000e+01  }
0x259: {  	v3 =	vadd.f32 v7, v3;
	v11 =	vmax.f32 v51, $0.0e+00;
	v10 =	vtrunc.f32 v10  }
0x25a: {  	v9 =	vadd.f32 v46, v9;
	v11 =	vmin.f32 v11, $1.500000000e+01;
	v10 =	vcvt.f32.s32 v10  }
0x25b: {  	v4 =	vmax.f32 v4, $0.0e+00;
	v54 =	vmax.f32 v52, $0.0e+00;
	v53 =	vtrunc.f32 v11  }
0x25c: {  	v4 =	vmin.f32 v4, $1.500000000e+01;
	v7 =	vcvt.f32.s32 v53;
	v10 =	vperm.xlane v2, v10  }
0x25d: {  	v3 =	vmax.f32 v3, $0.0e+00;
	v4 =	vtrunc.f32 v4;
	v11 =	vmin.f32 v54, $1.500000000e+01  }
0x25e: {  	v4 =	vcvt.f32.s32 v4;
	v7 =	vperm.xlane v2, v7;
	v9 =	vadd.f32 v10, v9  }
0x25f: {  	v5 =	vmax.f32 v5, $0.0e+00;
	v3 =	vmin.f32 v3, $1.500000000e+01;
	v55 =	vtrunc.f32 v11  }
0x260: {  	v56 =	vcvt.f32.s32 v55;
	v4 =	vperm.xlane v2, v4;
	v7 =	vadd.f32 v7, v9  }
0x261: {  	v6 =	vmax.f32 v6, $0.0e+00;
	v5 =	vmin.f32 v5, $1.500000000e+01;
	v3 =	vtrunc.f32 v3  }
0x262: {  	v3 =	vcvt.f32.s32 v3;
	v57 =	vperm.xlane v2, v56;
	v4 =	vadd.f32 v4, v7  }
0x263: {  	v8 =	vmax.f32 v8, $0.0e+00;
	v6 =	vmin.f32 v6, $1.500000000e+01;
	v5 =	vtrunc.f32 v5  }
0x264: {  	v5 =	vcvt.f32.s32 v5;
	v3 =	vperm.xlane v2, v3;
	v4 =	vadd.f32 v57, v4  }
0x265: {  	v58 =	vmin.f32 v8, $1.500000000e+01;
	v6 =	vtrunc.f32 v6  }
0x266: {  	v60 =	vcvt.f32.s32 v6;
	v59 =	vperm.xlane v2, v5;
	v3 =	vadd.f32 v3, v4  }
0x267: {  	v61 =	vtrunc.f32 v58  }
0x268: {  	v63 =	vcvt.f32.s32 v61;
	v62 =	vperm.xlane v2, v60;
	v3 =	vadd.f32 v59, v3;
	_ =	sdelay $0x1  }
0x269: {  	v2 =	vperm.xlane v2, v63;
	v3 =	vadd.f32 v62, v3;
	_ =	sdelay $0x1  }
0x26a: {  	v2 =	vadd.f32 v2, v3;
	_ =	sdelay $0x1  }
0x26b: {  	s4 =	simm.s32 $0x1B100;
	[tilespmem:$0x1B100] =	vst v2  }
0x26c: {  	[hbm4b:s23+s3] =	stream.linear.scatter [tilespmem:s4], [sflag:$0x7], $0x10, $0x38;
	[tilespmem:$0x1B180] =	vst v63  }
0x26d: {  	_ =	swait.ge [sflag:s26], $0x10  }
0x26e: {  	[sflag:s26] =	ssyncset.done $0x0  }
0x26f: {  	[sflag:s26] =	ssyncadd.s32 $0xFFFFFFF0  }
0x270: {  	_ =	swait.ge [sflag:s25], $0x9000  }
0x271: {  	[sflag:s25] =	ssyncset.done $0x0  }
0x272: {  	s28 =	sadd.s32 $0x1, s28;
	[sflag:s25] =	ssyncadd.s32 $0xFFFF7000  }
0x273: {  	p0 =	sne.s32 s28, s24;
	_ =	swait.ge [sflag:s14], $0x9000  }
.Ltmp8:
0x274: {  	[sflag:s14] =	ssyncset.done $0x0;
	(pc) =	sbr.rel @p0 .LBB2_1-.Ltmp8, $4  }
0x275: {  	[sflag:s14] =	ssyncadd.s32 $0xFFFF7000  }
0x276: {  	_ =	swait.ge [sflag:s1], $0x9000  }
0x277: {  	[sflag:s1] =	ssyncset.done $0x0  }
0x278: {  	[sflag:s1] =	ssyncadd.s32 $0xFFFF7000  }
0x279: {  	_ =	sfence.sel $0x180000  }
0x27a: {  	[bflag:$0x0] =	sbarrier.arrive $0xFFFF  }
0x27b: {  	_ =	strace $0x90000047  }
0x27c: {  	s0 =	stileid.u32;
	[bflag:$0x2] =	sbarrier.arrive $0xFFFF  }
0x27d: {  	p0 =	sne.s32 s0, $0x0;
	s0 =	rddreg [dreg:$0x5]  }
0x27e: {  	s0 =	sadd.s32 @!p0 $0x100000, s0  }
0x27f: {  	[sflag:s0] =	ssyncadd.tile.s32 @!p0 $0x1;
	_ =	shalt  }
.Lfunc_end2:
_tile_overlayer_lowered:
.L_overlay_start_2:
0x280: {  	(tag) =	ssettag $0x2  }
0x281: {  	s0 =	rddreg [dreg:$0x0];
	s2 =	stileid.u32  }
0x282: {  	s1 =	rddreg [dreg:$0x1];
	p0 =	sne.s32 s2, $0x0  }
0x283: {  	s3 =	rddreg [dreg:$0x2];
	[bflag:$0x3] =	sbarrier.arrive $0xFFFF;
	s2 =	simm.s32 @!p0 $0x1C07  }
0x284: {  	[timem:s3], [sflag:s2] =	dma.local @!p0 [hbm:s0], s1  }
0x285: {  	s0 =	simm.s32 @!p0 $0x7  }
0x286: {  	_ =	swait.ge @!p0 [sflag:s0], s1  }
0x287: {  	s1 =	ssub.s32 @!p0 $0x0, s1;
	[sflag:s0] =	ssyncset.done @!p0 $0x0  }
0x288: {  	[sflag:s0] =	ssyncadd.s32 @!p0 s1  }
0x289: {  	[bflag:$0x3] =	sbarrier.arrive $0xFFFF  }
0x28a: {  	_ =	shalt  }

</sc_bundles>
